<compile_context>
chip_gen: v7x
topology: tpu7x:2x2x1
jax: 0.10.2.dev20260603
libtpu: 0.0.44.dev20260713+nightly
codegen_flags: <defaults>
</compile_context>

<pallas_src>
import functools

import jax
import jax.numpy as jnp
from jax import lax
from jax.experimental import pallas as pl
from jax.experimental.pallas import tpu as pltpu
from jax.experimental.pallas import tpu_sc as plsc

EMBED_DIM = 32
BATCH = 16384
NROWS = 1000000
PIECE = 249984
SWEEP_LIMIT = 4 * PIECE
TAIL = NROWS - SWEEP_LIMIT
WIDE = 128
BN = 11904
NSTEPS = PIECE // BN
NUM_CORES = 2
NUM_SUBCORES = 16
NUM_WORKERS = NUM_CORES * NUM_SUBCORES
B_PER_W = BATCH // NUM_WORKERS
CHUNK = 128
N_CHUNKS = B_PER_W // CHUNK
LANE = 16


def _relayout_body(x0_ref, x1_ref, x2_ref, x3_ref, o_ref):
    xcat = jnp.concatenate(
        [x0_ref[...], x1_ref[...], x2_ref[...], x3_ref[...]], axis=0)
    o_ref[...] = xcat.T


def _tc_relayout(t32):
    def make_map(o):
        return lambda i: (0, NSTEPS * o + i)

    return pl.pallas_call(
        _relayout_body,
        grid=(NSTEPS,),
        in_specs=[pl.BlockSpec((32, BN), make_map(o)) for o in range(4)],
        out_specs=pl.BlockSpec((BN, WIDE), lambda i: (i, 0)),
        out_shape=jax.ShapeDtypeStruct((PIECE, WIDE), jnp.float32),
    )(t32, t32, t32, t32)


def _gather_body(idx_hbm, tab_hbm, out_hbm, idx_v, grp_v, rows_v, sem):
    wid = lax.axis_index("s") * NUM_CORES + lax.axis_index("c")
    base = wid * B_PER_W
    pltpu.sync_copy(idx_hbm.at[pl.ds(base, B_PER_W)], idx_v)
    for v in range(B_PER_W // LANE):
        s = v * LANE
        g = idx_v[pl.ds(s, LANE)]
        for _ in range(4):
            g = jnp.where(g >= PIECE, g - PIECE, g)
        grp_v[pl.ds(s, LANE)] = g
    for j in range(N_CHUNKS):
        s = j * CHUNK
        pltpu.async_copy(tab_hbm.at[grp_v.at[pl.ds(s, CHUNK)]],
                         rows_v.at[pl.ds(s, CHUNK)], sem)
    for j in range(N_CHUNKS):
        s = j * CHUNK
        pltpu.make_async_copy(tab_hbm.at[grp_v.at[pl.ds(s, CHUNK)]],
                              rows_v.at[pl.ds(s, CHUNK)], sem).wait()
    pltpu.sync_copy(rows_v, out_hbm.at[pl.ds(base, B_PER_W)])


def _sc_gather(ids, tab128):
    mesh = plsc.VectorSubcoreMesh(core_axis_name="c", subcore_axis_name="s")
    fn = functools.partial(
        pl.kernel,
        mesh=mesh,
        compiler_params=pltpu.CompilerParams(use_tc_tiling_on_sc=True),
        out_type=jax.ShapeDtypeStruct((BATCH, WIDE), jnp.float32),
        scratch_types=[
            pltpu.VMEM((B_PER_W,), jnp.int32),
            pltpu.VMEM((B_PER_W,), jnp.int32),
            pltpu.VMEM((B_PER_W, WIDE), jnp.float32),
            pltpu.SemaphoreType.DMA,
        ],
    )(_gather_body)
    return fn(ids, tab128)


def _mlp_body(u_ref, m_ref, uid_ref, mid_ref, utail_ref, mtail_ref,
              w1a_ref, w1b_ref, b1_ref, w2_ref, b2_ref, w3_ref, b3_ref,
              out_ref):
    def extract(rows, ids, tail):
        ids2 = ids.reshape(-1, 1)
        x = jnp.where(ids2 < PIECE, rows[:, 0:32], 0.0)
        x = x + jnp.where((ids2 >= PIECE) & (ids2 < 2 * PIECE),
                          rows[:, 32:64], 0.0)
        x = x + jnp.where((ids2 >= 2 * PIECE) & (ids2 < 3 * PIECE),
                          rows[:, 64:96], 0.0)
        x = x + jnp.where((ids2 >= 3 * PIECE) & (ids2 < SWEEP_LIMIT),
                          rows[:, 96:128], 0.0)
        onehot = (lax.broadcasted_iota(jnp.int32, (ids.shape[0], TAIL), 1)
                  == ids2 - SWEEP_LIMIT)
        tfix = jnp.dot(onehot.astype(jnp.float32), tail,
                       preferred_element_type=jnp.float32)
        return jnp.where(ids2 >= SWEEP_LIMIT, tfix, x)

    u = extract(u_ref[...], uid_ref[...], utail_ref[...])
    m = extract(m_ref[...], mid_ref[...], mtail_ref[...])
    h = jnp.dot(u, w1a_ref[...], preferred_element_type=jnp.float32)
    h = h + jnp.dot(m, w1b_ref[...], preferred_element_type=jnp.float32)
    h = jnp.maximum(h + b1_ref[...], 0.0)
    h2 = jnp.dot(h, w2_ref[...], preferred_element_type=jnp.float32)
    h2 = jnp.maximum(h2 + b2_ref[...], 0.0)
    out_ref[...] = jnp.sum(h2 * w3_ref[...], axis=1) + b3_ref[0, 0]


def _tc_mlp(u, m, uids, mids, utail, mtail, W1, b1, W2, b2, W3, b3, bm=2048):
    w1a = W1[:EMBED_DIM]
    w1b = W1[EMBED_DIM:]
    b1r = b1.reshape(1, -1)
    b2r = b2.reshape(1, -1)
    w3r = W3.reshape(1, -1)
    b3r = b3.reshape(1, 1)
    grid = (BATCH // bm,)
    return pl.pallas_call(
        _mlp_body,
        grid=grid,
        in_specs=[
            pl.BlockSpec((bm, WIDE), lambda i: (i, 0)),
            pl.BlockSpec((bm, WIDE), lambda i: (i, 0)),
            pl.BlockSpec((bm,), lambda i: (i,)),
            pl.BlockSpec((bm,), lambda i: (i,)),
            pl.BlockSpec(utail.shape, lambda i: (0, 0)),
            pl.BlockSpec(mtail.shape, lambda i: (0, 0)),
            pl.BlockSpec(w1a.shape, lambda i: (0, 0)),
            pl.BlockSpec(w1b.shape, lambda i: (0, 0)),
            pl.BlockSpec(b1r.shape, lambda i: (0, 0)),
            pl.BlockSpec(W2.shape, lambda i: (0, 0)),
            pl.BlockSpec(b2r.shape, lambda i: (0, 0)),
            pl.BlockSpec(w3r.shape, lambda i: (0, 0)),
            pl.BlockSpec(b3r.shape, lambda i: (0, 0)),
        ],
        out_specs=pl.BlockSpec((bm,), lambda i: (i,)),
        out_shape=jax.ShapeDtypeStruct((BATCH,), jnp.float32),
    )(u, m, uids, mids, utail, mtail, w1a, w1b, b1r, W2, b2r, w3r, b3r)


def kernel(user_ids, movie_ids, user_table, movie_table, W1, b1, W2, b2, W3,
           b3):
    uids = user_ids.astype(jnp.int32)
    mids = movie_ids.astype(jnp.int32)
    utab128 = _tc_relayout(user_table.T)
    u = _sc_gather(uids, utab128)
    mtab128 = _tc_relayout(movie_table.T)
    m = _sc_gather(mids, mtab128)
    utail = user_table[SWEEP_LIMIT:]
    mtail = movie_table[SWEEP_LIMIT:]
    return _tc_mlp(u, m, uids, mids, utail, mtail, W1, b1, W2, b2, W3, b3)

# --- scband reference (transcript-rebuilt; emitter-appended) ---
"""Pipeline reference for scband-explicit-feedback-model-49589692399796 (READ-ONLY COPY).

The authoritative reference and input builder live on the scoring server;
editing this copy changes nothing except your own understanding.
"""

import jax, jax.numpy as jnp
import numpy as np

NUM_USERS = 1000000
NUM_MOVIES = 1000000
EMBED_DIM = 32
BATCH = 16384


def setup_inputs(seed: int = 0) -> dict:
    key = jax.random.key(seed)
    ks = jax.random.split(key, 12)
    user_ids = jax.random.randint(ks[0], (BATCH,), 0, NUM_USERS, dtype=jnp.int64 if jax.config.read('jax_enable_x64') else jnp.int32)
    movie_ids = jax.random.randint(ks[1], (BATCH,), 0, NUM_MOVIES, dtype=jnp.int64 if jax.config.read('jax_enable_x64') else jnp.int32)
    user_table = jax.random.normal(ks[2], (NUM_USERS, EMBED_DIM), dtype=jnp.float32)
    movie_table = jax.random.normal(ks[3], (NUM_MOVIES, EMBED_DIM), dtype=jnp.float32)
    # fc1: Linear(64 -> 64), fc2: Linear(64 -> 32), fc3: Linear(32 -> 1)
    W1 = jax.random.normal(ks[4], (EMBED_DIM * 2, 64), dtype=jnp.float32) * (1.0 / np.sqrt(EMBED_DIM * 2))
    b1 = jax.random.normal(ks[5], (64,), dtype=jnp.float32) * 0.01
    W2 = jax.random.normal(ks[6], (64, 32), dtype=jnp.float32) * (1.0 / np.sqrt(64))
    b2 = jax.random.normal(ks[7], (32,), dtype=jnp.float32) * 0.01
    W3 = jax.random.normal(ks[8], (32, 1), dtype=jnp.float32) * (1.0 / np.sqrt(32))
    b3 = jax.random.normal(ks[9], (1,), dtype=jnp.float32) * 0.01
    return {
        'user_ids': user_ids,
        'movie_ids': movie_ids,
        'user_table': user_table,
        'movie_table': movie_table,
        'W1': W1, 'b1': b1,
        'W2': W2, 'b2': b2,
        'W3': W3, 'b3': b3,
    }


def reference(user_ids, movie_ids, user_table, movie_table, W1, b1, W2, b2, W3, b3):
    user_embeds = jnp.take(user_table, user_ids, axis=0)
    movie_embeds = jnp.take(movie_table, movie_ids, axis=0)
    combined = jnp.concatenate([user_embeds, movie_embeds], axis=1)
    x = jax.nn.relu(combined @ W1 + b1)
    x = jax.nn.relu(x @ W2 + b2)
    out = x @ W3 + b3
    return jnp.squeeze(out, axis=-1)

if __name__ == "__main__":
    import jax
    _d = setup_inputs()
    print(jax.jit(kernel)(*tuple(_d.values())))

</pallas_src>

<mosaic_0001>
#map = affine_map<(d0, d1) -> (0)>
#map1 = affine_map<(d0, d1) -> (0, 0)>
module attributes {stable_mosaic.version = 14 : i64} {
  func.func @_gather_body(%arg0: i32, %arg1: i32, %arg2: memref<16384xi32, #tpu.memory_space<hbm>>, %arg3: memref<249984x128xf32, #tpu.memory_space<hbm>>, %arg4: memref<16384x128xf32, #tpu.memory_space<hbm>>, %arg5: memref<512xi32, #tpu.memory_space<vmem>>, %arg6: memref<512xi32, #tpu.memory_space<vmem>>, %arg7: memref<512x128xf32, #tpu.memory_space<vmem>>, %arg8: memref<!tpu.dma_semaphore, #tpu.memory_space<semaphore_mem>>) attributes {dimension_semantics = [#tpu.dimension_semantics<core_parallel>, #tpu.dimension_semantics<subcore_parallel>], iteration_bounds = array<i64: 2, 16>, scalar_prefetch = 0 : i64, scratch_operands = 4 : i64, tpu.core_type = #tpu.core_type<sc_vector_subcore>, window_params = [{transform_indices = #map}, {transform_indices = #map1}, {transform_indices = #map1}]} {
    %mul3A = arith.constant 2 : i32
    %mul3A_0 = arith.muli %arg1, %mul3A : i32
    %add3A = arith.addi %mul3A_0, %arg0 : i32
    %mul3A_1 = arith.constant 512 : i32
    %mul3A_2 = arith.muli %add3A, %mul3A_1 : i32
    "tpu.region"() ({
      %run_scoped3A = tpu.sem_alloc : memref<!tpu.dma_semaphore, #tpu.memory_space<semaphore_mem>>
      %dma_start3A_1180 = tpu.memref_slice %arg2[%mul3A_2] : memref<16384xi32, #tpu.memory_space<hbm>> -> memref<512xi32, #tpu.memory_space<hbm>>
      %dma_start3A_1181 = tpu.memref_slice %arg2[%mul3A_2] : memref<16384xi32, #tpu.memory_space<hbm>> -> memref<512xi32, #tpu.memory_space<hbm>>
      tpu.enqueue_dma source(%dma_start3A_1181 : memref<512xi32, #tpu.memory_space<hbm>>) target(%arg5 : memref<512xi32, #tpu.memory_space<vmem>>) target_semaphore(%run_scoped3A : memref<!tpu.dma_semaphore, #tpu.memory_space<semaphore_mem>>)
      %dma_wait3A_1182 = tpu.memref_slice %arg2[%mul3A_2] : memref<16384xi32, #tpu.memory_space<hbm>> -> memref<512xi32, #tpu.memory_space<hbm>>
      %dma_wait3A_1183 = tpu.memref_slice %arg2[%mul3A_2] : memref<16384xi32, #tpu.memory_space<hbm>> -> memref<512xi32, #tpu.memory_space<hbm>>
      tpu.wait_dma2 semaphore(%run_scoped3A : memref<!tpu.dma_semaphore, #tpu.memory_space<semaphore_mem>>) src(%dma_wait3A_1183 : memref<512xi32, #tpu.memory_space<hbm>>) dst(%arg5 : memref<512xi32, #tpu.memory_space<vmem>>)
      tpu.yield
    }) : () -> ()
    %get3A = arith.constant 0 : index
    %get3A_3 = tpu.vector_load %arg5[%get3A] {strides = array<i32>} : memref<512xi32, #tpu.memory_space<vmem>>, vector<16xi32>,
    %get3A_4 = vector.shape_cast %get3A_3 : vector<16xi32> to vector<16xi32>
    %ge3A = arith.constant 249984 : i32
    %ge3A_5 = vector.broadcast %ge3A : i32 to vector<16xi32>
    %ge3A_6 = arith.cmpi sge, %get3A_4, %ge3A_5 : vector<16xi32>
    %sub3A = arith.constant 249984 : i32
    %sub3A_7 = vector.broadcast %sub3A : i32 to vector<16xi32>
    %sub3A_8 = arith.subi %get3A_4, %sub3A_7 : vector<16xi32>
    %select_n3A = arith.select %ge3A_6, %sub3A_8, %get3A_4 : vector<16xi1>, vector<16xi32>
    %ge3A_9 = arith.constant 249984 : i32
    %ge3A_10 = vector.broadcast %ge3A_9 : i32 to vector<16xi32>
    %ge3A_11 = arith.cmpi sge, %select_n3A, %ge3A_10 : vector<16xi32>
    %sub3A_12 = arith.constant 249984 : i32
    %sub3A_13 = vector.broadcast %sub3A_12 : i32 to vector<16xi32>
    %sub3A_14 = arith.subi %select_n3A, %sub3A_13 : vector<16xi32>
    %select_n3A_15 = arith.select %ge3A_11, %sub3A_14, %select_n3A : vector<16xi1>, vector<16xi32>
    %ge3A_16 = arith.constant 249984 : i32
    %ge3A_17 = vector.broadcast %ge3A_16 : i32 to vector<16xi32>
    %ge3A_18 = arith.cmpi sge, %select_n3A_15, %ge3A_17 : vector<16xi32>
    %sub3A_19 = arith.constant 249984 : i32
    %sub3A_20 = vector.broadcast %sub3A_19 : i32 to vector<16xi32>
    %sub3A_21 = arith.subi %select_n3A_15, %sub3A_20 : vector<16xi32>
    %select_n3A_22 = arith.select %ge3A_18, %sub3A_21, %select_n3A_15 : vector<16xi1>, vector<16xi32>
    %ge3A_23 = arith.constant 249984 : i32
    %ge3A_24 = vector.broadcast %ge3A_23 : i32 to vector<16xi32>
    %ge3A_25 = arith.cmpi sge, %select_n3A_22, %ge3A_24 : vector<16xi32>
    %sub3A_26 = arith.constant 249984 : i32
    %sub3A_27 = vector.broadcast %sub3A_26 : i32 to vector<16xi32>
    %sub3A_28 = arith.subi %select_n3A_22, %sub3A_27 : vector<16xi32>
    %select_n3A_29 = arith.select %ge3A_25, %sub3A_28, %select_n3A_22 : vector<16xi1>, vector<16xi32>
    %swap3A = arith.constant 0 : index
    %swap3A_30 = tpu.vector_load %arg6[%swap3A] {strides = array<i32>} : memref<512xi32, #tpu.memory_space<vmem>>, vector<16xi32>,
    %swap3A_31 = vector.shape_cast %swap3A_30 : vector<16xi32> to vector<16xi32>
    %swap3A_32 = vector.shape_cast %select_n3A_29 : vector<16xi32> to vector<16xi32>
    tpu.vector_store %arg6[%swap3A], %swap3A_32 {strides = array<i32>} : memref<512xi32, #tpu.memory_space<vmem>>, vector<16xi32>,
    %get3A_33 = arith.constant 16 : index
    %get3A_34 = tpu.vector_load %arg5[%get3A_33] {strides = array<i32>} : memref<512xi32, #tpu.memory_space<vmem>>, vector<16xi32>,
    %get3A_35 = vector.shape_cast %get3A_34 : vector<16xi32> to vector<16xi32>
    %ge3A_36 = arith.constant 249984 : i32
    %ge3A_37 = vector.broadcast %ge3A_36 : i32 to vector<16xi32>
    %ge3A_38 = arith.cmpi sge, %get3A_35, %ge3A_37 : vector<16xi32>
    %sub3A_39 = arith.constant 249984 : i32
    %sub3A_40 = vector.broadcast %sub3A_39 : i32 to vector<16xi32>
    %sub3A_41 = arith.subi %get3A_35, %sub3A_40 : vector<16xi32>
    %select_n3A_42 = arith.select %ge3A_38, %sub3A_41, %get3A_35 : vector<16xi1>, vector<16xi32>
    %ge3A_43 = arith.constant 249984 : i32
    %ge3A_44 = vector.broadcast %ge3A_43 : i32 to vector<16xi32>
    %ge3A_45 = arith.cmpi sge, %select_n3A_42, %ge3A_44 : vector<16xi32>
    %sub3A_46 = arith.constant 249984 : i32
    %sub3A_47 = vector.broadcast %sub3A_46 : i32 to vector<16xi32>
    %sub3A_48 = arith.subi %select_n3A_42, %sub3A_47 : vector<16xi32>
    %select_n3A_49 = arith.select %ge3A_45, %sub3A_48, %select_n3A_42 : vector<16xi1>, vector<16xi32>
    %ge3A_50 = arith.constant 249984 : i32
    %ge3A_51 = vector.broadcast %ge3A_50 : i32 to vector<16xi32>
    %ge3A_52 = arith.cmpi sge, %select_n3A_49, %ge3A_51 : vector<16xi32>
    %sub3A_53 = arith.constant 249984 : i32
    %sub3A_54 = vector.broadcast %sub3A_53 : i32 to vector<16xi32>
    %sub3A_55 = arith.subi %select_n3A_49, %sub3A_54 : vector<16xi32>
    %select_n3A_56 = arith.select %ge3A_52, %sub3A_55, %select_n3A_49 : vector<16xi1>, vector<16xi32>
    %ge3A_57 = arith.constant 249984 : i32
    %ge3A_58 = vector.broadcast %ge3A_57 : i32 to vector<16xi32>
    %ge3A_59 = arith.cmpi sge, %select_n3A_56, %ge3A_58 : vector<16xi32>
    %sub3A_60 = arith.constant 249984 : i32
    %sub3A_61 = vector.broadcast %sub3A_60 : i32 to vector<16xi32>
    %sub3A_62 = arith.subi %select_n3A_56, %sub3A_61 : vector<16xi32>
    %select_n3A_63 = arith.select %ge3A_59, %sub3A_62, %select_n3A_56 : vector<16xi1>, vector<16xi32>
    %swap3A_64 = arith.constant 16 : index
    %swap3A_65 = tpu.vector_load %arg6[%swap3A_64] {strides = array<i32>} : memref<512xi32, #tpu.memory_space<vmem>>, vector<16xi32>,
    %swap3A_66 = vector.shape_cast %swap3A_65 : vector<16xi32> to vector<16xi32>
    %swap3A_67 = vector.shape_cast %select_n3A_63 : vector<16xi32> to vector<16xi32>
    tpu.vector_store %arg6[%swap3A_64], %swap3A_67 {strides = array<i32>} : memref<512xi32, #tpu.memory_space<vmem>>, vector<16xi32>,
    %get3A_68 = arith.constant 32 : index
    %get3A_69 = tpu.vector_load %arg5[%get3A_68] {strides = array<i32>} : memref<512xi32, #tpu.memory_space<vmem>>, vector<16xi32>,
    %get3A_70 = vector.shape_cast %get3A_69 : vector<16xi32> to vector<16xi32>
    %ge3A_71 = arith.constant 249984 : i32
    %ge3A_72 = vector.broadcast %ge3A_71 : i32 to vector<16xi32>
    %ge3A_73 = arith.cmpi sge, %get3A_70, %ge3A_72 : vector<16xi32>
    %sub3A_74 = arith.constant 249984 : i32
    %sub3A_75 = vector.broadcast %sub3A_74 : i32 to vector<16xi32>
    %sub3A_76 = arith.subi %get3A_70, %sub3A_75 : vector<16xi32>
    %select_n3A_77 = arith.select %ge3A_73, %sub3A_76, %get3A_70 : vector<16xi1>, vector<16xi32>
    %ge3A_78 = arith.constant 249984 : i32
    %ge3A_79 = vector.broadcast %ge3A_78 : i32 to vector<16xi32>
    %ge3A_80 = arith.cmpi sge, %select_n3A_77, %ge3A_79 : vector<16xi32>
    %sub3A_81 = arith.constant 249984 : i32
    %sub3A_82 = vector.broadcast %sub3A_81 : i32 to vector<16xi32>
    %sub3A_83 = arith.subi %select_n3A_77, %sub3A_82 : vector<16xi32>
    %select_n3A_84 = arith.select %ge3A_80, %sub3A_83, %select_n3A_77 : vector<16xi1>, vector<16xi32>
    %ge3A_85 = arith.constant 249984 : i32
    %ge3A_86 = vector.broadcast %ge3A_85 : i32 to vector<16xi32>
    %ge3A_87 = arith.cmpi sge, %select_n3A_84, %ge3A_86 : vector<16xi32>
    %sub3A_88 = arith.constant 249984 : i32
    %sub3A_89 = vector.broadcast %sub3A_88 : i32 to vector<16xi32>
    %sub3A_90 = arith.subi %select_n3A_84, %sub3A_89 : vector<16xi32>
    %select_n3A_91 = arith.select %ge3A_87, %sub3A_90, %select_n3A_84 : vector<16xi1>, vector<16xi32>
    %ge3A_92 = arith.constant 249984 : i32
    %ge3A_93 = vector.broadcast %ge3A_92 : i32 to vector<16xi32>
    %ge3A_94 = arith.cmpi sge, %select_n3A_91, %ge3A_93 : vector<16xi32>
    %sub3A_95 = arith.constant 249984 : i32
    %sub3A_96 = vector.broadcast %sub3A_95 : i32 to vector<16xi32>
    %sub3A_97 = arith.subi %select_n3A_91, %sub3A_96 : vector<16xi32>
    %select_n3A_98 = arith.select %ge3A_94, %sub3A_97, %select_n3A_91 : vector<16xi1>, vector<16xi32>
    %swap3A_99 = arith.constant 32 : index
    %swap3A_100 = tpu.vector_load %arg6[%swap3A_99] {strides = array<i32>} : memref<512xi32, #tpu.memory_space<vmem>>, vector<16xi32>,
    %swap3A_101 = vector.shape_cast %swap3A_100 : vector<16xi32> to vector<16xi32>
    %swap3A_102 = vector.shape_cast %select_n3A_98 : vector<16xi32> to vector<16xi32>
    tpu.vector_store %arg6[%swap3A_99], %swap3A_102 {strides = array<i32>} : memref<512xi32, #tpu.memory_space<vmem>>, vector<16xi32>,
    %get3A_103 = arith.constant 48 : index
    %get3A_104 = tpu.vector_load %arg5[%get3A_103] {strides = array<i32>} : memref<512xi32, #tpu.memory_space<vmem>>, vector<16xi32>,
    %get3A_105 = vector.shape_cast %get3A_104 : vector<16xi32> to vector<16xi32>
    %ge3A_106 = arith.constant 249984 : i32
    %ge3A_107 = vector.broadcast %ge3A_106 : i32 to vector<16xi32>
    %ge3A_108 = arith.cmpi sge, %get3A_105, %ge3A_107 : vector<16xi32>
    %sub3A_109 = arith.constant 249984 : i32
    %sub3A_110 = vector.broadcast %sub3A_109 : i32 to vector<16xi32>
    %sub3A_111 = arith.subi %get3A_105, %sub3A_110 : vector<16xi32>
    %select_n3A_112 = arith.select %ge3A_108, %sub3A_111, %get3A_105 : vector<16xi1>, vector<16xi32>
    %ge3A_113 = arith.constant 249984 : i32
    %ge3A_114 = vector.broadcast %ge3A_113 : i32 to vector<16xi32>
    %ge3A_115 = arith.cmpi sge, %select_n3A_112, %ge3A_114 : vector<16xi32>
    %sub3A_116 = arith.constant 249984 : i32
    %sub3A_117 = vector.broadcast %sub3A_116 : i32 to vector<16xi32>
    %sub3A_118 = arith.subi %select_n3A_112, %sub3A_117 : vector<16xi32>
    %select_n3A_119 = arith.select %ge3A_115, %sub3A_118, %select_n3A_112 : vector<16xi1>, vector<16xi32>
    %ge3A_120 = arith.constant 249984 : i32
    %ge3A_121 = vector.broadcast %ge3A_120 : i32 to vector<16xi32>
    %ge3A_122 = arith.cmpi sge, %select_n3A_119, %ge3A_121 : vector<16xi32>
    %sub3A_123 = arith.constant 249984 : i32
    %sub3A_124 = vector.broadcast %sub3A_123 : i32 to vector<16xi32>
    %sub3A_125 = arith.subi %select_n3A_119, %sub3A_124 : vector<16xi32>
    %select_n3A_126 = arith.select %ge3A_122, %sub3A_125, %select_n3A_119 : vector<16xi1>, vector<16xi32>
    %ge3A_127 = arith.constant 249984 : i32
    %ge3A_128 = vector.broadcast %ge3A_127 : i32 to vector<16xi32>
    %ge3A_129 = arith.cmpi sge, %select_n3A_126, %ge3A_128 : vector<16xi32>
    %sub3A_130 = arith.constant 249984 : i32
    %sub3A_131 = vector.broadcast %sub3A_130 : i32 to vector<16xi32>
    %sub3A_132 = arith.subi %select_n3A_126, %sub3A_131 : vector<16xi32>
    %select_n3A_133 = arith.select %ge3A_129, %sub3A_132, %select_n3A_126 : vector<16xi1>, vector<16xi32>
    %swap3A_134 = arith.constant 48 : index
    %swap3A_135 = tpu.vector_load %arg6[%swap3A_134] {strides = array<i32>} : memref<512xi32, #tpu.memory_space<vmem>>, vector<16xi32>,
    %swap3A_136 = vector.shape_cast %swap3A_135 : vector<16xi32> to vector<16xi32>
    %swap3A_137 = vector.shape_cast %select_n3A_133 : vector<16xi32> to vector<16xi32>
    tpu.vector_store %arg6[%swap3A_134], %swap3A_137 {strides = array<i32>} : memref<512xi32, #tpu.memory_space<vmem>>, vector<16xi32>,
    %get3A_138 = arith.constant 64 : index
    %get3A_139 = tpu.vector_load %arg5[%get3A_138] {strides = array<i32>} : memref<512xi32, #tpu.memory_space<vmem>>, vector<16xi32>,
    %get3A_140 = vector.shape_cast %get3A_139 : vector<16xi32> to vector<16xi32>
    %ge3A_141 = arith.constant 249984 : i32
    %ge3A_142 = vector.broadcast %ge3A_141 : i32 to vector<16xi32>
    %ge3A_143 = arith.cmpi sge, %get3A_140, %ge3A_142 : vector<16xi32>
    %sub3A_144 = arith.constant 249984 : i32
    %sub3A_145 = vector.broadcast %sub3A_144 : i32 to vector<16xi32>
    %sub3A_146 = arith.subi %get3A_140, %sub3A_145 : vector<16xi32>
    %select_n3A_147 = arith.select %ge3A_143, %sub3A_146, %get3A_140 : vector<16xi1>, vector<16xi32>
    %ge3A_148 = arith.constant 249984 : i32
    %ge3A_149 = vector.broadcast %ge3A_148 : i32 to vector<16xi32>
    %ge3A_150 = arith.cmpi sge, %select_n3A_147, %ge3A_149 : vector<16xi32>
    %sub3A_151 = arith.constant 249984 : i32
    %sub3A_152 = vector.broadcast %sub3A_151 : i32 to vector<16xi32>
    %sub3A_153 = arith.subi %select_n3A_147, %sub3A_152 : vector<16xi32>
    %select_n3A_154 = arith.select %ge3A_150, %sub3A_153, %select_n3A_147 : vector<16xi1>, vector<16xi32>
    %ge3A_155 = arith.constant 249984 : i32
    %ge3A_156 = vector.broadcast %ge3A_155 : i32 to vector<16xi32>
    %ge3A_157 = arith.cmpi sge, %select_n3A_154, %ge3A_156 : vector<16xi32>
    %sub3A_158 = arith.constant 249984 : i32
    %sub3A_159 = vector.broadcast %sub3A_158 : i32 to vector<16xi32>
    %sub3A_160 = arith.subi %select_n3A_154, %sub3A_159 : vector<16xi32>
    %select_n3A_161 = arith.select %ge3A_157, %sub3A_160, %select_n3A_154 : vector<16xi1>, vector<16xi32>
    %ge3A_162 = arith.constant 249984 : i32
    %ge3A_163 = vector.broadcast %ge3A_162 : i32 to vector<16xi32>
    %ge3A_164 = arith.cmpi sge, %select_n3A_161, %ge3A_163 : vector<16xi32>
    %sub3A_165 = arith.constant 249984 : i32
    %sub3A_166 = vector.broadcast %sub3A_165 : i32 to vector<16xi32>
    %sub3A_167 = arith.subi %select_n3A_161, %sub3A_166 : vector<16xi32>
    %select_n3A_168 = arith.select %ge3A_164, %sub3A_167, %select_n3A_161 : vector<16xi1>, vector<16xi32>
    %swap3A_169 = arith.constant 64 : index
    %swap3A_170 = tpu.vector_load %arg6[%swap3A_169] {strides = array<i32>} : memref<512xi32, #tpu.memory_space<vmem>>, vector<16xi32>,
    %swap3A_171 = vector.shape_cast %swap3A_170 : vector<16xi32> to vector<16xi32>
    %swap3A_172 = vector.shape_cast %select_n3A_168 : vector<16xi32> to vector<16xi32>
    tpu.vector_store %arg6[%swap3A_169], %swap3A_172 {strides = array<i32>} : memref<512xi32, #tpu.memory_space<vmem>>, vector<16xi32>,
    %get3A_173 = arith.constant 80 : index
    %get3A_174 = tpu.vector_load %arg5[%get3A_173] {strides = array<i32>} : memref<512xi32, #tpu.memory_space<vmem>>, vector<16xi32>,
    %get3A_175 = vector.shape_cast %get3A_174 : vector<16xi32> to vector<16xi32>
    %ge3A_176 = arith.constant 249984 : i32
    %ge3A_177 = vector.broadcast %ge3A_176 : i32 to vector<16xi32>
    %ge3A_178 = arith.cmpi sge, %get3A_175, %ge3A_177 : vector<16xi32>
    %sub3A_179 = arith.constant 249984 : i32
    %sub3A_180 = vector.broadcast %sub3A_179 : i32 to vector<16xi32>
    %sub3A_181 = arith.subi %get3A_175, %sub3A_180 : vector<16xi32>
    %select_n3A_182 = arith.select %ge3A_178, %sub3A_181, %get3A_175 : vector<16xi1>, vector<16xi32>
    %ge3A_183 = arith.constant 249984 : i32
    %ge3A_184 = vector.broadcast %ge3A_183 : i32 to vector<16xi32>
    %ge3A_185 = arith.cmpi sge, %select_n3A_182, %ge3A_184 : vector<16xi32>
    %sub3A_186 = arith.constant 249984 : i32
    %sub3A_187 = vector.broadcast %sub3A_186 : i32 to vector<16xi32>
    %sub3A_188 = arith.subi %select_n3A_182, %sub3A_187 : vector<16xi32>
    %select_n3A_189 = arith.select %ge3A_185, %sub3A_188, %select_n3A_182 : vector<16xi1>, vector<16xi32>
    %ge3A_190 = arith.constant 249984 : i32
    %ge3A_191 = vector.broadcast %ge3A_190 : i32 to vector<16xi32>
    %ge3A_192 = arith.cmpi sge, %select_n3A_189, %ge3A_191 : vector<16xi32>
    %sub3A_193 = arith.constant 249984 : i32
    %sub3A_194 = vector.broadcast %sub3A_193 : i32 to vector<16xi32>
    %sub3A_195 = arith.subi %select_n3A_189, %sub3A_194 : vector<16xi32>
    %select_n3A_196 = arith.select %ge3A_192, %sub3A_195, %select_n3A_189 : vector<16xi1>, vector<16xi32>
    %ge3A_197 = arith.constant 249984 : i32
    %ge3A_198 = vector.broadcast %ge3A_197 : i32 to vector<16xi32>
    %ge3A_199 = arith.cmpi sge, %select_n3A_196, %ge3A_198 : vector<16xi32>
    %sub3A_200 = arith.constant 249984 : i32
    %sub3A_201 = vector.broadcast %sub3A_200 : i32 to vector<16xi32>
    %sub3A_202 = arith.subi %select_n3A_196, %sub3A_201 : vector<16xi32>
    %select_n3A_203 = arith.select %ge3A_199, %sub3A_202, %select_n3A_196 : vector<16xi1>, vector<16xi32>
    %swap3A_204 = arith.constant 80 : index
    %swap3A_205 = tpu.vector_load %arg6[%swap3A_204] {strides = array<i32>} : memref<512xi32, #tpu.memory_space<vmem>>, vector<16xi32>,
    %swap3A_206 = vector.shape_cast %swap3A_205 : vector<16xi32> to vector<16xi32>
    %swap3A_207 = vector.shape_cast %select_n3A_203 : vector<16xi32> to vector<16xi32>
    tpu.vector_store %arg6[%swap3A_204], %swap3A_207 {strides = array<i32>} : memref<512xi32, #tpu.memory_space<vmem>>, vector<16xi32>,
    %get3A_208 = arith.constant 96 : index
    %get3A_209 = tpu.vector_load %arg5[%get3A_208] {strides = array<i32>} : memref<512xi32, #tpu.memory_space<vmem>>, vector<16xi32>,
    %get3A_210 = vector.shape_cast %get3A_209 : vector<16xi32> to vector<16xi32>
    %ge3A_211 = arith.constant 249984 : i32
    %ge3A_212 = vector.broadcast %ge3A_211 : i32 to vector<16xi32>
    %ge3A_213 = arith.cmpi sge, %get3A_210, %ge3A_212 : vector<16xi32>
    %sub3A_214 = arith.constant 249984 : i32
    %sub3A_215 = vector.broadcast %sub3A_214 : i32 to vector<16xi32>
    %sub3A_216 = arith.subi %get3A_210, %sub3A_215 : vector<16xi32>
    %select_n3A_217 = arith.select %ge3A_213, %sub3A_216, %get3A_210 : vector<16xi1>, vector<16xi32>
    %ge3A_218 = arith.constant 249984 : i32
    %ge3A_219 = vector.broadcast %ge3A_218 : i32 to vector<16xi32>
    %ge3A_220 = arith.cmpi sge, %select_n3A_217, %ge3A_219 : vector<16xi32>
    %sub3A_221 = arith.constant 249984 : i32
    %sub3A_222 = vector.broadcast %sub3A_221 : i32 to vector<16xi32>
    %sub3A_223 = arith.subi %select_n3A_217, %sub3A_222 : vector<16xi32>
    %select_n3A_224 = arith.select %ge3A_220, %sub3A_223, %select_n3A_217 : vector<16xi1>, vector<16xi32>
    %ge3A_225 = arith.constant 249984 : i32
    %ge3A_226 = vector.broadcast %ge3A_225 : i32 to vector<16xi32>
    %ge3A_227 = arith.cmpi sge, %select_n3A_224, %ge3A_226 : vector<16xi32>
    %sub3A_228 = arith.constant 249984 : i32
    %sub3A_229 = vector.broadcast %sub3A_228 : i32 to vector<16xi32>
    %sub3A_230 = arith.subi %select_n3A_224, %sub3A_229 : vector<16xi32>
    %select_n3A_231 = arith.select %ge3A_227, %sub3A_230, %select_n3A_224 : vector<16xi1>, vector<16xi32>
    %ge3A_232 = arith.constant 249984 : i32
    %ge3A_233 = vector.broadcast %ge3A_232 : i32 to vector<16xi32>
    %ge3A_234 = arith.cmpi sge, %select_n3A_231, %ge3A_233 : vector<16xi32>
    %sub3A_235 = arith.constant 249984 : i32
    %sub3A_236 = vector.broadcast %sub3A_235 : i32 to vector<16xi32>
    %sub3A_237 = arith.subi %select_n3A_231, %sub3A_236 : vector<16xi32>
    %select_n3A_238 = arith.select %ge3A_234, %sub3A_237, %select_n3A_231 : vector<16xi1>, vector<16xi32>
    %swap3A_239 = arith.constant 96 : index
    %swap3A_240 = tpu.vector_load %arg6[%swap3A_239] {strides = array<i32>} : memref<512xi32, #tpu.memory_space<vmem>>, vector<16xi32>,
    %swap3A_241 = vector.shape_cast %swap3A_240 : vector<16xi32> to vector<16xi32>
    %swap3A_242 = vector.shape_cast %select_n3A_238 : vector<16xi32> to vector<16xi32>
    tpu.vector_store %arg6[%swap3A_239], %swap3A_242 {strides = array<i32>} : memref<512xi32, #tpu.memory_space<vmem>>, vector<16xi32>,
    %get3A_243 = arith.constant 112 : index
    %get3A_244 = tpu.vector_load %arg5[%get3A_243] {strides = array<i32>} : memref<512xi32, #tpu.memory_space<vmem>>, vector<16xi32>,
    %get3A_245 = vector.shape_cast %get3A_244 : vector<16xi32> to vector<16xi32>
    %ge3A_246 = arith.constant 249984 : i32
    %ge3A_247 = vector.broadcast %ge3A_246 : i32 to vector<16xi32>
    %ge3A_248 = arith.cmpi sge, %get3A_245, %ge3A_247 : vector<16xi32>
    %sub3A_249 = arith.constant 249984 : i32
    %sub3A_250 = vector.broadcast %sub3A_249 : i32 to vector<16xi32>
    %sub3A_251 = arith.subi %get3A_245, %sub3A_250 : vector<16xi32>
    %select_n3A_252 = arith.select %ge3A_248, %sub3A_251, %get3A_245 : vector<16xi1>, vector<16xi32>
    %ge3A_253 = arith.constant 249984 : i32
    %ge3A_254 = vector.broadcast %ge3A_253 : i32 to vector<16xi32>
    %ge3A_255 = arith.cmpi sge, %select_n3A_252, %ge3A_254 : vector<16xi32>
    %sub3A_256 = arith.constant 249984 : i32
    %sub3A_257 = vector.broadcast %sub3A_256 : i32 to vector<16xi32>
    %sub3A_258 = arith.subi %select_n3A_252, %sub3A_257 : vector<16xi32>
    %select_n3A_259 = arith.select %ge3A_255, %sub3A_258, %select_n3A_252 : vector<16xi1>, vector<16xi32>
    %ge3A_260 = arith.constant 249984 : i32
    %ge3A_261 = vector.broadcast %ge3A_260 : i32 to vector<16xi32>
    %ge3A_262 = arith.cmpi sge, %select_n3A_259, %ge3A_261 : vector<16xi32>
    %sub3A_263 = arith.constant 249984 : i32
    %sub3A_264 = vector.broadcast %sub3A_263 : i32 to vector<16xi32>
    %sub3A_265 = arith.subi %select_n3A_259, %sub3A_264 : vector<16xi32>
    %select_n3A_266 = arith.select %ge3A_262, %sub3A_265, %select_n3A_259 : vector<16xi1>, vector<16xi32>
    %ge3A_267 = arith.constant 249984 : i32
    %ge3A_268 = vector.broadcast %ge3A_267 : i32 to vector<16xi32>
    %ge3A_269 = arith.cmpi sge, %select_n3A_266, %ge3A_268 : vector<16xi32>
    %sub3A_270 = arith.constant 249984 : i32
    %sub3A_271 = vector.broadcast %sub3A_270 : i32 to vector<16xi32>
    %sub3A_272 = arith.subi %select_n3A_266, %sub3A_271 : vector<16xi32>
    %select_n3A_273 = arith.select %ge3A_269, %sub3A_272, %select_n3A_266 : vector<16xi1>, vector<16xi32>
    %swap3A_274 = arith.constant 112 : index
    %swap3A_275 = tpu.vector_load %arg6[%swap3A_274] {strides = array<i32>} : memref<512xi32, #tpu.memory_space<vmem>>, vector<16xi32>,
    %swap3A_276 = vector.shape_cast %swap3A_275 : vector<16xi32> to vector<16xi32>
    %swap3A_277 = vector.shape_cast %select_n3A_273 : vector<16xi32> to vector<16xi32>
    tpu.vector_store %arg6[%swap3A_274], %swap3A_277 {strides = array<i32>} : memref<512xi32, #tpu.memory_space<vmem>>, vector<16xi32>,
    %get3A_278 = arith.constant 128 : index
    %get3A_279 = tpu.vector_load %arg5[%get3A_278] {strides = array<i32>} : memref<512xi32, #tpu.memory_space<vmem>>, vector<16xi32>,
    %get3A_280 = vector.shape_cast %get3A_279 : vector<16xi32> to vector<16xi32>
    %ge3A_281 = arith.constant 249984 : i32
    %ge3A_282 = vector.broadcast %ge3A_281 : i32 to vector<16xi32>
    %ge3A_283 = arith.cmpi sge, %get3A_280, %ge3A_282 : vector<16xi32>
    %sub3A_284 = arith.constant 249984 : i32
    %sub3A_285 = vector.broadcast %sub3A_284 : i32 to vector<16xi32>
    %sub3A_286 = arith.subi %get3A_280, %sub3A_285 : vector<16xi32>
    %select_n3A_287 = arith.select %ge3A_283, %sub3A_286, %get3A_280 : vector<16xi1>, vector<16xi32>
    %ge3A_288 = arith.constant 249984 : i32
    %ge3A_289 = vector.broadcast %ge3A_288 : i32 to vector<16xi32>
    %ge3A_290 = arith.cmpi sge, %select_n3A_287, %ge3A_289 : vector<16xi32>
    %sub3A_291 = arith.constant 249984 : i32
    %sub3A_292 = vector.broadcast %sub3A_291 : i32 to vector<16xi32>
    %sub3A_293 = arith.subi %select_n3A_287, %sub3A_292 : vector<16xi32>
    %select_n3A_294 = arith.select %ge3A_290, %sub3A_293, %select_n3A_287 : vector<16xi1>, vector<16xi32>
    %ge3A_295 = arith.constant 249984 : i32
    %ge3A_296 = vector.broadcast %ge3A_295 : i32 to vector<16xi32>
    %ge3A_297 = arith.cmpi sge, %select_n3A_294, %ge3A_296 : vector<16xi32>
    %sub3A_298 = arith.constant 249984 : i32
    %sub3A_299 = vector.broadcast %sub3A_298 : i32 to vector<16xi32>
    %sub3A_300 = arith.subi %select_n3A_294, %sub3A_299 : vector<16xi32>
    %select_n3A_301 = arith.select %ge3A_297, %sub3A_300, %select_n3A_294 : vector<16xi1>, vector<16xi32>
    %ge3A_302 = arith.constant 249984 : i32
    %ge3A_303 = vector.broadcast %ge3A_302 : i32 to vector<16xi32>
    %ge3A_304 = arith.cmpi sge, %select_n3A_301, %ge3A_303 : vector<16xi32>
    %sub3A_305 = arith.constant 249984 : i32
    %sub3A_306 = vector.broadcast %sub3A_305 : i32 to vector<16xi32>
    %sub3A_307 = arith.subi %select_n3A_301, %sub3A_306 : vector<16xi32>
    %select_n3A_308 = arith.select %ge3A_304, %sub3A_307, %select_n3A_301 : vector<16xi1>, vector<16xi32>
    %swap3A_309 = arith.constant 128 : index
    %swap3A_310 = tpu.vector_load %arg6[%swap3A_309] {strides = array<i32>} : memref<512xi32, #tpu.memory_space<vmem>>, vector<16xi32>,
    %swap3A_311 = vector.shape_cast %swap3A_310 : vector<16xi32> to vector<16xi32>
    %swap3A_312 = vector.shape_cast %select_n3A_308 : vector<16xi32> to vector<16xi32>
    tpu.vector_store %arg6[%swap3A_309], %swap3A_312 {strides = array<i32>} : memref<512xi32, #tpu.memory_space<vmem>>, vector<16xi32>,
    %get3A_313 = arith.constant 144 : index
    %get3A_314 = tpu.vector_load %arg5[%get3A_313] {strides = array<i32>} : memref<512xi32, #tpu.memory_space<vmem>>, vector<16xi32>,
    %get3A_315 = vector.shape_cast %get3A_314 : vector<16xi32> to vector<16xi32>
    %ge3A_316 = arith.constant 249984 : i32
    %ge3A_317 = vector.broadcast %ge3A_316 : i32 to vector<16xi32>
    %ge3A_318 = arith.cmpi sge, %get3A_315, %ge3A_317 : vector<16xi32>
    %sub3A_319 = arith.constant 249984 : i32
    %sub3A_320 = vector.broadcast %sub3A_319 : i32 to vector<16xi32>
    %sub3A_321 = arith.subi %get3A_315, %sub3A_320 : vector<16xi32>
    %select_n3A_322 = arith.select %ge3A_318, %sub3A_321, %get3A_315 : vector<16xi1>, vector<16xi32>
    %ge3A_323 = arith.constant 249984 : i32
    %ge3A_324 = vector.broadcast %ge3A_323 : i32 to vector<16xi32>
    %ge3A_325 = arith.cmpi sge, %select_n3A_322, %ge3A_324 : vector<16xi32>
    %sub3A_326 = arith.constant 249984 : i32
    %sub3A_327 = vector.broadcast %sub3A_326 : i32 to vector<16xi32>
    %sub3A_328 = arith.subi %select_n3A_322, %sub3A_327 : vector<16xi32>
    %select_n3A_329 = arith.select %ge3A_325, %sub3A_328, %select_n3A_322 : vector<16xi1>, vector<16xi32>
    %ge3A_330 = arith.constant 249984 : i32
    %ge3A_331 = vector.broadcast %ge3A_330 : i32 to vector<16xi32>
    %ge3A_332 = arith.cmpi sge, %select_n3A_329, %ge3A_331 : vector<16xi32>
    %sub3A_333 = arith.constant 249984 : i32
    %sub3A_334 = vector.broadcast %sub3A_333 : i32 to vector<16xi32>
    %sub3A_335 = arith.subi %select_n3A_329, %sub3A_334 : vector<16xi32>
    %select_n3A_336 = arith.select %ge3A_332, %sub3A_335, %select_n3A_329 : vector<16xi1>, vector<16xi32>
    %ge3A_337 = arith.constant 249984 : i32
    %ge3A_338 = vector.broadcast %ge3A_337 : i32 to vector<16xi32>
    %ge3A_339 = arith.cmpi sge, %select_n3A_336, %ge3A_338 : vector<16xi32>
    %sub3A_340 = arith.constant 249984 : i32
    %sub3A_341 = vector.broadcast %sub3A_340 : i32 to vector<16xi32>
    %sub3A_342 = arith.subi %select_n3A_336, %sub3A_341 : vector<16xi32>
    %select_n3A_343 = arith.select %ge3A_339, %sub3A_342, %select_n3A_336 : vector<16xi1>, vector<16xi32>
    %swap3A_344 = arith.constant 144 : index
    %swap3A_345 = tpu.vector_load %arg6[%swap3A_344] {strides = array<i32>} : memref<512xi32, #tpu.memory_space<vmem>>, vector<16xi32>,
    %swap3A_346 = vector.shape_cast %swap3A_345 : vector<16xi32> to vector<16xi32>
    %swap3A_347 = vector.shape_cast %select_n3A_343 : vector<16xi32> to vector<16xi32>
    tpu.vector_store %arg6[%swap3A_344], %swap3A_347 {strides = array<i32>} : memref<512xi32, #tpu.memory_space<vmem>>, vector<16xi32>,
    %get3A_348 = arith.constant 160 : index
    %get3A_349 = tpu.vector_load %arg5[%get3A_348] {strides = array<i32>} : memref<512xi32, #tpu.memory_space<vmem>>, vector<16xi32>,
    %get3A_350 = vector.shape_cast %get3A_349 : vector<16xi32> to vector<16xi32>
    %ge3A_351 = arith.constant 249984 : i32
    %ge3A_352 = vector.broadcast %ge3A_351 : i32 to vector<16xi32>
    %ge3A_353 = arith.cmpi sge, %get3A_350, %ge3A_352 : vector<16xi32>
    %sub3A_354 = arith.constant 249984 : i32
    %sub3A_355 = vector.broadcast %sub3A_354 : i32 to vector<16xi32>
    %sub3A_356 = arith.subi %get3A_350, %sub3A_355 : vector<16xi32>
    %select_n3A_357 = arith.select %ge3A_353, %sub3A_356, %get3A_350 : vector<16xi1>, vector<16xi32>
    %ge3A_358 = arith.constant 249984 : i32
    %ge3A_359 = vector.broadcast %ge3A_358 : i32 to vector<16xi32>
    %ge3A_360 = arith.cmpi sge, %select_n3A_357, %ge3A_359 : vector<16xi32>
    %sub3A_361 = arith.constant 249984 : i32
    %sub3A_362 = vector.broadcast %sub3A_361 : i32 to vector<16xi32>
    %sub3A_363 = arith.subi %select_n3A_357, %sub3A_362 : vector<16xi32>
    %select_n3A_364 = arith.select %ge3A_360, %sub3A_363, %select_n3A_357 : vector<16xi1>, vector<16xi32>
    %ge3A_365 = arith.constant 249984 : i32
    %ge3A_366 = vector.broadcast %ge3A_365 : i32 to vector<16xi32>
    %ge3A_367 = arith.cmpi sge, %select_n3A_364, %ge3A_366 : vector<16xi32>
    %sub3A_368 = arith.constant 249984 : i32
    %sub3A_369 = vector.broadcast %sub3A_368 : i32 to vector<16xi32>
    %sub3A_370 = arith.subi %select_n3A_364, %sub3A_369 : vector<16xi32>
    %select_n3A_371 = arith.select %ge3A_367, %sub3A_370, %select_n3A_364 : vector<16xi1>, vector<16xi32>
    %ge3A_372 = arith.constant 249984 : i32
    %ge3A_373 = vector.broadcast %ge3A_372 : i32 to vector<16xi32>
    %ge3A_374 = arith.cmpi sge, %select_n3A_371, %ge3A_373 : vector<16xi32>
    %sub3A_375 = arith.constant 249984 : i32
    %sub3A_376 = vector.broadcast %sub3A_375 : i32 to vector<16xi32>
    %sub3A_377 = arith.subi %select_n3A_371, %sub3A_376 : vector<16xi32>
    %select_n3A_378 = arith.select %ge3A_374, %sub3A_377, %select_n3A_371 : vector<16xi1>, vector<16xi32>
    %swap3A_379 = arith.constant 160 : index
    %swap3A_380 = tpu.vector_load %arg6[%swap3A_379] {strides = array<i32>} : memref<512xi32, #tpu.memory_space<vmem>>, vector<16xi32>,
    %swap3A_381 = vector.shape_cast %swap3A_380 : vector<16xi32> to vector<16xi32>
    %swap3A_382 = vector.shape_cast %select_n3A_378 : vector<16xi32> to vector<16xi32>
    tpu.vector_store %arg6[%swap3A_379], %swap3A_382 {strides = array<i32>} : memref<512xi32, #tpu.memory_space<vmem>>, vector<16xi32>,
    %get3A_383 = arith.constant 176 : index
    %get3A_384 = tpu.vector_load %arg5[%get3A_383] {strides = array<i32>} : memref<512xi32, #tpu.memory_space<vmem>>, vector<16xi32>,
    %get3A_385 = vector.shape_cast %get3A_384 : vector<16xi32> to vector<16xi32>
    %ge3A_386 = arith.constant 249984 : i32
    %ge3A_387 = vector.broadcast %ge3A_386 : i32 to vector<16xi32>
    %ge3A_388 = arith.cmpi sge, %get3A_385, %ge3A_387 : vector<16xi32>
    %sub3A_389 = arith.constant 249984 : i32
    %sub3A_390 = vector.broadcast %sub3A_389 : i32 to vector<16xi32>
    %sub3A_391 = arith.subi %get3A_385, %sub3A_390 : vector<16xi32>
    %select_n3A_392 = arith.select %ge3A_388, %sub3A_391, %get3A_385 : vector<16xi1>, vector<16xi32>
    %ge3A_393 = arith.constant 249984 : i32
    %ge3A_394 = vector.broadcast %ge3A_393 : i32 to vector<16xi32>
    %ge3A_395 = arith.cmpi sge, %select_n3A_392, %ge3A_394 : vector<16xi32>
    %sub3A_396 = arith.constant 249984 : i32
    %sub3A_397 = vector.broadcast %sub3A_396 : i32 to vector<16xi32>
    %sub3A_398 = arith.subi %select_n3A_392, %sub3A_397 : vector<16xi32>
    %select_n3A_399 = arith.select %ge3A_395, %sub3A_398, %select_n3A_392 : vector<16xi1>, vector<16xi32>
    %ge3A_400 = arith.constant 249984 : i32
    %ge3A_401 = vector.broadcast %ge3A_400 : i32 to vector<16xi32>
    %ge3A_402 = arith.cmpi sge, %select_n3A_399, %ge3A_401 : vector<16xi32>
    %sub3A_403 = arith.constant 249984 : i32
    %sub3A_404 = vector.broadcast %sub3A_403 : i32 to vector<16xi32>
    %sub3A_405 = arith.subi %select_n3A_399, %sub3A_404 : vector<16xi32>
    %select_n3A_406 = arith.select %ge3A_402, %sub3A_405, %select_n3A_399 : vector<16xi1>, vector<16xi32>
    %ge3A_407 = arith.constant 249984 : i32
    %ge3A_408 = vector.broadcast %ge3A_407 : i32 to vector<16xi32>
    %ge3A_409 = arith.cmpi sge, %select_n3A_406, %ge3A_408 : vector<16xi32>
    %sub3A_410 = arith.constant 249984 : i32
    %sub3A_411 = vector.broadcast %sub3A_410 : i32 to vector<16xi32>
    %sub3A_412 = arith.subi %select_n3A_406, %sub3A_411 : vector<16xi32>
    %select_n3A_413 = arith.select %ge3A_409, %sub3A_412, %select_n3A_406 : vector<16xi1>, vector<16xi32>
    %swap3A_414 = arith.constant 176 : index
    %swap3A_415 = tpu.vector_load %arg6[%swap3A_414] {strides = array<i32>} : memref<512xi32, #tpu.memory_space<vmem>>, vector<16xi32>,
    %swap3A_416 = vector.shape_cast %swap3A_415 : vector<16xi32> to vector<16xi32>
    %swap3A_417 = vector.shape_cast %select_n3A_413 : vector<16xi32> to vector<16xi32>
    tpu.vector_store %arg6[%swap3A_414], %swap3A_417 {strides = array<i32>} : memref<512xi32, #tpu.memory_space<vmem>>, vector<16xi32>,
    %get3A_418 = arith.constant 192 : index
    %get3A_419 = tpu.vector_load %arg5[%get3A_418] {strides = array<i32>} : memref<512xi32, #tpu.memory_space<vmem>>, vector<16xi32>,
    %get3A_420 = vector.shape_cast %get3A_419 : vector<16xi32> to vector<16xi32>
    %ge3A_421 = arith.constant 249984 : i32
    %ge3A_422 = vector.broadcast %ge3A_421 : i32 to vector<16xi32>
    %ge3A_423 = arith.cmpi sge, %get3A_420, %ge3A_422 : vector<16xi32>
    %sub3A_424 = arith.constant 249984 : i32
    %sub3A_425 = vector.broadcast %sub3A_424 : i32 to vector<16xi32>
    %sub3A_426 = arith.subi %get3A_420, %sub3A_425 : vector<16xi32>
    %select_n3A_427 = arith.select %ge3A_423, %sub3A_426, %get3A_420 : vector<16xi1>, vector<16xi32>
    %ge3A_428 = arith.constant 249984 : i32
    %ge3A_429 = vector.broadcast %ge3A_428 : i32 to vector<16xi32>
    %ge3A_430 = arith.cmpi sge, %select_n3A_427, %ge3A_429 : vector<16xi32>
    %sub3A_431 = arith.constant 249984 : i32
    %sub3A_432 = vector.broadcast %sub3A_431 : i32 to vector<16xi32>
    %sub3A_433 = arith.subi %select_n3A_427, %sub3A_432 : vector<16xi32>
    %select_n3A_434 = arith.select %ge3A_430, %sub3A_433, %select_n3A_427 : vector<16xi1>, vector<16xi32>
    %ge3A_435 = arith.constant 249984 : i32
    %ge3A_436 = vector.broadcast %ge3A_435 : i32 to vector<16xi32>
    %ge3A_437 = arith.cmpi sge, %select_n3A_434, %ge3A_436 : vector<16xi32>
    %sub3A_438 = arith.constant 249984 : i32
    %sub3A_439 = vector.broadcast %sub3A_438 : i32 to vector<16xi32>
    %sub3A_440 = arith.subi %select_n3A_434, %sub3A_439 : vector<16xi32>
    %select_n3A_441 = arith.select %ge3A_437, %sub3A_440, %select_n3A_434 : vector<16xi1>, vector<16xi32>
    %ge3A_442 = arith.constant 249984 : i32
    %ge3A_443 = vector.broadcast %ge3A_442 : i32 to vector<16xi32>
    %ge3A_444 = arith.cmpi sge, %select_n3A_441, %ge3A_443 : vector<16xi32>
    %sub3A_445 = arith.constant 249984 : i32
    %sub3A_446 = vector.broadcast %sub3A_445 : i32 to vector<16xi32>
    %sub3A_447 = arith.subi %select_n3A_441, %sub3A_446 : vector<16xi32>
    %select_n3A_448 = arith.select %ge3A_444, %sub3A_447, %select_n3A_441 : vector<16xi1>, vector<16xi32>
    %swap3A_449 = arith.constant 192 : index
    %swap3A_450 = tpu.vector_load %arg6[%swap3A_449] {strides = array<i32>} : memref<512xi32, #tpu.memory_space<vmem>>, vector<16xi32>,
    %swap3A_451 = vector.shape_cast %swap3A_450 : vector<16xi32> to vector<16xi32>
    %swap3A_452 = vector.shape_cast %select_n3A_448 : vector<16xi32> to vector<16xi32>
    tpu.vector_store %arg6[%swap3A_449], %swap3A_452 {strides = array<i32>} : memref<512xi32, #tpu.memory_space<vmem>>, vector<16xi32>,
    %get3A_453 = arith.constant 208 : index
    %get3A_454 = tpu.vector_load %arg5[%get3A_453] {strides = array<i32>} : memref<512xi32, #tpu.memory_space<vmem>>, vector<16xi32>,
    %get3A_455 = vector.shape_cast %get3A_454 : vector<16xi32> to vector<16xi32>
    %ge3A_456 = arith.constant 249984 : i32
    %ge3A_457 = vector.broadcast %ge3A_456 : i32 to vector<16xi32>
    %ge3A_458 = arith.cmpi sge, %get3A_455, %ge3A_457 : vector<16xi32>
    %sub3A_459 = arith.constant 249984 : i32
    %sub3A_460 = vector.broadcast %sub3A_459 : i32 to vector<16xi32>
    %sub3A_461 = arith.subi %get3A_455, %sub3A_460 : vector<16xi32>
    %select_n3A_462 = arith.select %ge3A_458, %sub3A_461, %get3A_455 : vector<16xi1>, vector<16xi32>
    %ge3A_463 = arith.constant 249984 : i32
    %ge3A_464 = vector.broadcast %ge3A_463 : i32 to vector<16xi32>
    %ge3A_465 = arith.cmpi sge, %select_n3A_462, %ge3A_464 : vector<16xi32>
    %sub3A_466 = arith.constant 249984 : i32
    %sub3A_467 = vector.broadcast %sub3A_466 : i32 to vector<16xi32>
    %sub3A_468 = arith.subi %select_n3A_462, %sub3A_467 : vector<16xi32>
    %select_n3A_469 = arith.select %ge3A_465, %sub3A_468, %select_n3A_462 : vector<16xi1>, vector<16xi32>
    %ge3A_470 = arith.constant 249984 : i32
    %ge3A_471 = vector.broadcast %ge3A_470 : i32 to vector<16xi32>
    %ge3A_472 = arith.cmpi sge, %select_n3A_469, %ge3A_471 : vector<16xi32>
    %sub3A_473 = arith.constant 249984 : i32
    %sub3A_474 = vector.broadcast %sub3A_473 : i32 to vector<16xi32>
    %sub3A_475 = arith.subi %select_n3A_469, %sub3A_474 : vector<16xi32>
    %select_n3A_476 = arith.select %ge3A_472, %sub3A_475, %select_n3A_469 : vector<16xi1>, vector<16xi32>
    %ge3A_477 = arith.constant 249984 : i32
    %ge3A_478 = vector.broadcast %ge3A_477 : i32 to vector<16xi32>
    %ge3A_479 = arith.cmpi sge, %select_n3A_476, %ge3A_478 : vector<16xi32>
    %sub3A_480 = arith.constant 249984 : i32
    %sub3A_481 = vector.broadcast %sub3A_480 : i32 to vector<16xi32>
    %sub3A_482 = arith.subi %select_n3A_476, %sub3A_481 : vector<16xi32>
    %select_n3A_483 = arith.select %ge3A_479, %sub3A_482, %select_n3A_476 : vector<16xi1>, vector<16xi32>
    %swap3A_484 = arith.constant 208 : index
    %swap3A_485 = tpu.vector_load %arg6[%swap3A_484] {strides = array<i32>} : memref<512xi32, #tpu.memory_space<vmem>>, vector<16xi32>,
    %swap3A_486 = vector.shape_cast %swap3A_485 : vector<16xi32> to vector<16xi32>
    %swap3A_487 = vector.shape_cast %select_n3A_483 : vector<16xi32> to vector<16xi32>
    tpu.vector_store %arg6[%swap3A_484], %swap3A_487 {strides = array<i32>} : memref<512xi32, #tpu.memory_space<vmem>>, vector<16xi32>,
    %get3A_488 = arith.constant 224 : index
    %get3A_489 = tpu.vector_load %arg5[%get3A_488] {strides = array<i32>} : memref<512xi32, #tpu.memory_space<vmem>>, vector<16xi32>,
    %get3A_490 = vector.shape_cast %get3A_489 : vector<16xi32> to vector<16xi32>
    %ge3A_491 = arith.constant 249984 : i32
    %ge3A_492 = vector.broadcast %ge3A_491 : i32 to vector<16xi32>
    %ge3A_493 = arith.cmpi sge, %get3A_490, %ge3A_492 : vector<16xi32>
    %sub3A_494 = arith.constant 249984 : i32
    %sub3A_495 = vector.broadcast %sub3A_494 : i32 to vector<16xi32>
    %sub3A_496 = arith.subi %get3A_490, %sub3A_495 : vector<16xi32>
    %select_n3A_497 = arith.select %ge3A_493, %sub3A_496, %get3A_490 : vector<16xi1>, vector<16xi32>
    %ge3A_498 = arith.constant 249984 : i32
    %ge3A_499 = vector.broadcast %ge3A_498 : i32 to vector<16xi32>
    %ge3A_500 = arith.cmpi sge, %select_n3A_497, %ge3A_499 : vector<16xi32>
    %sub3A_501 = arith.constant 249984 : i32
    %sub3A_502 = vector.broadcast %sub3A_501 : i32 to vector<16xi32>
    %sub3A_503 = arith.subi %select_n3A_497, %sub3A_502 : vector<16xi32>
    %select_n3A_504 = arith.select %ge3A_500, %sub3A_503, %select_n3A_497 : vector<16xi1>, vector<16xi32>
    %ge3A_505 = arith.constant 249984 : i32
    %ge3A_506 = vector.broadcast %ge3A_505 : i32 to vector<16xi32>
    %ge3A_507 = arith.cmpi sge, %select_n3A_504, %ge3A_506 : vector<16xi32>
    %sub3A_508 = arith.constant 249984 : i32
    %sub3A_509 = vector.broadcast %sub3A_508 : i32 to vector<16xi32>
    %sub3A_510 = arith.subi %select_n3A_504, %sub3A_509 : vector<16xi32>
    %select_n3A_511 = arith.select %ge3A_507, %sub3A_510, %select_n3A_504 : vector<16xi1>, vector<16xi32>
    %ge3A_512 = arith.constant 249984 : i32
    %ge3A_513 = vector.broadcast %ge3A_512 : i32 to vector<16xi32>
    %ge3A_514 = arith.cmpi sge, %select_n3A_511, %ge3A_513 : vector<16xi32>
    %sub3A_515 = arith.constant 249984 : i32
    %sub3A_516 = vector.broadcast %sub3A_515 : i32 to vector<16xi32>
    %sub3A_517 = arith.subi %select_n3A_511, %sub3A_516 : vector<16xi32>
    %select_n3A_518 = arith.select %ge3A_514, %sub3A_517, %select_n3A_511 : vector<16xi1>, vector<16xi32>
    %swap3A_519 = arith.constant 224 : index
    %swap3A_520 = tpu.vector_load %arg6[%swap3A_519] {strides = array<i32>} : memref<512xi32, #tpu.memory_space<vmem>>, vector<16xi32>,
    %swap3A_521 = vector.shape_cast %swap3A_520 : vector<16xi32> to vector<16xi32>
    %swap3A_522 = vector.shape_cast %select_n3A_518 : vector<16xi32> to vector<16xi32>
    tpu.vector_store %arg6[%swap3A_519], %swap3A_522 {strides = array<i32>} : memref<512xi32, #tpu.memory_space<vmem>>, vector<16xi32>,
    %get3A_523 = arith.constant 240 : index
    %get3A_524 = tpu.vector_load %arg5[%get3A_523] {strides = array<i32>} : memref<512xi32, #tpu.memory_space<vmem>>, vector<16xi32>,
    %get3A_525 = vector.shape_cast %get3A_524 : vector<16xi32> to vector<16xi32>
    %ge3A_526 = arith.constant 249984 : i32
    %ge3A_527 = vector.broadcast %ge3A_526 : i32 to vector<16xi32>
    %ge3A_528 = arith.cmpi sge, %get3A_525, %ge3A_527 : vector<16xi32>
    %sub3A_529 = arith.constant 249984 : i32
    %sub3A_530 = vector.broadcast %sub3A_529 : i32 to vector<16xi32>
    %sub3A_531 = arith.subi %get3A_525, %sub3A_530 : vector<16xi32>
    %select_n3A_532 = arith.select %ge3A_528, %sub3A_531, %get3A_525 : vector<16xi1>, vector<16xi32>
    %ge3A_533 = arith.constant 249984 : i32
    %ge3A_534 = vector.broadcast %ge3A_533 : i32 to vector<16xi32>
    %ge3A_535 = arith.cmpi sge, %select_n3A_532, %ge3A_534 : vector<16xi32>
    %sub3A_536 = arith.constant 249984 : i32
    %sub3A_537 = vector.broadcast %sub3A_536 : i32 to vector<16xi32>
    %sub3A_538 = arith.subi %select_n3A_532, %sub3A_537 : vector<16xi32>
    %select_n3A_539 = arith.select %ge3A_535, %sub3A_538, %select_n3A_532 : vector<16xi1>, vector<16xi32>
    %ge3A_540 = arith.constant 249984 : i32
    %ge3A_541 = vector.broadcast %ge3A_540 : i32 to vector<16xi32>
    %ge3A_542 = arith.cmpi sge, %select_n3A_539, %ge3A_541 : vector<16xi32>
    %sub3A_543 = arith.constant 249984 : i32
    %sub3A_544 = vector.broadcast %sub3A_543 : i32 to vector<16xi32>
    %sub3A_545 = arith.subi %select_n3A_539, %sub3A_544 : vector<16xi32>
    %select_n3A_546 = arith.select %ge3A_542, %sub3A_545, %select_n3A_539 : vector<16xi1>, vector<16xi32>
    %ge3A_547 = arith.constant 249984 : i32
    %ge3A_548 = vector.broadcast %ge3A_547 : i32 to vector<16xi32>
    %ge3A_549 = arith.cmpi sge, %select_n3A_546, %ge3A_548 : vector<16xi32>
    %sub3A_550 = arith.constant 249984 : i32
    %sub3A_551 = vector.broadcast %sub3A_550 : i32 to vector<16xi32>
    %sub3A_552 = arith.subi %select_n3A_546, %sub3A_551 : vector<16xi32>
    %select_n3A_553 = arith.select %ge3A_549, %sub3A_552, %select_n3A_546 : vector<16xi1>, vector<16xi32>
    %swap3A_554 = arith.constant 240 : index
    %swap3A_555 = tpu.vector_load %arg6[%swap3A_554] {strides = array<i32>} : memref<512xi32, #tpu.memory_space<vmem>>, vector<16xi32>,
    %swap3A_556 = vector.shape_cast %swap3A_555 : vector<16xi32> to vector<16xi32>
    %swap3A_557 = vector.shape_cast %select_n3A_553 : vector<16xi32> to vector<16xi32>
    tpu.vector_store %arg6[%swap3A_554], %swap3A_557 {strides = array<i32>} : memref<512xi32, #tpu.memory_space<vmem>>, vector<16xi32>,
    %get3A_558 = arith.constant 256 : index
    %get3A_559 = tpu.vector_load %arg5[%get3A_558] {strides = array<i32>} : memref<512xi32, #tpu.memory_space<vmem>>, vector<16xi32>,
    %get3A_560 = vector.shape_cast %get3A_559 : vector<16xi32> to vector<16xi32>
    %ge3A_561 = arith.constant 249984 : i32
    %ge3A_562 = vector.broadcast %ge3A_561 : i32 to vector<16xi32>
    %ge3A_563 = arith.cmpi sge, %get3A_560, %ge3A_562 : vector<16xi32>
    %sub3A_564 = arith.constant 249984 : i32
    %sub3A_565 = vector.broadcast %sub3A_564 : i32 to vector<16xi32>
    %sub3A_566 = arith.subi %get3A_560, %sub3A_565 : vector<16xi32>
    %select_n3A_567 = arith.select %ge3A_563, %sub3A_566, %get3A_560 : vector<16xi1>, vector<16xi32>
    %ge3A_568 = arith.constant 249984 : i32
    %ge3A_569 = vector.broadcast %ge3A_568 : i32 to vector<16xi32>
    %ge3A_570 = arith.cmpi sge, %select_n3A_567, %ge3A_569 : vector<16xi32>
    %sub3A_571 = arith.constant 249984 : i32
    %sub3A_572 = vector.broadcast %sub3A_571 : i32 to vector<16xi32>
    %sub3A_573 = arith.subi %select_n3A_567, %sub3A_572 : vector<16xi32>
    %select_n3A_574 = arith.select %ge3A_570, %sub3A_573, %select_n3A_567 : vector<16xi1>, vector<16xi32>
    %ge3A_575 = arith.constant 249984 : i32
    %ge3A_576 = vector.broadcast %ge3A_575 : i32 to vector<16xi32>
    %ge3A_577 = arith.cmpi sge, %select_n3A_574, %ge3A_576 : vector<16xi32>
    %sub3A_578 = arith.constant 249984 : i32
    %sub3A_579 = vector.broadcast %sub3A_578 : i32 to vector<16xi32>
    %sub3A_580 = arith.subi %select_n3A_574, %sub3A_579 : vector<16xi32>
    %select_n3A_581 = arith.select %ge3A_577, %sub3A_580, %select_n3A_574 : vector<16xi1>, vector<16xi32>
    %ge3A_582 = arith.constant 249984 : i32
    %ge3A_583 = vector.broadcast %ge3A_582 : i32 to vector<16xi32>
    %ge3A_584 = arith.cmpi sge, %select_n3A_581, %ge3A_583 : vector<16xi32>
    %sub3A_585 = arith.constant 249984 : i32
    %sub3A_586 = vector.broadcast %sub3A_585 : i32 to vector<16xi32>
    %sub3A_587 = arith.subi %select_n3A_581, %sub3A_586 : vector<16xi32>
    %select_n3A_588 = arith.select %ge3A_584, %sub3A_587, %select_n3A_581 : vector<16xi1>, vector<16xi32>
    %swap3A_589 = arith.constant 256 : index
    %swap3A_590 = tpu.vector_load %arg6[%swap3A_589] {strides = array<i32>} : memref<512xi32, #tpu.memory_space<vmem>>, vector<16xi32>,
    %swap3A_591 = vector.shape_cast %swap3A_590 : vector<16xi32> to vector<16xi32>
    %swap3A_592 = vector.shape_cast %select_n3A_588 : vector<16xi32> to vector<16xi32>
    tpu.vector_store %arg6[%swap3A_589], %swap3A_592 {strides = array<i32>} : memref<512xi32, #tpu.memory_space<vmem>>, vector<16xi32>,
    %get3A_593 = arith.constant 272 : index
    %get3A_594 = tpu.vector_load %arg5[%get3A_593] {strides = array<i32>} : memref<512xi32, #tpu.memory_space<vmem>>, vector<16xi32>,
    %get3A_595 = vector.shape_cast %get3A_594 : vector<16xi32> to vector<16xi32>
    %ge3A_596 = arith.constant 249984 : i32
    %ge3A_597 = vector.broadcast %ge3A_596 : i32 to vector<16xi32>
    %ge3A_598 = arith.cmpi sge, %get3A_595, %ge3A_597 : vector<16xi32>
    %sub3A_599 = arith.constant 249984 : i32
    %sub3A_600 = vector.broadcast %sub3A_599 : i32 to vector<16xi32>
    %sub3A_601 = arith.subi %get3A_595, %sub3A_600 : vector<16xi32>
    %select_n3A_602 = arith.select %ge3A_598, %sub3A_601, %get3A_595 : vector<16xi1>, vector<16xi32>
    %ge3A_603 = arith.constant 249984 : i32
    %ge3A_604 = vector.broadcast %ge3A_603 : i32 to vector<16xi32>
    %ge3A_605 = arith.cmpi sge, %select_n3A_602, %ge3A_604 : vector<16xi32>
    %sub3A_606 = arith.constant 249984 : i32
    %sub3A_607 = vector.broadcast %sub3A_606 : i32 to vector<16xi32>
    %sub3A_608 = arith.subi %select_n3A_602, %sub3A_607 : vector<16xi32>
    %select_n3A_609 = arith.select %ge3A_605, %sub3A_608, %select_n3A_602 : vector<16xi1>, vector<16xi32>
    %ge3A_610 = arith.constant 249984 : i32
    %ge3A_611 = vector.broadcast %ge3A_610 : i32 to vector<16xi32>
    %ge3A_612 = arith.cmpi sge, %select_n3A_609, %ge3A_611 : vector<16xi32>
    %sub3A_613 = arith.constant 249984 : i32
    %sub3A_614 = vector.broadcast %sub3A_613 : i32 to vector<16xi32>
    %sub3A_615 = arith.subi %select_n3A_609, %sub3A_614 : vector<16xi32>
    %select_n3A_616 = arith.select %ge3A_612, %sub3A_615, %select_n3A_609 : vector<16xi1>, vector<16xi32>
    %ge3A_617 = arith.constant 249984 : i32
    %ge3A_618 = vector.broadcast %ge3A_617 : i32 to vector<16xi32>
    %ge3A_619 = arith.cmpi sge, %select_n3A_616, %ge3A_618 : vector<16xi32>
    %sub3A_620 = arith.constant 249984 : i32
    %sub3A_621 = vector.broadcast %sub3A_620 : i32 to vector<16xi32>
    %sub3A_622 = arith.subi %select_n3A_616, %sub3A_621 : vector<16xi32>
    %select_n3A_623 = arith.select %ge3A_619, %sub3A_622, %select_n3A_616 : vector<16xi1>, vector<16xi32>
    %swap3A_624 = arith.constant 272 : index
    %swap3A_625 = tpu.vector_load %arg6[%swap3A_624] {strides = array<i32>} : memref<512xi32, #tpu.memory_space<vmem>>, vector<16xi32>,
    %swap3A_626 = vector.shape_cast %swap3A_625 : vector<16xi32> to vector<16xi32>
    %swap3A_627 = vector.shape_cast %select_n3A_623 : vector<16xi32> to vector<16xi32>
    tpu.vector_store %arg6[%swap3A_624], %swap3A_627 {strides = array<i32>} : memref<512xi32, #tpu.memory_space<vmem>>, vector<16xi32>,
    %get3A_628 = arith.constant 288 : index
    %get3A_629 = tpu.vector_load %arg5[%get3A_628] {strides = array<i32>} : memref<512xi32, #tpu.memory_space<vmem>>, vector<16xi32>,
    %get3A_630 = vector.shape_cast %get3A_629 : vector<16xi32> to vector<16xi32>
    %ge3A_631 = arith.constant 249984 : i32
    %ge3A_632 = vector.broadcast %ge3A_631 : i32 to vector<16xi32>
    %ge3A_633 = arith.cmpi sge, %get3A_630, %ge3A_632 : vector<16xi32>
    %sub3A_634 = arith.constant 249984 : i32
    %sub3A_635 = vector.broadcast %sub3A_634 : i32 to vector<16xi32>
    %sub3A_636 = arith.subi %get3A_630, %sub3A_635 : vector<16xi32>
    %select_n3A_637 = arith.select %ge3A_633, %sub3A_636, %get3A_630 : vector<16xi1>, vector<16xi32>
    %ge3A_638 = arith.constant 249984 : i32
    %ge3A_639 = vector.broadcast %ge3A_638 : i32 to vector<16xi32>
    %ge3A_640 = arith.cmpi sge, %select_n3A_637, %ge3A_639 : vector<16xi32>
    %sub3A_641 = arith.constant 249984 : i32
    %sub3A_642 = vector.broadcast %sub3A_641 : i32 to vector<16xi32>
    %sub3A_643 = arith.subi %select_n3A_637, %sub3A_642 : vector<16xi32>
    %select_n3A_644 = arith.select %ge3A_640, %sub3A_643, %select_n3A_637 : vector<16xi1>, vector<16xi32>
    %ge3A_645 = arith.constant 249984 : i32
    %ge3A_646 = vector.broadcast %ge3A_645 : i32 to vector<16xi32>
    %ge3A_647 = arith.cmpi sge, %select_n3A_644, %ge3A_646 : vector<16xi32>
    %sub3A_648 = arith.constant 249984 : i32
    %sub3A_649 = vector.broadcast %sub3A_648 : i32 to vector<16xi32>
    %sub3A_650 = arith.subi %select_n3A_644, %sub3A_649 : vector<16xi32>
    %select_n3A_651 = arith.select %ge3A_647, %sub3A_650, %select_n3A_644 : vector<16xi1>, vector<16xi32>
    %ge3A_652 = arith.constant 249984 : i32
    %ge3A_653 = vector.broadcast %ge3A_652 : i32 to vector<16xi32>
    %ge3A_654 = arith.cmpi sge, %select_n3A_651, %ge3A_653 : vector<16xi32>
    %sub3A_655 = arith.constant 249984 : i32
    %sub3A_656 = vector.broadcast %sub3A_655 : i32 to vector<16xi32>
    %sub3A_657 = arith.subi %select_n3A_651, %sub3A_656 : vector<16xi32>
    %select_n3A_658 = arith.select %ge3A_654, %sub3A_657, %select_n3A_651 : vector<16xi1>, vector<16xi32>
    %swap3A_659 = arith.constant 288 : index
    %swap3A_660 = tpu.vector_load %arg6[%swap3A_659] {strides = array<i32>} : memref<512xi32, #tpu.memory_space<vmem>>, vector<16xi32>,
    %swap3A_661 = vector.shape_cast %swap3A_660 : vector<16xi32> to vector<16xi32>
    %swap3A_662 = vector.shape_cast %select_n3A_658 : vector<16xi32> to vector<16xi32>
    tpu.vector_store %arg6[%swap3A_659], %swap3A_662 {strides = array<i32>} : memref<512xi32, #tpu.memory_space<vmem>>, vector<16xi32>,
    %get3A_663 = arith.constant 304 : index
    %get3A_664 = tpu.vector_load %arg5[%get3A_663] {strides = array<i32>} : memref<512xi32, #tpu.memory_space<vmem>>, vector<16xi32>,
    %get3A_665 = vector.shape_cast %get3A_664 : vector<16xi32> to vector<16xi32>
    %ge3A_666 = arith.constant 249984 : i32
    %ge3A_667 = vector.broadcast %ge3A_666 : i32 to vector<16xi32>
    %ge3A_668 = arith.cmpi sge, %get3A_665, %ge3A_667 : vector<16xi32>
    %sub3A_669 = arith.constant 249984 : i32
    %sub3A_670 = vector.broadcast %sub3A_669 : i32 to vector<16xi32>
    %sub3A_671 = arith.subi %get3A_665, %sub3A_670 : vector<16xi32>
    %select_n3A_672 = arith.select %ge3A_668, %sub3A_671, %get3A_665 : vector<16xi1>, vector<16xi32>
    %ge3A_673 = arith.constant 249984 : i32
    %ge3A_674 = vector.broadcast %ge3A_673 : i32 to vector<16xi32>
    %ge3A_675 = arith.cmpi sge, %select_n3A_672, %ge3A_674 : vector<16xi32>
    %sub3A_676 = arith.constant 249984 : i32
    %sub3A_677 = vector.broadcast %sub3A_676 : i32 to vector<16xi32>
    %sub3A_678 = arith.subi %select_n3A_672, %sub3A_677 : vector<16xi32>
    %select_n3A_679 = arith.select %ge3A_675, %sub3A_678, %select_n3A_672 : vector<16xi1>, vector<16xi32>
    %ge3A_680 = arith.constant 249984 : i32
    %ge3A_681 = vector.broadcast %ge3A_680 : i32 to vector<16xi32>
    %ge3A_682 = arith.cmpi sge, %select_n3A_679, %ge3A_681 : vector<16xi32>
    %sub3A_683 = arith.constant 249984 : i32
    %sub3A_684 = vector.broadcast %sub3A_683 : i32 to vector<16xi32>
    %sub3A_685 = arith.subi %select_n3A_679, %sub3A_684 : vector<16xi32>
    %select_n3A_686 = arith.select %ge3A_682, %sub3A_685, %select_n3A_679 : vector<16xi1>, vector<16xi32>
    %ge3A_687 = arith.constant 249984 : i32
    %ge3A_688 = vector.broadcast %ge3A_687 : i32 to vector<16xi32>
    %ge3A_689 = arith.cmpi sge, %select_n3A_686, %ge3A_688 : vector<16xi32>
    %sub3A_690 = arith.constant 249984 : i32
    %sub3A_691 = vector.broadcast %sub3A_690 : i32 to vector<16xi32>
    %sub3A_692 = arith.subi %select_n3A_686, %sub3A_691 : vector<16xi32>
    %select_n3A_693 = arith.select %ge3A_689, %sub3A_692, %select_n3A_686 : vector<16xi1>, vector<16xi32>
    %swap3A_694 = arith.constant 304 : index
    %swap3A_695 = tpu.vector_load %arg6[%swap3A_694] {strides = array<i32>} : memref<512xi32, #tpu.memory_space<vmem>>, vector<16xi32>,
    %swap3A_696 = vector.shape_cast %swap3A_695 : vector<16xi32> to vector<16xi32>
    %swap3A_697 = vector.shape_cast %select_n3A_693 : vector<16xi32> to vector<16xi32>
    tpu.vector_store %arg6[%swap3A_694], %swap3A_697 {strides = array<i32>} : memref<512xi32, #tpu.memory_space<vmem>>, vector<16xi32>,
    %get3A_698 = arith.constant 320 : index
    %get3A_699 = tpu.vector_load %arg5[%get3A_698] {strides = array<i32>} : memref<512xi32, #tpu.memory_space<vmem>>, vector<16xi32>,
    %get3A_700 = vector.shape_cast %get3A_699 : vector<16xi32> to vector<16xi32>
    %ge3A_701 = arith.constant 249984 : i32
    %ge3A_702 = vector.broadcast %ge3A_701 : i32 to vector<16xi32>
    %ge3A_703 = arith.cmpi sge, %get3A_700, %ge3A_702 : vector<16xi32>
    %sub3A_704 = arith.constant 249984 : i32
    %sub3A_705 = vector.broadcast %sub3A_704 : i32 to vector<16xi32>
    %sub3A_706 = arith.subi %get3A_700, %sub3A_705 : vector<16xi32>
    %select_n3A_707 = arith.select %ge3A_703, %sub3A_706, %get3A_700 : vector<16xi1>, vector<16xi32>
    %ge3A_708 = arith.constant 249984 : i32
    %ge3A_709 = vector.broadcast %ge3A_708 : i32 to vector<16xi32>
    %ge3A_710 = arith.cmpi sge, %select_n3A_707, %ge3A_709 : vector<16xi32>
    %sub3A_711 = arith.constant 249984 : i32
    %sub3A_712 = vector.broadcast %sub3A_711 : i32 to vector<16xi32>
    %sub3A_713 = arith.subi %select_n3A_707, %sub3A_712 : vector<16xi32>
    %select_n3A_714 = arith.select %ge3A_710, %sub3A_713, %select_n3A_707 : vector<16xi1>, vector<16xi32>
    %ge3A_715 = arith.constant 249984 : i32
    %ge3A_716 = vector.broadcast %ge3A_715 : i32 to vector<16xi32>
    %ge3A_717 = arith.cmpi sge, %select_n3A_714, %ge3A_716 : vector<16xi32>
    %sub3A_718 = arith.constant 249984 : i32
    %sub3A_719 = vector.broadcast %sub3A_718 : i32 to vector<16xi32>
    %sub3A_720 = arith.subi %select_n3A_714, %sub3A_719 : vector<16xi32>
    %select_n3A_721 = arith.select %ge3A_717, %sub3A_720, %select_n3A_714 : vector<16xi1>, vector<16xi32>
    %ge3A_722 = arith.constant 249984 : i32
    %ge3A_723 = vector.broadcast %ge3A_722 : i32 to vector<16xi32>
    %ge3A_724 = arith.cmpi sge, %select_n3A_721, %ge3A_723 : vector<16xi32>
    %sub3A_725 = arith.constant 249984 : i32
    %sub3A_726 = vector.broadcast %sub3A_725 : i32 to vector<16xi32>
    %sub3A_727 = arith.subi %select_n3A_721, %sub3A_726 : vector<16xi32>
    %select_n3A_728 = arith.select %ge3A_724, %sub3A_727, %select_n3A_721 : vector<16xi1>, vector<16xi32>
    %swap3A_729 = arith.constant 320 : index
    %swap3A_730 = tpu.vector_load %arg6[%swap3A_729] {strides = array<i32>} : memref<512xi32, #tpu.memory_space<vmem>>, vector<16xi32>,
    %swap3A_731 = vector.shape_cast %swap3A_730 : vector<16xi32> to vector<16xi32>
    %swap3A_732 = vector.shape_cast %select_n3A_728 : vector<16xi32> to vector<16xi32>
    tpu.vector_store %arg6[%swap3A_729], %swap3A_732 {strides = array<i32>} : memref<512xi32, #tpu.memory_space<vmem>>, vector<16xi32>,
    %get3A_733 = arith.constant 336 : index
    %get3A_734 = tpu.vector_load %arg5[%get3A_733] {strides = array<i32>} : memref<512xi32, #tpu.memory_space<vmem>>, vector<16xi32>,
    %get3A_735 = vector.shape_cast %get3A_734 : vector<16xi32> to vector<16xi32>
    %ge3A_736 = arith.constant 249984 : i32
    %ge3A_737 = vector.broadcast %ge3A_736 : i32 to vector<16xi32>
    %ge3A_738 = arith.cmpi sge, %get3A_735, %ge3A_737 : vector<16xi32>
    %sub3A_739 = arith.constant 249984 : i32
    %sub3A_740 = vector.broadcast %sub3A_739 : i32 to vector<16xi32>
    %sub3A_741 = arith.subi %get3A_735, %sub3A_740 : vector<16xi32>
    %select_n3A_742 = arith.select %ge3A_738, %sub3A_741, %get3A_735 : vector<16xi1>, vector<16xi32>
    %ge3A_743 = arith.constant 249984 : i32
    %ge3A_744 = vector.broadcast %ge3A_743 : i32 to vector<16xi32>
    %ge3A_745 = arith.cmpi sge, %select_n3A_742, %ge3A_744 : vector<16xi32>
    %sub3A_746 = arith.constant 249984 : i32
    %sub3A_747 = vector.broadcast %sub3A_746 : i32 to vector<16xi32>
    %sub3A_748 = arith.subi %select_n3A_742, %sub3A_747 : vector<16xi32>
    %select_n3A_749 = arith.select %ge3A_745, %sub3A_748, %select_n3A_742 : vector<16xi1>, vector<16xi32>
    %ge3A_750 = arith.constant 249984 : i32
    %ge3A_751 = vector.broadcast %ge3A_750 : i32 to vector<16xi32>
    %ge3A_752 = arith.cmpi sge, %select_n3A_749, %ge3A_751 : vector<16xi32>
    %sub3A_753 = arith.constant 249984 : i32
    %sub3A_754 = vector.broadcast %sub3A_753 : i32 to vector<16xi32>
    %sub3A_755 = arith.subi %select_n3A_749, %sub3A_754 : vector<16xi32>
    %select_n3A_756 = arith.select %ge3A_752, %sub3A_755, %select_n3A_749 : vector<16xi1>, vector<16xi32>
    %ge3A_757 = arith.constant 249984 : i32
    %ge3A_758 = vector.broadcast %ge3A_757 : i32 to vector<16xi32>
    %ge3A_759 = arith.cmpi sge, %select_n3A_756, %ge3A_758 : vector<16xi32>
    %sub3A_760 = arith.constant 249984 : i32
    %sub3A_761 = vector.broadcast %sub3A_760 : i32 to vector<16xi32>
    %sub3A_762 = arith.subi %select_n3A_756, %sub3A_761 : vector<16xi32>
    %select_n3A_763 = arith.select %ge3A_759, %sub3A_762, %select_n3A_756 : vector<16xi1>, vector<16xi32>
    %swap3A_764 = arith.constant 336 : index
    %swap3A_765 = tpu.vector_load %arg6[%swap3A_764] {strides = array<i32>} : memref<512xi32, #tpu.memory_space<vmem>>, vector<16xi32>,
    %swap3A_766 = vector.shape_cast %swap3A_765 : vector<16xi32> to vector<16xi32>
    %swap3A_767 = vector.shape_cast %select_n3A_763 : vector<16xi32> to vector<16xi32>
    tpu.vector_store %arg6[%swap3A_764], %swap3A_767 {strides = array<i32>} : memref<512xi32, #tpu.memory_space<vmem>>, vector<16xi32>,
    %get3A_768 = arith.constant 352 : index
    %get3A_769 = tpu.vector_load %arg5[%get3A_768] {strides = array<i32>} : memref<512xi32, #tpu.memory_space<vmem>>, vector<16xi32>,
    %get3A_770 = vector.shape_cast %get3A_769 : vector<16xi32> to vector<16xi32>
    %ge3A_771 = arith.constant 249984 : i32
    %ge3A_772 = vector.broadcast %ge3A_771 : i32 to vector<16xi32>
    %ge3A_773 = arith.cmpi sge, %get3A_770, %ge3A_772 : vector<16xi32>
    %sub3A_774 = arith.constant 249984 : i32
    %sub3A_775 = vector.broadcast %sub3A_774 : i32 to vector<16xi32>
    %sub3A_776 = arith.subi %get3A_770, %sub3A_775 : vector<16xi32>
    %select_n3A_777 = arith.select %ge3A_773, %sub3A_776, %get3A_770 : vector<16xi1>, vector<16xi32>
    %ge3A_778 = arith.constant 249984 : i32
    %ge3A_779 = vector.broadcast %ge3A_778 : i32 to vector<16xi32>
    %ge3A_780 = arith.cmpi sge, %select_n3A_777, %ge3A_779 : vector<16xi32>
    %sub3A_781 = arith.constant 249984 : i32
    %sub3A_782 = vector.broadcast %sub3A_781 : i32 to vector<16xi32>
    %sub3A_783 = arith.subi %select_n3A_777, %sub3A_782 : vector<16xi32>
    %select_n3A_784 = arith.select %ge3A_780, %sub3A_783, %select_n3A_777 : vector<16xi1>, vector<16xi32>
    %ge3A_785 = arith.constant 249984 : i32
    %ge3A_786 = vector.broadcast %ge3A_785 : i32 to vector<16xi32>
    %ge3A_787 = arith.cmpi sge, %select_n3A_784, %ge3A_786 : vector<16xi32>
    %sub3A_788 = arith.constant 249984 : i32
    %sub3A_789 = vector.broadcast %sub3A_788 : i32 to vector<16xi32>
    %sub3A_790 = arith.subi %select_n3A_784, %sub3A_789 : vector<16xi32>
    %select_n3A_791 = arith.select %ge3A_787, %sub3A_790, %select_n3A_784 : vector<16xi1>, vector<16xi32>
    %ge3A_792 = arith.constant 249984 : i32
    %ge3A_793 = vector.broadcast %ge3A_792 : i32 to vector<16xi32>
    %ge3A_794 = arith.cmpi sge, %select_n3A_791, %ge3A_793 : vector<16xi32>
    %sub3A_795 = arith.constant 249984 : i32
    %sub3A_796 = vector.broadcast %sub3A_795 : i32 to vector<16xi32>
    %sub3A_797 = arith.subi %select_n3A_791, %sub3A_796 : vector<16xi32>
    %select_n3A_798 = arith.select %ge3A_794, %sub3A_797, %select_n3A_791 : vector<16xi1>, vector<16xi32>
    %swap3A_799 = arith.constant 352 : index
    %swap3A_800 = tpu.vector_load %arg6[%swap3A_799] {strides = array<i32>} : memref<512xi32, #tpu.memory_space<vmem>>, vector<16xi32>,
    %swap3A_801 = vector.shape_cast %swap3A_800 : vector<16xi32> to vector<16xi32>
    %swap3A_802 = vector.shape_cast %select_n3A_798 : vector<16xi32> to vector<16xi32>
    tpu.vector_store %arg6[%swap3A_799], %swap3A_802 {strides = array<i32>} : memref<512xi32, #tpu.memory_space<vmem>>, vector<16xi32>,
    %get3A_803 = arith.constant 368 : index
    %get3A_804 = tpu.vector_load %arg5[%get3A_803] {strides = array<i32>} : memref<512xi32, #tpu.memory_space<vmem>>, vector<16xi32>,
    %get3A_805 = vector.shape_cast %get3A_804 : vector<16xi32> to vector<16xi32>
    %ge3A_806 = arith.constant 249984 : i32
    %ge3A_807 = vector.broadcast %ge3A_806 : i32 to vector<16xi32>
    %ge3A_808 = arith.cmpi sge, %get3A_805, %ge3A_807 : vector<16xi32>
    %sub3A_809 = arith.constant 249984 : i32
    %sub3A_810 = vector.broadcast %sub3A_809 : i32 to vector<16xi32>
    %sub3A_811 = arith.subi %get3A_805, %sub3A_810 : vector<16xi32>
    %select_n3A_812 = arith.select %ge3A_808, %sub3A_811, %get3A_805 : vector<16xi1>, vector<16xi32>
    %ge3A_813 = arith.constant 249984 : i32
    %ge3A_814 = vector.broadcast %ge3A_813 : i32 to vector<16xi32>
    %ge3A_815 = arith.cmpi sge, %select_n3A_812, %ge3A_814 : vector<16xi32>
    %sub3A_816 = arith.constant 249984 : i32
    %sub3A_817 = vector.broadcast %sub3A_816 : i32 to vector<16xi32>
    %sub3A_818 = arith.subi %select_n3A_812, %sub3A_817 : vector<16xi32>
    %select_n3A_819 = arith.select %ge3A_815, %sub3A_818, %select_n3A_812 : vector<16xi1>, vector<16xi32>
    %ge3A_820 = arith.constant 249984 : i32
    %ge3A_821 = vector.broadcast %ge3A_820 : i32 to vector<16xi32>
    %ge3A_822 = arith.cmpi sge, %select_n3A_819, %ge3A_821 : vector<16xi32>
    %sub3A_823 = arith.constant 249984 : i32
    %sub3A_824 = vector.broadcast %sub3A_823 : i32 to vector<16xi32>
    %sub3A_825 = arith.subi %select_n3A_819, %sub3A_824 : vector<16xi32>
    %select_n3A_826 = arith.select %ge3A_822, %sub3A_825, %select_n3A_819 : vector<16xi1>, vector<16xi32>
    %ge3A_827 = arith.constant 249984 : i32
    %ge3A_828 = vector.broadcast %ge3A_827 : i32 to vector<16xi32>
    %ge3A_829 = arith.cmpi sge, %select_n3A_826, %ge3A_828 : vector<16xi32>
    %sub3A_830 = arith.constant 249984 : i32
    %sub3A_831 = vector.broadcast %sub3A_830 : i32 to vector<16xi32>
    %sub3A_832 = arith.subi %select_n3A_826, %sub3A_831 : vector<16xi32>
    %select_n3A_833 = arith.select %ge3A_829, %sub3A_832, %select_n3A_826 : vector<16xi1>, vector<16xi32>
    %swap3A_834 = arith.constant 368 : index
    %swap3A_835 = tpu.vector_load %arg6[%swap3A_834] {strides = array<i32>} : memref<512xi32, #tpu.memory_space<vmem>>, vector<16xi32>,
    %swap3A_836 = vector.shape_cast %swap3A_835 : vector<16xi32> to vector<16xi32>
    %swap3A_837 = vector.shape_cast %select_n3A_833 : vector<16xi32> to vector<16xi32>
    tpu.vector_store %arg6[%swap3A_834], %swap3A_837 {strides = array<i32>} : memref<512xi32, #tpu.memory_space<vmem>>, vector<16xi32>,
    %get3A_838 = arith.constant 384 : index
    %get3A_839 = tpu.vector_load %arg5[%get3A_838] {strides = array<i32>} : memref<512xi32, #tpu.memory_space<vmem>>, vector<16xi32>,
    %get3A_840 = vector.shape_cast %get3A_839 : vector<16xi32> to vector<16xi32>
    %ge3A_841 = arith.constant 249984 : i32
    %ge3A_842 = vector.broadcast %ge3A_841 : i32 to vector<16xi32>
    %ge3A_843 = arith.cmpi sge, %get3A_840, %ge3A_842 : vector<16xi32>
    %sub3A_844 = arith.constant 249984 : i32
    %sub3A_845 = vector.broadcast %sub3A_844 : i32 to vector<16xi32>
    %sub3A_846 = arith.subi %get3A_840, %sub3A_845 : vector<16xi32>
    %select_n3A_847 = arith.select %ge3A_843, %sub3A_846, %get3A_840 : vector<16xi1>, vector<16xi32>
    %ge3A_848 = arith.constant 249984 : i32
    %ge3A_849 = vector.broadcast %ge3A_848 : i32 to vector<16xi32>
    %ge3A_850 = arith.cmpi sge, %select_n3A_847, %ge3A_849 : vector<16xi32>
    %sub3A_851 = arith.constant 249984 : i32
    %sub3A_852 = vector.broadcast %sub3A_851 : i32 to vector<16xi32>
    %sub3A_853 = arith.subi %select_n3A_847, %sub3A_852 : vector<16xi32>
    %select_n3A_854 = arith.select %ge3A_850, %sub3A_853, %select_n3A_847 : vector<16xi1>, vector<16xi32>
    %ge3A_855 = arith.constant 249984 : i32
    %ge3A_856 = vector.broadcast %ge3A_855 : i32 to vector<16xi32>
    %ge3A_857 = arith.cmpi sge, %select_n3A_854, %ge3A_856 : vector<16xi32>
    %sub3A_858 = arith.constant 249984 : i32
    %sub3A_859 = vector.broadcast %sub3A_858 : i32 to vector<16xi32>
    %sub3A_860 = arith.subi %select_n3A_854, %sub3A_859 : vector<16xi32>
    %select_n3A_861 = arith.select %ge3A_857, %sub3A_860, %select_n3A_854 : vector<16xi1>, vector<16xi32>
    %ge3A_862 = arith.constant 249984 : i32
    %ge3A_863 = vector.broadcast %ge3A_862 : i32 to vector<16xi32>
    %ge3A_864 = arith.cmpi sge, %select_n3A_861, %ge3A_863 : vector<16xi32>
    %sub3A_865 = arith.constant 249984 : i32
    %sub3A_866 = vector.broadcast %sub3A_865 : i32 to vector<16xi32>
    %sub3A_867 = arith.subi %select_n3A_861, %sub3A_866 : vector<16xi32>
    %select_n3A_868 = arith.select %ge3A_864, %sub3A_867, %select_n3A_861 : vector<16xi1>, vector<16xi32>
    %swap3A_869 = arith.constant 384 : index
    %swap3A_870 = tpu.vector_load %arg6[%swap3A_869] {strides = array<i32>} : memref<512xi32, #tpu.memory_space<vmem>>, vector<16xi32>,
    %swap3A_871 = vector.shape_cast %swap3A_870 : vector<16xi32> to vector<16xi32>
    %swap3A_872 = vector.shape_cast %select_n3A_868 : vector<16xi32> to vector<16xi32>
    tpu.vector_store %arg6[%swap3A_869], %swap3A_872 {strides = array<i32>} : memref<512xi32, #tpu.memory_space<vmem>>, vector<16xi32>,
    %get3A_873 = arith.constant 400 : index
    %get3A_874 = tpu.vector_load %arg5[%get3A_873] {strides = array<i32>} : memref<512xi32, #tpu.memory_space<vmem>>, vector<16xi32>,
    %get3A_875 = vector.shape_cast %get3A_874 : vector<16xi32> to vector<16xi32>
    %ge3A_876 = arith.constant 249984 : i32
    %ge3A_877 = vector.broadcast %ge3A_876 : i32 to vector<16xi32>
    %ge3A_878 = arith.cmpi sge, %get3A_875, %ge3A_877 : vector<16xi32>
    %sub3A_879 = arith.constant 249984 : i32
    %sub3A_880 = vector.broadcast %sub3A_879 : i32 to vector<16xi32>
    %sub3A_881 = arith.subi %get3A_875, %sub3A_880 : vector<16xi32>
    %select_n3A_882 = arith.select %ge3A_878, %sub3A_881, %get3A_875 : vector<16xi1>, vector<16xi32>
    %ge3A_883 = arith.constant 249984 : i32
    %ge3A_884 = vector.broadcast %ge3A_883 : i32 to vector<16xi32>
    %ge3A_885 = arith.cmpi sge, %select_n3A_882, %ge3A_884 : vector<16xi32>
    %sub3A_886 = arith.constant 249984 : i32
    %sub3A_887 = vector.broadcast %sub3A_886 : i32 to vector<16xi32>
    %sub3A_888 = arith.subi %select_n3A_882, %sub3A_887 : vector<16xi32>
    %select_n3A_889 = arith.select %ge3A_885, %sub3A_888, %select_n3A_882 : vector<16xi1>, vector<16xi32>
    %ge3A_890 = arith.constant 249984 : i32
    %ge3A_891 = vector.broadcast %ge3A_890 : i32 to vector<16xi32>
    %ge3A_892 = arith.cmpi sge, %select_n3A_889, %ge3A_891 : vector<16xi32>
    %sub3A_893 = arith.constant 249984 : i32
    %sub3A_894 = vector.broadcast %sub3A_893 : i32 to vector<16xi32>
    %sub3A_895 = arith.subi %select_n3A_889, %sub3A_894 : vector<16xi32>
    %select_n3A_896 = arith.select %ge3A_892, %sub3A_895, %select_n3A_889 : vector<16xi1>, vector<16xi32>
    %ge3A_897 = arith.constant 249984 : i32
    %ge3A_898 = vector.broadcast %ge3A_897 : i32 to vector<16xi32>
    %ge3A_899 = arith.cmpi sge, %select_n3A_896, %ge3A_898 : vector<16xi32>
    %sub3A_900 = arith.constant 249984 : i32
    %sub3A_901 = vector.broadcast %sub3A_900 : i32 to vector<16xi32>
    %sub3A_902 = arith.subi %select_n3A_896, %sub3A_901 : vector<16xi32>
    %select_n3A_903 = arith.select %ge3A_899, %sub3A_902, %select_n3A_896 : vector<16xi1>, vector<16xi32>
    %swap3A_904 = arith.constant 400 : index
    %swap3A_905 = tpu.vector_load %arg6[%swap3A_904] {strides = array<i32>} : memref<512xi32, #tpu.memory_space<vmem>>, vector<16xi32>,
    %swap3A_906 = vector.shape_cast %swap3A_905 : vector<16xi32> to vector<16xi32>
    %swap3A_907 = vector.shape_cast %select_n3A_903 : vector<16xi32> to vector<16xi32>
    tpu.vector_store %arg6[%swap3A_904], %swap3A_907 {strides = array<i32>} : memref<512xi32, #tpu.memory_space<vmem>>, vector<16xi32>,
    %get3A_908 = arith.constant 416 : index
    %get3A_909 = tpu.vector_load %arg5[%get3A_908] {strides = array<i32>} : memref<512xi32, #tpu.memory_space<vmem>>, vector<16xi32>,
    %get3A_910 = vector.shape_cast %get3A_909 : vector<16xi32> to vector<16xi32>
    %ge3A_911 = arith.constant 249984 : i32
    %ge3A_912 = vector.broadcast %ge3A_911 : i32 to vector<16xi32>
    %ge3A_913 = arith.cmpi sge, %get3A_910, %ge3A_912 : vector<16xi32>
    %sub3A_914 = arith.constant 249984 : i32
    %sub3A_915 = vector.broadcast %sub3A_914 : i32 to vector<16xi32>
    %sub3A_916 = arith.subi %get3A_910, %sub3A_915 : vector<16xi32>
    %select_n3A_917 = arith.select %ge3A_913, %sub3A_916, %get3A_910 : vector<16xi1>, vector<16xi32>
    %ge3A_918 = arith.constant 249984 : i32
    %ge3A_919 = vector.broadcast %ge3A_918 : i32 to vector<16xi32>
    %ge3A_920 = arith.cmpi sge, %select_n3A_917, %ge3A_919 : vector<16xi32>
    %sub3A_921 = arith.constant 249984 : i32
    %sub3A_922 = vector.broadcast %sub3A_921 : i32 to vector<16xi32>
    %sub3A_923 = arith.subi %select_n3A_917, %sub3A_922 : vector<16xi32>
    %select_n3A_924 = arith.select %ge3A_920, %sub3A_923, %select_n3A_917 : vector<16xi1>, vector<16xi32>
    %ge3A_925 = arith.constant 249984 : i32
    %ge3A_926 = vector.broadcast %ge3A_925 : i32 to vector<16xi32>
    %ge3A_927 = arith.cmpi sge, %select_n3A_924, %ge3A_926 : vector<16xi32>
    %sub3A_928 = arith.constant 249984 : i32
    %sub3A_929 = vector.broadcast %sub3A_928 : i32 to vector<16xi32>
    %sub3A_930 = arith.subi %select_n3A_924, %sub3A_929 : vector<16xi32>
    %select_n3A_931 = arith.select %ge3A_927, %sub3A_930, %select_n3A_924 : vector<16xi1>, vector<16xi32>
    %ge3A_932 = arith.constant 249984 : i32
    %ge3A_933 = vector.broadcast %ge3A_932 : i32 to vector<16xi32>
    %ge3A_934 = arith.cmpi sge, %select_n3A_931, %ge3A_933 : vector<16xi32>
    %sub3A_935 = arith.constant 249984 : i32
    %sub3A_936 = vector.broadcast %sub3A_935 : i32 to vector<16xi32>
    %sub3A_937 = arith.subi %select_n3A_931, %sub3A_936 : vector<16xi32>
    %select_n3A_938 = arith.select %ge3A_934, %sub3A_937, %select_n3A_931 : vector<16xi1>, vector<16xi32>
    %swap3A_939 = arith.constant 416 : index
    %swap3A_940 = tpu.vector_load %arg6[%swap3A_939] {strides = array<i32>} : memref<512xi32, #tpu.memory_space<vmem>>, vector<16xi32>,
    %swap3A_941 = vector.shape_cast %swap3A_940 : vector<16xi32> to vector<16xi32>
    %swap3A_942 = vector.shape_cast %select_n3A_938 : vector<16xi32> to vector<16xi32>
    tpu.vector_store %arg6[%swap3A_939], %swap3A_942 {strides = array<i32>} : memref<512xi32, #tpu.memory_space<vmem>>, vector<16xi32>,
    %get3A_943 = arith.constant 432 : index
    %get3A_944 = tpu.vector_load %arg5[%get3A_943] {strides = array<i32>} : memref<512xi32, #tpu.memory_space<vmem>>, vector<16xi32>,
    %get3A_945 = vector.shape_cast %get3A_944 : vector<16xi32> to vector<16xi32>
    %ge3A_946 = arith.constant 249984 : i32
    %ge3A_947 = vector.broadcast %ge3A_946 : i32 to vector<16xi32>
    %ge3A_948 = arith.cmpi sge, %get3A_945, %ge3A_947 : vector<16xi32>
    %sub3A_949 = arith.constant 249984 : i32
    %sub3A_950 = vector.broadcast %sub3A_949 : i32 to vector<16xi32>
    %sub3A_951 = arith.subi %get3A_945, %sub3A_950 : vector<16xi32>
    %select_n3A_952 = arith.select %ge3A_948, %sub3A_951, %get3A_945 : vector<16xi1>, vector<16xi32>
    %ge3A_953 = arith.constant 249984 : i32
    %ge3A_954 = vector.broadcast %ge3A_953 : i32 to vector<16xi32>
    %ge3A_955 = arith.cmpi sge, %select_n3A_952, %ge3A_954 : vector<16xi32>
    %sub3A_956 = arith.constant 249984 : i32
    %sub3A_957 = vector.broadcast %sub3A_956 : i32 to vector<16xi32>
    %sub3A_958 = arith.subi %select_n3A_952, %sub3A_957 : vector<16xi32>
    %select_n3A_959 = arith.select %ge3A_955, %sub3A_958, %select_n3A_952 : vector<16xi1>, vector<16xi32>
    %ge3A_960 = arith.constant 249984 : i32
    %ge3A_961 = vector.broadcast %ge3A_960 : i32 to vector<16xi32>
    %ge3A_962 = arith.cmpi sge, %select_n3A_959, %ge3A_961 : vector<16xi32>
    %sub3A_963 = arith.constant 249984 : i32
    %sub3A_964 = vector.broadcast %sub3A_963 : i32 to vector<16xi32>
    %sub3A_965 = arith.subi %select_n3A_959, %sub3A_964 : vector<16xi32>
    %select_n3A_966 = arith.select %ge3A_962, %sub3A_965, %select_n3A_959 : vector<16xi1>, vector<16xi32>
    %ge3A_967 = arith.constant 249984 : i32
    %ge3A_968 = vector.broadcast %ge3A_967 : i32 to vector<16xi32>
    %ge3A_969 = arith.cmpi sge, %select_n3A_966, %ge3A_968 : vector<16xi32>
    %sub3A_970 = arith.constant 249984 : i32
    %sub3A_971 = vector.broadcast %sub3A_970 : i32 to vector<16xi32>
    %sub3A_972 = arith.subi %select_n3A_966, %sub3A_971 : vector<16xi32>
    %select_n3A_973 = arith.select %ge3A_969, %sub3A_972, %select_n3A_966 : vector<16xi1>, vector<16xi32>
    %swap3A_974 = arith.constant 432 : index
    %swap3A_975 = tpu.vector_load %arg6[%swap3A_974] {strides = array<i32>} : memref<512xi32, #tpu.memory_space<vmem>>, vector<16xi32>,
    %swap3A_976 = vector.shape_cast %swap3A_975 : vector<16xi32> to vector<16xi32>
    %swap3A_977 = vector.shape_cast %select_n3A_973 : vector<16xi32> to vector<16xi32>
    tpu.vector_store %arg6[%swap3A_974], %swap3A_977 {strides = array<i32>} : memref<512xi32, #tpu.memory_space<vmem>>, vector<16xi32>,
    %get3A_978 = arith.constant 448 : index
    %get3A_979 = tpu.vector_load %arg5[%get3A_978] {strides = array<i32>} : memref<512xi32, #tpu.memory_space<vmem>>, vector<16xi32>,
    %get3A_980 = vector.shape_cast %get3A_979 : vector<16xi32> to vector<16xi32>
    %ge3A_981 = arith.constant 249984 : i32
    %ge3A_982 = vector.broadcast %ge3A_981 : i32 to vector<16xi32>
    %ge3A_983 = arith.cmpi sge, %get3A_980, %ge3A_982 : vector<16xi32>
    %sub3A_984 = arith.constant 249984 : i32
    %sub3A_985 = vector.broadcast %sub3A_984 : i32 to vector<16xi32>
    %sub3A_986 = arith.subi %get3A_980, %sub3A_985 : vector<16xi32>
    %select_n3A_987 = arith.select %ge3A_983, %sub3A_986, %get3A_980 : vector<16xi1>, vector<16xi32>
    %ge3A_988 = arith.constant 249984 : i32
    %ge3A_989 = vector.broadcast %ge3A_988 : i32 to vector<16xi32>
    %ge3A_990 = arith.cmpi sge, %select_n3A_987, %ge3A_989 : vector<16xi32>
    %sub3A_991 = arith.constant 249984 : i32
    %sub3A_992 = vector.broadcast %sub3A_991 : i32 to vector<16xi32>
    %sub3A_993 = arith.subi %select_n3A_987, %sub3A_992 : vector<16xi32>
    %select_n3A_994 = arith.select %ge3A_990, %sub3A_993, %select_n3A_987 : vector<16xi1>, vector<16xi32>
    %ge3A_995 = arith.constant 249984 : i32
    %ge3A_996 = vector.broadcast %ge3A_995 : i32 to vector<16xi32>
    %ge3A_997 = arith.cmpi sge, %select_n3A_994, %ge3A_996 : vector<16xi32>
    %sub3A_998 = arith.constant 249984 : i32
    %sub3A_999 = vector.broadcast %sub3A_998 : i32 to vector<16xi32>
    %sub3A_1000 = arith.subi %select_n3A_994, %sub3A_999 : vector<16xi32>
    %select_n3A_1001 = arith.select %ge3A_997, %sub3A_1000, %select_n3A_994 : vector<16xi1>, vector<16xi32>
    %ge3A_1002 = arith.constant 249984 : i32
    %ge3A_1003 = vector.broadcast %ge3A_1002 : i32 to vector<16xi32>
    %ge3A_1004 = arith.cmpi sge, %select_n3A_1001, %ge3A_1003 : vector<16xi32>
    %sub3A_1005 = arith.constant 249984 : i32
    %sub3A_1006 = vector.broadcast %sub3A_1005 : i32 to vector<16xi32>
    %sub3A_1007 = arith.subi %select_n3A_1001, %sub3A_1006 : vector<16xi32>
    %select_n3A_1008 = arith.select %ge3A_1004, %sub3A_1007, %select_n3A_1001 : vector<16xi1>, vector<16xi32>
    %swap3A_1009 = arith.constant 448 : index
    %swap3A_1010 = tpu.vector_load %arg6[%swap3A_1009] {strides = array<i32>} : memref<512xi32, #tpu.memory_space<vmem>>, vector<16xi32>,
    %swap3A_1011 = vector.shape_cast %swap3A_1010 : vector<16xi32> to vector<16xi32>
    %swap3A_1012 = vector.shape_cast %select_n3A_1008 : vector<16xi32> to vector<16xi32>
    tpu.vector_store %arg6[%swap3A_1009], %swap3A_1012 {strides = array<i32>} : memref<512xi32, #tpu.memory_space<vmem>>, vector<16xi32>,
    %get3A_1013 = arith.constant 464 : index
    %get3A_1014 = tpu.vector_load %arg5[%get3A_1013] {strides = array<i32>} : memref<512xi32, #tpu.memory_space<vmem>>, vector<16xi32>,
    %get3A_1015 = vector.shape_cast %get3A_1014 : vector<16xi32> to vector<16xi32>
    %ge3A_1016 = arith.constant 249984 : i32
    %ge3A_1017 = vector.broadcast %ge3A_1016 : i32 to vector<16xi32>
    %ge3A_1018 = arith.cmpi sge, %get3A_1015, %ge3A_1017 : vector<16xi32>
    %sub3A_1019 = arith.constant 249984 : i32
    %sub3A_1020 = vector.broadcast %sub3A_1019 : i32 to vector<16xi32>
    %sub3A_1021 = arith.subi %get3A_1015, %sub3A_1020 : vector<16xi32>
    %select_n3A_1022 = arith.select %ge3A_1018, %sub3A_1021, %get3A_1015 : vector<16xi1>, vector<16xi32>
    %ge3A_1023 = arith.constant 249984 : i32
    %ge3A_1024 = vector.broadcast %ge3A_1023 : i32 to vector<16xi32>
    %ge3A_1025 = arith.cmpi sge, %select_n3A_1022, %ge3A_1024 : vector<16xi32>
    %sub3A_1026 = arith.constant 249984 : i32
    %sub3A_1027 = vector.broadcast %sub3A_1026 : i32 to vector<16xi32>
    %sub3A_1028 = arith.subi %select_n3A_1022, %sub3A_1027 : vector<16xi32>
    %select_n3A_1029 = arith.select %ge3A_1025, %sub3A_1028, %select_n3A_1022 : vector<16xi1>, vector<16xi32>
    %ge3A_1030 = arith.constant 249984 : i32
    %ge3A_1031 = vector.broadcast %ge3A_1030 : i32 to vector<16xi32>
    %ge3A_1032 = arith.cmpi sge, %select_n3A_1029, %ge3A_1031 : vector<16xi32>
    %sub3A_1033 = arith.constant 249984 : i32
    %sub3A_1034 = vector.broadcast %sub3A_1033 : i32 to vector<16xi32>
    %sub3A_1035 = arith.subi %select_n3A_1029, %sub3A_1034 : vector<16xi32>
    %select_n3A_1036 = arith.select %ge3A_1032, %sub3A_1035, %select_n3A_1029 : vector<16xi1>, vector<16xi32>
    %ge3A_1037 = arith.constant 249984 : i32
    %ge3A_1038 = vector.broadcast %ge3A_1037 : i32 to vector<16xi32>
    %ge3A_1039 = arith.cmpi sge, %select_n3A_1036, %ge3A_1038 : vector<16xi32>
    %sub3A_1040 = arith.constant 249984 : i32
    %sub3A_1041 = vector.broadcast %sub3A_1040 : i32 to vector<16xi32>
    %sub3A_1042 = arith.subi %select_n3A_1036, %sub3A_1041 : vector<16xi32>
    %select_n3A_1043 = arith.select %ge3A_1039, %sub3A_1042, %select_n3A_1036 : vector<16xi1>, vector<16xi32>
    %swap3A_1044 = arith.constant 464 : index
    %swap3A_1045 = tpu.vector_load %arg6[%swap3A_1044] {strides = array<i32>} : memref<512xi32, #tpu.memory_space<vmem>>, vector<16xi32>,
    %swap3A_1046 = vector.shape_cast %swap3A_1045 : vector<16xi32> to vector<16xi32>
    %swap3A_1047 = vector.shape_cast %select_n3A_1043 : vector<16xi32> to vector<16xi32>
    tpu.vector_store %arg6[%swap3A_1044], %swap3A_1047 {strides = array<i32>} : memref<512xi32, #tpu.memory_space<vmem>>, vector<16xi32>,
    %get3A_1048 = arith.constant 480 : index
    %get3A_1049 = tpu.vector_load %arg5[%get3A_1048] {strides = array<i32>} : memref<512xi32, #tpu.memory_space<vmem>>, vector<16xi32>,
    %get3A_1050 = vector.shape_cast %get3A_1049 : vector<16xi32> to vector<16xi32>
    %ge3A_1051 = arith.constant 249984 : i32
    %ge3A_1052 = vector.broadcast %ge3A_1051 : i32 to vector<16xi32>
    %ge3A_1053 = arith.cmpi sge, %get3A_1050, %ge3A_1052 : vector<16xi32>
    %sub3A_1054 = arith.constant 249984 : i32
    %sub3A_1055 = vector.broadcast %sub3A_1054 : i32 to vector<16xi32>
    %sub3A_1056 = arith.subi %get3A_1050, %sub3A_1055 : vector<16xi32>
    %select_n3A_1057 = arith.select %ge3A_1053, %sub3A_1056, %get3A_1050 : vector<16xi1>, vector<16xi32>
    %ge3A_1058 = arith.constant 249984 : i32
    %ge3A_1059 = vector.broadcast %ge3A_1058 : i32 to vector<16xi32>
    %ge3A_1060 = arith.cmpi sge, %select_n3A_1057, %ge3A_1059 : vector<16xi32>
    %sub3A_1061 = arith.constant 249984 : i32
    %sub3A_1062 = vector.broadcast %sub3A_1061 : i32 to vector<16xi32>
    %sub3A_1063 = arith.subi %select_n3A_1057, %sub3A_1062 : vector<16xi32>
    %select_n3A_1064 = arith.select %ge3A_1060, %sub3A_1063, %select_n3A_1057 : vector<16xi1>, vector<16xi32>
    %ge3A_1065 = arith.constant 249984 : i32
    %ge3A_1066 = vector.broadcast %ge3A_1065 : i32 to vector<16xi32>
    %ge3A_1067 = arith.cmpi sge, %select_n3A_1064, %ge3A_1066 : vector<16xi32>
    %sub3A_1068 = arith.constant 249984 : i32
    %sub3A_1069 = vector.broadcast %sub3A_1068 : i32 to vector<16xi32>
    %sub3A_1070 = arith.subi %select_n3A_1064, %sub3A_1069 : vector<16xi32>
    %select_n3A_1071 = arith.select %ge3A_1067, %sub3A_1070, %select_n3A_1064 : vector<16xi1>, vector<16xi32>
    %ge3A_1072 = arith.constant 249984 : i32
    %ge3A_1073 = vector.broadcast %ge3A_1072 : i32 to vector<16xi32>
    %ge3A_1074 = arith.cmpi sge, %select_n3A_1071, %ge3A_1073 : vector<16xi32>
    %sub3A_1075 = arith.constant 249984 : i32
    %sub3A_1076 = vector.broadcast %sub3A_1075 : i32 to vector<16xi32>
    %sub3A_1077 = arith.subi %select_n3A_1071, %sub3A_1076 : vector<16xi32>
    %select_n3A_1078 = arith.select %ge3A_1074, %sub3A_1077, %select_n3A_1071 : vector<16xi1>, vector<16xi32>
    %swap3A_1079 = arith.constant 480 : index
    %swap3A_1080 = tpu.vector_load %arg6[%swap3A_1079] {strides = array<i32>} : memref<512xi32, #tpu.memory_space<vmem>>, vector<16xi32>,
    %swap3A_1081 = vector.shape_cast %swap3A_1080 : vector<16xi32> to vector<16xi32>
    %swap3A_1082 = vector.shape_cast %select_n3A_1078 : vector<16xi32> to vector<16xi32>
    tpu.vector_store %arg6[%swap3A_1079], %swap3A_1082 {strides = array<i32>} : memref<512xi32, #tpu.memory_space<vmem>>, vector<16xi32>,
    %get3A_1083 = arith.constant 496 : index
    %get3A_1084 = tpu.vector_load %arg5[%get3A_1083] {strides = array<i32>} : memref<512xi32, #tpu.memory_space<vmem>>, vector<16xi32>,
    %get3A_1085 = vector.shape_cast %get3A_1084 : vector<16xi32> to vector<16xi32>
    %ge3A_1086 = arith.constant 249984 : i32
    %ge3A_1087 = vector.broadcast %ge3A_1086 : i32 to vector<16xi32>
    %ge3A_1088 = arith.cmpi sge, %get3A_1085, %ge3A_1087 : vector<16xi32>
    %sub3A_1089 = arith.constant 249984 : i32
    %sub3A_1090 = vector.broadcast %sub3A_1089 : i32 to vector<16xi32>
    %sub3A_1091 = arith.subi %get3A_1085, %sub3A_1090 : vector<16xi32>
    %select_n3A_1092 = arith.select %ge3A_1088, %sub3A_1091, %get3A_1085 : vector<16xi1>, vector<16xi32>
    %ge3A_1093 = arith.constant 249984 : i32
    %ge3A_1094 = vector.broadcast %ge3A_1093 : i32 to vector<16xi32>
    %ge3A_1095 = arith.cmpi sge, %select_n3A_1092, %ge3A_1094 : vector<16xi32>
    %sub3A_1096 = arith.constant 249984 : i32
    %sub3A_1097 = vector.broadcast %sub3A_1096 : i32 to vector<16xi32>
    %sub3A_1098 = arith.subi %select_n3A_1092, %sub3A_1097 : vector<16xi32>
    %select_n3A_1099 = arith.select %ge3A_1095, %sub3A_1098, %select_n3A_1092 : vector<16xi1>, vector<16xi32>
    %ge3A_1100 = arith.constant 249984 : i32
    %ge3A_1101 = vector.broadcast %ge3A_1100 : i32 to vector<16xi32>
    %ge3A_1102 = arith.cmpi sge, %select_n3A_1099, %ge3A_1101 : vector<16xi32>
    %sub3A_1103 = arith.constant 249984 : i32
    %sub3A_1104 = vector.broadcast %sub3A_1103 : i32 to vector<16xi32>
    %sub3A_1105 = arith.subi %select_n3A_1099, %sub3A_1104 : vector<16xi32>
    %select_n3A_1106 = arith.select %ge3A_1102, %sub3A_1105, %select_n3A_1099 : vector<16xi1>, vector<16xi32>
    %ge3A_1107 = arith.constant 249984 : i32
    %ge3A_1108 = vector.broadcast %ge3A_1107 : i32 to vector<16xi32>
    %ge3A_1109 = arith.cmpi sge, %select_n3A_1106, %ge3A_1108 : vector<16xi32>
    %sub3A_1110 = arith.constant 249984 : i32
    %sub3A_1111 = vector.broadcast %sub3A_1110 : i32 to vector<16xi32>
    %sub3A_1112 = arith.subi %select_n3A_1106, %sub3A_1111 : vector<16xi32>
    %select_n3A_1113 = arith.select %ge3A_1109, %sub3A_1112, %select_n3A_1106 : vector<16xi1>, vector<16xi32>
    %swap3A_1114 = arith.constant 496 : index
    %swap3A_1115 = tpu.vector_load %arg6[%swap3A_1114] {strides = array<i32>} : memref<512xi32, #tpu.memory_space<vmem>>, vector<16xi32>,
    %swap3A_1116 = vector.shape_cast %swap3A_1115 : vector<16xi32> to vector<16xi32>
    %swap3A_1117 = vector.shape_cast %select_n3A_1113 : vector<16xi32> to vector<16xi32>
    tpu.vector_store %arg6[%swap3A_1114], %swap3A_1117 {strides = array<i32>} : memref<512xi32, #tpu.memory_space<vmem>>, vector<16xi32>,
    %dma_start3A = arith.constant 0 : i32
    %dma_start3A_1118 = arith.constant 0 : i32
    %dma_start3A_1119 = tpu.memref_slice %arg7[%dma_start3A, %dma_start3A_1118] : memref<512x128xf32, #tpu.memory_space<vmem>> -> memref<128x128xf32, #tpu.memory_space<vmem>>
    %dma_start3A_1120 = arith.constant 0 : i32
    %dma_start3A_1121 = tpu.memref_slice %arg6[%dma_start3A_1120] : memref<512xi32, #tpu.memory_space<vmem>> -> memref<128xi32, #tpu.memory_space<vmem>>
    %dma_start3A_1122 = arith.constant 0 : i32
    %dma_start3A_1123 = arith.constant 0 : i32
    %dma_start3A_1124 = tpu.memref_slice %arg3[%dma_start3A_1122, %dma_start3A_1123] : memref<249984x128xf32, #tpu.memory_space<hbm>> -> memref<249984x128xf32, #tpu.memory_space<hbm>>
    tpu.enqueue_indirect_dma source(%dma_start3A_1124 : memref<249984x128xf32, #tpu.memory_space<hbm>>) target(%dma_start3A_1119 : memref<128x128xf32, #tpu.memory_space<vmem>>) offsets(%dma_start3A_1121 : memref<128xi32, #tpu.memory_space<vmem>>) semaphore(%arg8 : memref<!tpu.dma_semaphore, #tpu.memory_space<semaphore_mem>>)
    %dma_start3A_1125 = arith.constant 128 : i32
    %dma_start3A_1126 = arith.constant 0 : i32
    %dma_start3A_1127 = tpu.memref_slice %arg7[%dma_start3A_1125, %dma_start3A_1126] : memref<512x128xf32, #tpu.memory_space<vmem>> -> memref<128x128xf32, #tpu.memory_space<vmem>>
    %dma_start3A_1128 = arith.constant 128 : i32
    %dma_start3A_1129 = tpu.memref_slice %arg6[%dma_start3A_1128] : memref<512xi32, #tpu.memory_space<vmem>> -> memref<128xi32, #tpu.memory_space<vmem>>
    %dma_start3A_1130 = arith.constant 0 : i32
    %dma_start3A_1131 = arith.constant 0 : i32
    %dma_start3A_1132 = tpu.memref_slice %arg3[%dma_start3A_1130, %dma_start3A_1131] : memref<249984x128xf32, #tpu.memory_space<hbm>> -> memref<249984x128xf32, #tpu.memory_space<hbm>>
    tpu.enqueue_indirect_dma source(%dma_start3A_1132 : memref<249984x128xf32, #tpu.memory_space<hbm>>) target(%dma_start3A_1127 : memref<128x128xf32, #tpu.memory_space<vmem>>) offsets(%dma_start3A_1129 : memref<128xi32, #tpu.memory_space<vmem>>) semaphore(%arg8 : memref<!tpu.dma_semaphore, #tpu.memory_space<semaphore_mem>>)
    %dma_start3A_1133 = arith.constant 256 : i32
    %dma_start3A_1134 = arith.constant 0 : i32
    %dma_start3A_1135 = tpu.memref_slice %arg7[%dma_start3A_1133, %dma_start3A_1134] : memref<512x128xf32, #tpu.memory_space<vmem>> -> memref<128x128xf32, #tpu.memory_space<vmem>>
    %dma_start3A_1136 = arith.constant 256 : i32
    %dma_start3A_1137 = tpu.memref_slice %arg6[%dma_start3A_1136] : memref<512xi32, #tpu.memory_space<vmem>> -> memref<128xi32, #tpu.memory_space<vmem>>
    %dma_start3A_1138 = arith.constant 0 : i32
    %dma_start3A_1139 = arith.constant 0 : i32
    %dma_start3A_1140 = tpu.memref_slice %arg3[%dma_start3A_1138, %dma_start3A_1139] : memref<249984x128xf32, #tpu.memory_space<hbm>> -> memref<249984x128xf32, #tpu.memory_space<hbm>>
    tpu.enqueue_indirect_dma source(%dma_start3A_1140 : memref<249984x128xf32, #tpu.memory_space<hbm>>) target(%dma_start3A_1135 : memref<128x128xf32, #tpu.memory_space<vmem>>) offsets(%dma_start3A_1137 : memref<128xi32, #tpu.memory_space<vmem>>) semaphore(%arg8 : memref<!tpu.dma_semaphore, #tpu.memory_space<semaphore_mem>>)
    %dma_start3A_1141 = arith.constant 384 : i32
    %dma_start3A_1142 = arith.constant 0 : i32
    %dma_start3A_1143 = tpu.memref_slice %arg7[%dma_start3A_1141, %dma_start3A_1142] : memref<512x128xf32, #tpu.memory_space<vmem>> -> memref<128x128xf32, #tpu.memory_space<vmem>>
    %dma_start3A_1144 = arith.constant 384 : i32
    %dma_start3A_1145 = tpu.memref_slice %arg6[%dma_start3A_1144] : memref<512xi32, #tpu.memory_space<vmem>> -> memref<128xi32, #tpu.memory_space<vmem>>
    %dma_start3A_1146 = arith.constant 0 : i32
    %dma_start3A_1147 = arith.constant 0 : i32
    %dma_start3A_1148 = tpu.memref_slice %arg3[%dma_start3A_1146, %dma_start3A_1147] : memref<249984x128xf32, #tpu.memory_space<hbm>> -> memref<249984x128xf32, #tpu.memory_space<hbm>>
    tpu.enqueue_indirect_dma source(%dma_start3A_1148 : memref<249984x128xf32, #tpu.memory_space<hbm>>) target(%dma_start3A_1143 : memref<128x128xf32, #tpu.memory_space<vmem>>) offsets(%dma_start3A_1145 : memref<128xi32, #tpu.memory_space<vmem>>) semaphore(%arg8 : memref<!tpu.dma_semaphore, #tpu.memory_space<semaphore_mem>>)
    %dma_wait3A = arith.constant 0 : i32
    %dma_wait3A_1149 = arith.constant 0 : i32
    %dma_wait3A_1150 = tpu.memref_slice %arg7[%dma_wait3A, %dma_wait3A_1149] : memref<512x128xf32, #tpu.memory_space<vmem>> -> memref<128x128xf32, #tpu.memory_space<vmem>>
    %dma_wait3A_1151 = arith.constant 0 : i32
    %dma_wait3A_1152 = tpu.memref_slice %arg6[%dma_wait3A_1151] : memref<512xi32, #tpu.memory_space<vmem>> -> memref<128xi32, #tpu.memory_space<vmem>>
    %dma_wait3A_1153 = arith.constant 0 : i32
    %dma_wait3A_1154 = arith.constant 0 : i32
    %dma_wait3A_1155 = tpu.memref_slice %arg3[%dma_wait3A_1153, %dma_wait3A_1154] : memref<249984x128xf32, #tpu.memory_space<hbm>> -> memref<249984x128xf32, #tpu.memory_space<hbm>>
    tpu.wait_indirect_dma semaphore(%arg8 : memref<!tpu.dma_semaphore, #tpu.memory_space<semaphore_mem>>) src(%dma_wait3A_1155 : memref<249984x128xf32, #tpu.memory_space<hbm>>) dst(%dma_wait3A_1150 : memref<128x128xf32, #tpu.memory_space<vmem>>)
    %dma_wait3A_1156 = arith.constant 128 : i32
    %dma_wait3A_1157 = arith.constant 0 : i32
    %dma_wait3A_1158 = tpu.memref_slice %arg7[%dma_wait3A_1156, %dma_wait3A_1157] : memref<512x128xf32, #tpu.memory_space<vmem>> -> memref<128x128xf32, #tpu.memory_space<vmem>>
    %dma_wait3A_1159 = arith.constant 128 : i32
    %dma_wait3A_1160 = tpu.memref_slice %arg6[%dma_wait3A_1159] : memref<512xi32, #tpu.memory_space<vmem>> -> memref<128xi32, #tpu.memory_space<vmem>>
    %dma_wait3A_1161 = arith.constant 0 : i32
    %dma_wait3A_1162 = arith.constant 0 : i32
    %dma_wait3A_1163 = tpu.memref_slice %arg3[%dma_wait3A_1161, %dma_wait3A_1162] : memref<249984x128xf32, #tpu.memory_space<hbm>> -> memref<249984x128xf32, #tpu.memory_space<hbm>>
    tpu.wait_indirect_dma semaphore(%arg8 : memref<!tpu.dma_semaphore, #tpu.memory_space<semaphore_mem>>) src(%dma_wait3A_1163 : memref<249984x128xf32, #tpu.memory_space<hbm>>) dst(%dma_wait3A_1158 : memref<128x128xf32, #tpu.memory_space<vmem>>)
    %dma_wait3A_1164 = arith.constant 256 : i32
    %dma_wait3A_1165 = arith.constant 0 : i32
    %dma_wait3A_1166 = tpu.memref_slice %arg7[%dma_wait3A_1164, %dma_wait3A_1165] : memref<512x128xf32, #tpu.memory_space<vmem>> -> memref<128x128xf32, #tpu.memory_space<vmem>>
    %dma_wait3A_1167 = arith.constant 256 : i32
    %dma_wait3A_1168 = tpu.memref_slice %arg6[%dma_wait3A_1167] : memref<512xi32, #tpu.memory_space<vmem>> -> memref<128xi32, #tpu.memory_space<vmem>>
    %dma_wait3A_1169 = arith.constant 0 : i32
    %dma_wait3A_1170 = arith.constant 0 : i32
    %dma_wait3A_1171 = tpu.memref_slice %arg3[%dma_wait3A_1169, %dma_wait3A_1170] : memref<249984x128xf32, #tpu.memory_space<hbm>> -> memref<249984x128xf32, #tpu.memory_space<hbm>>
    tpu.wait_indirect_dma semaphore(%arg8 : memref<!tpu.dma_semaphore, #tpu.memory_space<semaphore_mem>>) src(%dma_wait3A_1171 : memref<249984x128xf32, #tpu.memory_space<hbm>>) dst(%dma_wait3A_1166 : memref<128x128xf32, #tpu.memory_space<vmem>>)
    %dma_wait3A_1172 = arith.constant 384 : i32
    %dma_wait3A_1173 = arith.constant 0 : i32
    %dma_wait3A_1174 = tpu.memref_slice %arg7[%dma_wait3A_1172, %dma_wait3A_1173] : memref<512x128xf32, #tpu.memory_space<vmem>> -> memref<128x128xf32, #tpu.memory_space<vmem>>
    %dma_wait3A_1175 = arith.constant 384 : i32
    %dma_wait3A_1176 = tpu.memref_slice %arg6[%dma_wait3A_1175] : memref<512xi32, #tpu.memory_space<vmem>> -> memref<128xi32, #tpu.memory_space<vmem>>
    %dma_wait3A_1177 = arith.constant 0 : i32
    %dma_wait3A_1178 = arith.constant 0 : i32
    %dma_wait3A_1179 = tpu.memref_slice %arg3[%dma_wait3A_1177, %dma_wait3A_1178] : memref<249984x128xf32, #tpu.memory_space<hbm>> -> memref<249984x128xf32, #tpu.memory_space<hbm>>
    tpu.wait_indirect_dma semaphore(%arg8 : memref<!tpu.dma_semaphore, #tpu.memory_space<semaphore_mem>>) src(%dma_wait3A_1179 : memref<249984x128xf32, #tpu.memory_space<hbm>>) dst(%dma_wait3A_1174 : memref<128x128xf32, #tpu.memory_space<vmem>>)
    "tpu.region"() ({
      %run_scoped3A = tpu.sem_alloc : memref<!tpu.dma_semaphore, #tpu.memory_space<semaphore_mem>>
      %dma_start3A_1180 = arith.constant 0 : i32
      %dma_start3A_1181 = tpu.memref_slice %arg4[%mul3A_2, %dma_start3A_1180] : memref<16384x128xf32, #tpu.memory_space<hbm>> -> memref<512x128xf32, #tpu.memory_space<hbm>>
      %dma_start3A_1182 = arith.constant 0 : i32
      %dma_start3A_1183 = tpu.memref_slice %arg4[%mul3A_2, %dma_start3A_1182] : memref<16384x128xf32, #tpu.memory_space<hbm>> -> memref<512x128xf32, #tpu.memory_space<hbm>>
      tpu.enqueue_dma source(%arg7 : memref<512x128xf32, #tpu.memory_space<vmem>>) target(%dma_start3A_1183 : memref<512x128xf32, #tpu.memory_space<hbm>>) target_semaphore(%run_scoped3A : memref<!tpu.dma_semaphore, #tpu.memory_space<semaphore_mem>>)
      %dma_wait3A_1184 = arith.constant 0 : i32
      %dma_wait3A_1185 = tpu.memref_slice %arg4[%mul3A_2, %dma_wait3A_1184] : memref<16384x128xf32, #tpu.memory_space<hbm>> -> memref<512x128xf32, #tpu.memory_space<hbm>>
      %dma_wait3A_1186 = arith.constant 0 : i32
      %dma_wait3A_1187 = tpu.memref_slice %arg4[%mul3A_2, %dma_wait3A_1186] : memref<16384x128xf32, #tpu.memory_space<hbm>> -> memref<512x128xf32, #tpu.memory_space<hbm>>
      tpu.wait_dma2 semaphore(%run_scoped3A : memref<!tpu.dma_semaphore, #tpu.memory_space<semaphore_mem>>) src(%arg7 : memref<512x128xf32, #tpu.memory_space<vmem>>) dst(%dma_wait3A_1187 : memref<512x128xf32, #tpu.memory_space<hbm>>)
      tpu.yield
    }) : () -> ()
    return
  }
}

#map = affine_map<(d0, d1) -> (0)>
#map1 = affine_map<(d0, d1) -> (0, 0)>
module attributes {stable_mosaic.version = 14 : i64} {
  func.func @_gather_body(%arg0: i32, %arg1: i32, %arg2: memref<16384xi32, #tpu.memory_space<hbm>>, %arg3: memref<249984x128xf32, #tpu.memory_space<hbm>>, %arg4: memref<16384x128xf32, #tpu.memory_space<hbm>>, %arg5: memref<512xi32, #tpu.memory_space<vmem>>, %arg6: memref<512xi32, #tpu.memory_space<vmem>>, %arg7: memref<512x128xf32, #tpu.memory_space<vmem>>, %arg8: memref<!tpu.dma_semaphore, #tpu.memory_space<semaphore_mem>>) attributes {dimension_semantics = [#tpu.dimension_semantics<core_parallel>, #tpu.dimension_semantics<subcore_parallel>], iteration_bounds = array<i64: 2, 16>, scalar_prefetch = 0 : i64, scratch_operands = 4 : i64, tpu.core_type = #tpu.core_type<sc_vector_subcore>, window_params = [{transform_indices = #map}, {transform_indices = #map1}, {transform_indices = #map1}]} {
    %mul3A = arith.constant 2 : i32
    %mul3A_0 = arith.muli %arg1, %mul3A : i32
    %add3A = arith.addi %mul3A_0, %arg0 : i32
    %mul3A_1 = arith.constant 512 : i32
    %mul3A_2 = arith.muli %add3A, %mul3A_1 : i32
    "tpu.region"() ({
      %run_scoped3A = tpu.sem_alloc : memref<!tpu.dma_semaphore, #tpu.memory_space<semaphore_mem>>
      %dma_start3A_1180 = tpu.memref_slice %arg2[%mul3A_2] : memref<16384xi32, #tpu.memory_space<hbm>> -> memref<512xi32, #tpu.memory_space<hbm>>
      %dma_start3A_1181 = tpu.memref_slice %arg2[%mul3A_2] : memref<16384xi32, #tpu.memory_space<hbm>> -> memref<512xi32, #tpu.memory_space<hbm>>
      tpu.enqueue_dma source(%dma_start3A_1181 : memref<512xi32, #tpu.memory_space<hbm>>) target(%arg5 : memref<512xi32, #tpu.memory_space<vmem>>) target_semaphore(%run_scoped3A : memref<!tpu.dma_semaphore, #tpu.memory_space<semaphore_mem>>)
      %dma_wait3A_1182 = tpu.memref_slice %arg2[%mul3A_2] : memref<16384xi32, #tpu.memory_space<hbm>> -> memref<512xi32, #tpu.memory_space<hbm>>
      %dma_wait3A_1183 = tpu.memref_slice %arg2[%mul3A_2] : memref<16384xi32, #tpu.memory_space<hbm>> -> memref<512xi32, #tpu.memory_space<hbm>>
      tpu.wait_dma2 semaphore(%run_scoped3A : memref<!tpu.dma_semaphore, #tpu.memory_space<semaphore_mem>>) src(%dma_wait3A_1183 : memref<512xi32, #tpu.memory_space<hbm>>) dst(%arg5 : memref<512xi32, #tpu.memory_space<vmem>>)
      tpu.yield
    }) : () -> ()
    %get3A = arith.constant 0 : index
    %get3A_3 = tpu.vector_load %arg5[%get3A] {strides = array<i32>} : memref<512xi32, #tpu.memory_space<vmem>>, vector<16xi32>,
    %get3A_4 = vector.shape_cast %get3A_3 : vector<16xi32> to vector<16xi32>
    %ge3A = arith.constant 249984 : i32
    %ge3A_5 = vector.broadcast %ge3A : i32 to vector<16xi32>
    %ge3A_6 = arith.cmpi sge, %get3A_4, %ge3A_5 : vector<16xi32>
    %sub3A = arith.constant 249984 : i32
    %sub3A_7 = vector.broadcast %sub3A : i32 to vector<16xi32>
    %sub3A_8 = arith.subi %get3A_4, %sub3A_7 : vector<16xi32>
    %select_n3A = arith.select %ge3A_6, %sub3A_8, %get3A_4 : vector<16xi1>, vector<16xi32>
    %ge3A_9 = arith.constant 249984 : i32
    %ge3A_10 = vector.broadcast %ge3A_9 : i32 to vector<16xi32>
    %ge3A_11 = arith.cmpi sge, %select_n3A, %ge3A_10 : vector<16xi32>
    %sub3A_12 = arith.constant 249984 : i32
    %sub3A_13 = vector.broadcast %sub3A_12 : i32 to vector<16xi32>
    %sub3A_14 = arith.subi %select_n3A, %sub3A_13 : vector<16xi32>
    %select_n3A_15 = arith.select %ge3A_11, %sub3A_14, %select_n3A : vector<16xi1>, vector<16xi32>
    %ge3A_16 = arith.constant 249984 : i32
    %ge3A_17 = vector.broadcast %ge3A_16 : i32 to vector<16xi32>
    %ge3A_18 = arith.cmpi sge, %select_n3A_15, %ge3A_17 : vector<16xi32>
    %sub3A_19 = arith.constant 249984 : i32
    %sub3A_20 = vector.broadcast %sub3A_19 : i32 to vector<16xi32>
    %sub3A_21 = arith.subi %select_n3A_15, %sub3A_20 : vector<16xi32>
    %select_n3A_22 = arith.select %ge3A_18, %sub3A_21, %select_n3A_15 : vector<16xi1>, vector<16xi32>
    %ge3A_23 = arith.constant 249984 : i32
    %ge3A_24 = vector.broadcast %ge3A_23 : i32 to vector<16xi32>
    %ge3A_25 = arith.cmpi sge, %select_n3A_22, %ge3A_24 : vector<16xi32>
    %sub3A_26 = arith.constant 249984 : i32
    %sub3A_27 = vector.broadcast %sub3A_26 : i32 to vector<16xi32>
    %sub3A_28 = arith.subi %select_n3A_22, %sub3A_27 : vector<16xi32>
    %select_n3A_29 = arith.select %ge3A_25, %sub3A_28, %select_n3A_22 : vector<16xi1>, vector<16xi32>
    %swap3A = arith.constant 0 : index
    %swap3A_30 = tpu.vector_load %arg6[%swap3A] {strides = array<i32>} : memref<512xi32, #tpu.memory_space<vmem>>, vector<16xi32>,
    %swap3A_31 = vector.shape_cast %swap3A_30 : vector<16xi32> to vector<16xi32>
    %swap3A_32 = vector.shape_cast %select_n3A_29 : vector<16xi32> to vector<16xi32>
    tpu.vector_store %arg6[%swap3A], %swap3A_32 {strides = array<i32>} : memref<512xi32, #tpu.memory_space<vmem>>, vector<16xi32>,
    %get3A_33 = arith.constant 16 : index
    %get3A_34 = tpu.vector_load %arg5[%get3A_33] {strides = array<i32>} : memref<512xi32, #tpu.memory_space<vmem>>, vector<16xi32>,
    %get3A_35 = vector.shape_cast %get3A_34 : vector<16xi32> to vector<16xi32>
    %ge3A_36 = arith.constant 249984 : i32
    %ge3A_37 = vector.broadcast %ge3A_36 : i32 to vector<16xi32>
    %ge3A_38 = arith.cmpi sge, %get3A_35, %ge3A_37 : vector<16xi32>
    %sub3A_39 = arith.constant 249984 : i32
    %sub3A_40 = vector.broadcast %sub3A_39 : i32 to vector<16xi32>
    %sub3A_41 = arith.subi %get3A_35, %sub3A_40 : vector<16xi32>
    %select_n3A_42 = arith.select %ge3A_38, %sub3A_41, %get3A_35 : vector<16xi1>, vector<16xi32>
    %ge3A_43 = arith.constant 249984 : i32
    %ge3A_44 = vector.broadcast %ge3A_43 : i32 to vector<16xi32>
    %ge3A_45 = arith.cmpi sge, %select_n3A_42, %ge3A_44 : vector<16xi32>
    %sub3A_46 = arith.constant 249984 : i32
    %sub3A_47 = vector.broadcast %sub3A_46 : i32 to vector<16xi32>
    %sub3A_48 = arith.subi %select_n3A_42, %sub3A_47 : vector<16xi32>
    %select_n3A_49 = arith.select %ge3A_45, %sub3A_48, %select_n3A_42 : vector<16xi1>, vector<16xi32>
    %ge3A_50 = arith.constant 249984 : i32
    %ge3A_51 = vector.broadcast %ge3A_50 : i32 to vector<16xi32>
    %ge3A_52 = arith.cmpi sge, %select_n3A_49, %ge3A_51 : vector<16xi32>
    %sub3A_53 = arith.constant 249984 : i32
    %sub3A_54 = vector.broadcast %sub3A_53 : i32 to vector<16xi32>
    %sub3A_55 = arith.subi %select_n3A_49, %sub3A_54 : vector<16xi32>
    %select_n3A_56 = arith.select %ge3A_52, %sub3A_55, %select_n3A_49 : vector<16xi1>, vector<16xi32>
    %ge3A_57 = arith.constant 249984 : i32
    %ge3A_58 = vector.broadcast %ge3A_57 : i32 to vector<16xi32>
    %ge3A_59 = arith.cmpi sge, %select_n3A_56, %ge3A_58 : vector<16xi32>
    %sub3A_60 = arith.constant 249984 : i32
    %sub3A_61 = vector.broadcast %sub3A_60 : i32 to vector<16xi32>
    %sub3A_62 = arith.subi %select_n3A_56, %sub3A_61 : vector<16xi32>
    %select_n3A_63 = arith.select %ge3A_59, %sub3A_62, %select_n3A_56 : vector<16xi1>, vector<16xi32>
    %swap3A_64 = arith.constant 16 : index
    %swap3A_65 = tpu.vector_load %arg6[%swap3A_64] {strides = array<i32>} : memref<512xi32, #tpu.memory_space<vmem>>, vector<16xi32>,
    %swap3A_66 = vector.shape_cast %swap3A_65 : vector<16xi32> to vector<16xi32>
    %swap3A_67 = vector.shape_cast %select_n3A_63 : vector<16xi32> to vector<16xi32>
    tpu.vector_store %arg6[%swap3A_64], %swap3A_67 {strides = array<i32>} : memref<512xi32, #tpu.memory_space<vmem>>, vector<16xi32>,
    %get3A_68 = arith.constant 32 : index
    %get3A_69 = tpu.vector_load %arg5[%get3A_68] {strides = array<i32>} : memref<512xi32, #tpu.memory_space<vmem>>, vector<16xi32>,
    %get3A_70 = vector.shape_cast %get3A_69 : vector<16xi32> to vector<16xi32>
    %ge3A_71 = arith.constant 249984 : i32
    %ge3A_72 = vector.broadcast %ge3A_71 : i32 to vector<16xi32>
    %ge3A_73 = arith.cmpi sge, %get3A_70, %ge3A_72 : vector<16xi32>
    %sub3A_74 = arith.constant 249984 : i32
    %sub3A_75 = vector.broadcast %sub3A_74 : i32 to vector<16xi32>
    %sub3A_76 = arith.subi %get3A_70, %sub3A_75 : vector<16xi32>
    %select_n3A_77 = arith.select %ge3A_73, %sub3A_76, %get3A_70 : vector<16xi1>, vector<16xi32>
    %ge3A_78 = arith.constant 249984 : i32
    %ge3A_79 = vector.broadcast %ge3A_78 : i32 to vector<16xi32>
    %ge3A_80 = arith.cmpi sge, %select_n3A_77, %ge3A_79 : vector<16xi32>
    %sub3A_81 = arith.constant 249984 : i32
    %sub3A_82 = vector.broadcast %sub3A_81 : i32 to vector<16xi32>
    %sub3A_83 = arith.subi %select_n3A_77, %sub3A_82 : vector<16xi32>
    %select_n3A_84 = arith.select %ge3A_80, %sub3A_83, %select_n3A_77 : vector<16xi1>, vector<16xi32>
    %ge3A_85 = arith.constant 249984 : i32
    %ge3A_86 = vector.broadcast %ge3A_85 : i32 to vector<16xi32>
    %ge3A_87 = arith.cmpi sge, %select_n3A_84, %ge3A_86 : vector<16xi32>
    %sub3A_88 = arith.constant 249984 : i32
    %sub3A_89 = vector.broadcast %sub3A_88 : i32 to vector<16xi32>
    %sub3A_90 = arith.subi %select_n3A_84, %sub3A_89 : vector<16xi32>
    %select_n3A_91 = arith.select %ge3A_87, %sub3A_90, %select_n3A_84 : vector<16xi1>, vector<16xi32>
    %ge3A_92 = arith.constant 249984 : i32
    %ge3A_93 = vector.broadcast %ge3A_92 : i32 to vector<16xi32>
    %ge3A_94 = arith.cmpi sge, %select_n3A_91, %ge3A_93 : vector<16xi32>
    %sub3A_95 = arith.constant 249984 : i32
    %sub3A_96 = vector.broadcast %sub3A_95 : i32 to vector<16xi32>
    %sub3A_97 = arith.subi %select_n3A_91, %sub3A_96 : vector<16xi32>
    %select_n3A_98 = arith.select %ge3A_94, %sub3A_97, %select_n3A_91 : vector<16xi1>, vector<16xi32>
    %swap3A_99 = arith.constant 32 : index
    %swap3A_100 = tpu.vector_load %arg6[%swap3A_99] {strides = array<i32>} : memref<512xi32, #tpu.memory_space<vmem>>, vector<16xi32>,
    %swap3A_101 = vector.shape_cast %swap3A_100 : vector<16xi32> to vector<16xi32>
    %swap3A_102 = vector.shape_cast %select_n3A_98 : vector<16xi32> to vector<16xi32>
    tpu.vector_store %arg6[%swap3A_99], %swap3A_102 {strides = array<i32>} : memref<512xi32, #tpu.memory_space<vmem>>, vector<16xi32>,
    %get3A_103 = arith.constant 48 : index
    %get3A_104 = tpu.vector_load %arg5[%get3A_103] {strides = array<i32>} : memref<512xi32, #tpu.memory_space<vmem>>, vector<16xi32>,
    %get3A_105 = vector.shape_cast %get3A_104 : vector<16xi32> to vector<16xi32>
    %ge3A_106 = arith.constant 249984 : i32
    %ge3A_107 = vector.broadcast %ge3A_106 : i32 to vector<16xi32>
    %ge3A_108 = arith.cmpi sge, %get3A_105, %ge3A_107 : vector<16xi32>
    %sub3A_109 = arith.constant 249984 : i32
    %sub3A_110 = vector.broadcast %sub3A_109 : i32 to vector<16xi32>
    %sub3A_111 = arith.subi %get3A_105, %sub3A_110 : vector<16xi32>
    %select_n3A_112 = arith.select %ge3A_108, %sub3A_111, %get3A_105 : vector<16xi1>, vector<16xi32>
    %ge3A_113 = arith.constant 249984 : i32
    %ge3A_114 = vector.broadcast %ge3A_113 : i32 to vector<16xi32>
    %ge3A_115 = arith.cmpi sge, %select_n3A_112, %ge3A_114 : vector<16xi32>
    %sub3A_116 = arith.constant 249984 : i32
    %sub3A_117 = vector.broadcast %sub3A_116 : i32 to vector<16xi32>
    %sub3A_118 = arith.subi %select_n3A_112, %sub3A_117 : vector<16xi32>
    %select_n3A_119 = arith.select %ge3A_115, %sub3A_118, %select_n3A_112 : vector<16xi1>, vector<16xi32>
    %ge3A_120 = arith.constant 249984 : i32
    %ge3A_121 = vector.broadcast %ge3A_120 : i32 to vector<16xi32>
    %ge3A_122 = arith.cmpi sge, %select_n3A_119, %ge3A_121 : vector<16xi32>
    %sub3A_123 = arith.constant 249984 : i32
    %sub3A_124 = vector.broadcast %sub3A_123 : i32 to vector<16xi32>
    %sub3A_125 = arith.subi %select_n3A_119, %sub3A_124 : vector<16xi32>
    %select_n3A_126 = arith.select %ge3A_122, %sub3A_125, %select_n3A_119 : vector<16xi1>, vector<16xi32>
    %ge3A_127 = arith.constant 249984 : i32
    %ge3A_128 = vector.broadcast %ge3A_127 : i32 to vector<16xi32>
    %ge3A_129 = arith.cmpi sge, %select_n3A_126, %ge3A_128 : vector<16xi32>
    %sub3A_130 = arith.constant 249984 : i32
    %sub3A_131 = vector.broadcast %sub3A_130 : i32 to vector<16xi32>
    %sub3A_132 = arith.subi %select_n3A_126, %sub3A_131 : vector<16xi32>
    %select_n3A_133 = arith.select %ge3A_129, %sub3A_132, %select_n3A_126 : vector<16xi1>, vector<16xi32>
    %swap3A_134 = arith.constant 48 : index
    %swap3A_135 = tpu.vector_load %arg6[%swap3A_134] {strides = array<i32>} : memref<512xi32, #tpu.memory_space<vmem>>, vector<16xi32>,
    %swap3A_136 = vector.shape_cast %swap3A_135 : vector<16xi32> to vector<16xi32>
    %swap3A_137 = vector.shape_cast %select_n3A_133 : vector<16xi32> to vector<16xi32>
    tpu.vector_store %arg6[%swap3A_134], %swap3A_137 {strides = array<i32>} : memref<512xi32, #tpu.memory_space<vmem>>, vector<16xi32>,
    %get3A_138 = arith.constant 64 : index
    %get3A_139 = tpu.vector_load %arg5[%get3A_138] {strides = array<i32>} : memref<512xi32, #tpu.memory_space<vmem>>, vector<16xi32>,
    %get3A_140 = vector.shape_cast %get3A_139 : vector<16xi32> to vector<16xi32>
    %ge3A_141 = arith.constant 249984 : i32
    %ge3A_142 = vector.broadcast %ge3A_141 : i32 to vector<16xi32>
    %ge3A_143 = arith.cmpi sge, %get3A_140, %ge3A_142 : vector<16xi32>
    %sub3A_144 = arith.constant 249984 : i32
    %sub3A_145 = vector.broadcast %sub3A_144 : i32 to vector<16xi32>
    %sub3A_146 = arith.subi %get3A_140, %sub3A_145 : vector<16xi32>
    %select_n3A_147 = arith.select %ge3A_143, %sub3A_146, %get3A_140 : vector<16xi1>, vector<16xi32>
    %ge3A_148 = arith.constant 249984 : i32
    %ge3A_149 = vector.broadcast %ge3A_148 : i32 to vector<16xi32>
    %ge3A_150 = arith.cmpi sge, %select_n3A_147, %ge3A_149 : vector<16xi32>
    %sub3A_151 = arith.constant 249984 : i32
    %sub3A_152 = vector.broadcast %sub3A_151 : i32 to vector<16xi32>
    %sub3A_153 = arith.subi %select_n3A_147, %sub3A_152 : vector<16xi32>
    %select_n3A_154 = arith.select %ge3A_150, %sub3A_153, %select_n3A_147 : vector<16xi1>, vector<16xi32>
    %ge3A_155 = arith.constant 249984 : i32
    %ge3A_156 = vector.broadcast %ge3A_155 : i32 to vector<16xi32>
    %ge3A_157 = arith.cmpi sge, %select_n3A_154, %ge3A_156 : vector<16xi32>
    %sub3A_158 = arith.constant 249984 : i32
    %sub3A_159 = vector.broadcast %sub3A_158 : i32 to vector<16xi32>
    %sub3A_160 = arith.subi %select_n3A_154, %sub3A_159 : vector<16xi32>
    %select_n3A_161 = arith.select %ge3A_157, %sub3A_160, %select_n3A_154 : vector<16xi1>, vector<16xi32>
    %ge3A_162 = arith.constant 249984 : i32
    %ge3A_163 = vector.broadcast %ge3A_162 : i32 to vector<16xi32>
    %ge3A_164 = arith.cmpi sge, %select_n3A_161, %ge3A_163 : vector<16xi32>
    %sub3A_165 = arith.constant 249984 : i32
    %sub3A_166 = vector.broadcast %sub3A_165 : i32 to vector<16xi32>
    %sub3A_167 = arith.subi %select_n3A_161, %sub3A_166 : vector<16xi32>
    %select_n3A_168 = arith.select %ge3A_164, %sub3A_167, %select_n3A_161 : vector<16xi1>, vector<16xi32>
    %swap3A_169 = arith.constant 64 : index
    %swap3A_170 = tpu.vector_load %arg6[%swap3A_169] {strides = array<i32>} : memref<512xi32, #tpu.memory_space<vmem>>, vector<16xi32>,
    %swap3A_171 = vector.shape_cast %swap3A_170 : vector<16xi32> to vector<16xi32>
    %swap3A_172 = vector.shape_cast %select_n3A_168 : vector<16xi32> to vector<16xi32>
    tpu.vector_store %arg6[%swap3A_169], %swap3A_172 {strides = array<i32>} : memref<512xi32, #tpu.memory_space<vmem>>, vector<16xi32>,
    %get3A_173 = arith.constant 80 : index
    %get3A_174 = tpu.vector_load %arg5[%get3A_173] {strides = array<i32>} : memref<512xi32, #tpu.memory_space<vmem>>, vector<16xi32>,
    %get3A_175 = vector.shape_cast %get3A_174 : vector<16xi32> to vector<16xi32>
    %ge3A_176 = arith.constant 249984 : i32
    %ge3A_177 = vector.broadcast %ge3A_176 : i32 to vector<16xi32>
    %ge3A_178 = arith.cmpi sge, %get3A_175, %ge3A_177 : vector<16xi32>
    %sub3A_179 = arith.constant 249984 : i32
    %sub3A_180 = vector.broadcast %sub3A_179 : i32 to vector<16xi32>
    %sub3A_181 = arith.subi %get3A_175, %sub3A_180 : vector<16xi32>
    %select_n3A_182 = arith.select %ge3A_178, %sub3A_181, %get3A_175 : vector<16xi1>, vector<16xi32>
    %ge3A_183 = arith.constant 249984 : i32
    %ge3A_184 = vector.broadcast %ge3A_183 : i32 to vector<16xi32>
    %ge3A_185 = arith.cmpi sge, %select_n3A_182, %ge3A_184 : vector<16xi32>
    %sub3A_186 = arith.constant 249984 : i32
    %sub3A_187 = vector.broadcast %sub3A_186 : i32 to vector<16xi32>
    %sub3A_188 = arith.subi %select_n3A_182, %sub3A_187 : vector<16xi32>
    %select_n3A_189 = arith.select %ge3A_185, %sub3A_188, %select_n3A_182 : vector<16xi1>, vector<16xi32>
    %ge3A_190 = arith.constant 249984 : i32
    %ge3A_191 = vector.broadcast %ge3A_190 : i32 to vector<16xi32>
    %ge3A_192 = arith.cmpi sge, %select_n3A_189, %ge3A_191 : vector<16xi32>
    %sub3A_193 = arith.constant 249984 : i32
    %sub3A_194 = vector.broadcast %sub3A_193 : i32 to vector<16xi32>
    %sub3A_195 = arith.subi %select_n3A_189, %sub3A_194 : vector<16xi32>
    %select_n3A_196 = arith.select %ge3A_192, %sub3A_195, %select_n3A_189 : vector<16xi1>, vector<16xi32>
    %ge3A_197 = arith.constant 249984 : i32
    %ge3A_198 = vector.broadcast %ge3A_197 : i32 to vector<16xi32>
    %ge3A_199 = arith.cmpi sge, %select_n3A_196, %ge3A_198 : vector<16xi32>
    %sub3A_200 = arith.constant 249984 : i32
    %sub3A_201 = vector.broadcast %sub3A_200 : i32 to vector<16xi32>
    %sub3A_202 = arith.subi %select_n3A_196, %sub3A_201 : vector<16xi32>
    %select_n3A_203 = arith.select %ge3A_199, %sub3A_202, %select_n3A_196 : vector<16xi1>, vector<16xi32>
    %swap3A_204 = arith.constant 80 : index
    %swap3A_205 = tpu.vector_load %arg6[%swap3A_204] {strides = array<i32>} : memref<512xi32, #tpu.memory_space<vmem>>, vector<16xi32>,
    %swap3A_206 = vector.shape_cast %swap3A_205 : vector<16xi32> to vector<16xi32>
    %swap3A_207 = vector.shape_cast %select_n3A_203 : vector<16xi32> to vector<16xi32>
    tpu.vector_store %arg6[%swap3A_204], %swap3A_207 {strides = array<i32>} : memref<512xi32, #tpu.memory_space<vmem>>, vector<16xi32>,
    %get3A_208 = arith.constant 96 : index
    %get3A_209 = tpu.vector_load %arg5[%get3A_208] {strides = array<i32>} : memref<512xi32, #tpu.memory_space<vmem>>, vector<16xi32>,
    %get3A_210 = vector.shape_cast %get3A_209 : vector<16xi32> to vector<16xi32>
    %ge3A_211 = arith.constant 249984 : i32
    %ge3A_212 = vector.broadcast %ge3A_211 : i32 to vector<16xi32>
    %ge3A_213 = arith.cmpi sge, %get3A_210, %ge3A_212 : vector<16xi32>
    %sub3A_214 = arith.constant 249984 : i32
    %sub3A_215 = vector.broadcast %sub3A_214 : i32 to vector<16xi32>
    %sub3A_216 = arith.subi %get3A_210, %sub3A_215 : vector<16xi32>
    %select_n3A_217 = arith.select %ge3A_213, %sub3A_216, %get3A_210 : vector<16xi1>, vector<16xi32>
    %ge3A_218 = arith.constant 249984 : i32
    %ge3A_219 = vector.broadcast %ge3A_218 : i32 to vector<16xi32>
    %ge3A_220 = arith.cmpi sge, %select_n3A_217, %ge3A_219 : vector<16xi32>
    %sub3A_221 = arith.constant 249984 : i32
    %sub3A_222 = vector.broadcast %sub3A_221 : i32 to vector<16xi32>
    %sub3A_223 = arith.subi %select_n3A_217, %sub3A_222 : vector<16xi32>
    %select_n3A_224 = arith.select %ge3A_220, %sub3A_223, %select_n3A_217 : vector<16xi1>, vector<16xi32>
    %ge3A_225 = arith.constant 249984 : i32
    %ge3A_226 = vector.broadcast %ge3A_225 : i32 to vector<16xi32>
    %ge3A_227 = arith.cmpi sge, %select_n3A_224, %ge3A_226 : vector<16xi32>
    %sub3A_228 = arith.constant 249984 : i32
    %sub3A_229 = vector.broadcast %sub3A_228 : i32 to vector<16xi32>
    %sub3A_230 = arith.subi %select_n3A_224, %sub3A_229 : vector<16xi32>
    %select_n3A_231 = arith.select %ge3A_227, %sub3A_230, %select_n3A_224 : vector<16xi1>, vector<16xi32>
    %ge3A_232 = arith.constant 249984 : i32
    %ge3A_233 = vector.broadcast %ge3A_232 : i32 to vector<16xi32>
    %ge3A_234 = arith.cmpi sge, %select_n3A_231, %ge3A_233 : vector<16xi32>
    %sub3A_235 = arith.constant 249984 : i32
    %sub3A_236 = vector.broadcast %sub3A_235 : i32 to vector<16xi32>
    %sub3A_237 = arith.subi %select_n3A_231, %sub3A_236 : vector<16xi32>
    %select_n3A_238 = arith.select %ge3A_234, %sub3A_237, %select_n3A_231 : vector<16xi1>, vector<16xi32>
    %swap3A_239 = arith.constant 96 : index
    %swap3A_240 = tpu.vector_load %arg6[%swap3A_239] {strides = array<i32>} : memref<512xi32, #tpu.memory_space<vmem>>, vector<16xi32>,
    %swap3A_241 = vector.shape_cast %swap3A_240 : vector<16xi32> to vector<16xi32>
    %swap3A_242 = vector.shape_cast %select_n3A_238 : vector<16xi32> to vector<16xi32>
    tpu.vector_store %arg6[%swap3A_239], %swap3A_242 {strides = array<i32>} : memref<512xi32, #tpu.memory_space<vmem>>, vector<16xi32>,
    %get3A_243 = arith.constant 112 : index
    %get3A_244 = tpu.vector_load %arg5[%get3A_243] {strides = array<i32>} : memref<512xi32, #tpu.memory_space<vmem>>, vector<16xi32>,
    %get3A_245 = vector.shape_cast %get3A_244 : vector<16xi32> to vector<16xi32>
    %ge3A_246 = arith.constant 249984 : i32
    %ge3A_247 = vector.broadcast %ge3A_246 : i32 to vector<16xi32>
    %ge3A_248 = arith.cmpi sge, %get3A_245, %ge3A_247 : vector<16xi32>
    %sub3A_249 = arith.constant 249984 : i32
    %sub3A_250 = vector.broadcast %sub3A_249 : i32 to vector<16xi32>
    %sub3A_251 = arith.subi %get3A_245, %sub3A_250 : vector<16xi32>
    %select_n3A_252 = arith.select %ge3A_248, %sub3A_251, %get3A_245 : vector<16xi1>, vector<16xi32>
    %ge3A_253 = arith.constant 249984 : i32
    %ge3A_254 = vector.broadcast %ge3A_253 : i32 to vector<16xi32>
    %ge3A_255 = arith.cmpi sge, %select_n3A_252, %ge3A_254 : vector<16xi32>
    %sub3A_256 = arith.constant 249984 : i32
    %sub3A_257 = vector.broadcast %sub3A_256 : i32 to vector<16xi32>
    %sub3A_258 = arith.subi %select_n3A_252, %sub3A_257 : vector<16xi32>
    %select_n3A_259 = arith.select %ge3A_255, %sub3A_258, %select_n3A_252 : vector<16xi1>, vector<16xi32>
    %ge3A_260 = arith.constant 249984 : i32
    %ge3A_261 = vector.broadcast %ge3A_260 : i32 to vector<16xi32>
    %ge3A_262 = arith.cmpi sge, %select_n3A_259, %ge3A_261 : vector<16xi32>
    %sub3A_263 = arith.constant 249984 : i32
    %sub3A_264 = vector.broadcast %sub3A_263 : i32 to vector<16xi32>
    %sub3A_265 = arith.subi %select_n3A_259, %sub3A_264 : vector<16xi32>
    %select_n3A_266 = arith.select %ge3A_262, %sub3A_265, %select_n3A_259 : vector<16xi1>, vector<16xi32>
    %ge3A_267 = arith.constant 249984 : i32
    %ge3A_268 = vector.broadcast %ge3A_267 : i32 to vector<16xi32>
    %ge3A_269 = arith.cmpi sge, %select_n3A_266, %ge3A_268 : vector<16xi32>
    %sub3A_270 = arith.constant 249984 : i32
    %sub3A_271 = vector.broadcast %sub3A_270 : i32 to vector<16xi32>
    %sub3A_272 = arith.subi %select_n3A_266, %sub3A_271 : vector<16xi32>
    %select_n3A_273 = arith.select %ge3A_269, %sub3A_272, %select_n3A_266 : vector<16xi1>, vector<16xi32>
    %swap3A_274 = arith.constant 112 : index
    %swap3A_275 = tpu.vector_load %arg6[%swap3A_274] {strides = array<i32>} : memref<512xi32, #tpu.memory_space<vmem>>, vector<16xi32>,
    %swap3A_276 = vector.shape_cast %swap3A_275 : vector<16xi32> to vector<16xi32>
    %swap3A_277 = vector.shape_cast %select_n3A_273 : vector<16xi32> to vector<16xi32>
    tpu.vector_store %arg6[%swap3A_274], %swap3A_277 {strides = array<i32>} : memref<512xi32, #tpu.memory_space<vmem>>, vector<16xi32>,
    %get3A_278 = arith.constant 128 : index
    %get3A_279 = tpu.vector_load %arg5[%get3A_278] {strides = array<i32>} : memref<512xi32, #tpu.memory_space<vmem>>, vector<16xi32>,
    %get3A_280 = vector.shape_cast %get3A_279 : vector<16xi32> to vector<16xi32>
    %ge3A_281 = arith.constant 249984 : i32
    %ge3A_282 = vector.broadcast %ge3A_281 : i32 to vector<16xi32>
    %ge3A_283 = arith.cmpi sge, %get3A_280, %ge3A_282 : vector<16xi32>
    %sub3A_284 = arith.constant 249984 : i32
    %sub3A_285 = vector.broadcast %sub3A_284 : i32 to vector<16xi32>
    %sub3A_286 = arith.subi %get3A_280, %sub3A_285 : vector<16xi32>
    %select_n3A_287 = arith.select %ge3A_283, %sub3A_286, %get3A_280 : vector<16xi1>, vector<16xi32>
    %ge3A_288 = arith.constant 249984 : i32
    %ge3A_289 = vector.broadcast %ge3A_288 : i32 to vector<16xi32>
    %ge3A_290 = arith.cmpi sge, %select_n3A_287, %ge3A_289 : vector<16xi32>
    %sub3A_291 = arith.constant 249984 : i32
    %sub3A_292 = vector.broadcast %sub3A_291 : i32 to vector<16xi32>
    %sub3A_293 = arith.subi %select_n3A_287, %sub3A_292 : vector<16xi32>
    %select_n3A_294 = arith.select %ge3A_290, %sub3A_293, %select_n3A_287 : vector<16xi1>, vector<16xi32>
    %ge3A_295 = arith.constant 249984 : i32
    %ge3A_296 = vector.broadcast %ge3A_295 : i32 to vector<16xi32>
    %ge3A_297 = arith.cmpi sge, %select_n3A_294, %ge3A_296 : vector<16xi32>
    %sub3A_298 = arith.constant 249984 : i32
    %sub3A_299 = vector.broadcast %sub3A_298 : i32 to vector<16xi32>
    %sub3A_300 = arith.subi %select_n3A_294, %sub3A_299 : vector<16xi32>
    %select_n3A_301 = arith.select %ge3A_297, %sub3A_300, %select_n3A_294 : vector<16xi1>, vector<16xi32>
    %ge3A_302 = arith.constant 249984 : i32
    %ge3A_303 = vector.broadcast %ge3A_302 : i32 to vector<16xi32>
    %ge3A_304 = arith.cmpi sge, %select_n3A_301, %ge3A_303 : vector<16xi32>
    %sub3A_305 = arith.constant 249984 : i32
    %sub3A_306 = vector.broadcast %sub3A_305 : i32 to vector<16xi32>
    %sub3A_307 = arith.subi %select_n3A_301, %sub3A_306 : vector<16xi32>
    %select_n3A_308 = arith.select %ge3A_304, %sub3A_307, %select_n3A_301 : vector<16xi1>, vector<16xi32>
    %swap3A_309 = arith.constant 128 : index
    %swap3A_310 = tpu.vector_load %arg6[%swap3A_309] {strides = array<i32>} : memref<512xi32, #tpu.memory_space<vmem>>, vector<16xi32>,
    %swap3A_311 = vector.shape_cast %swap3A_310 : vector<16xi32> to vector<16xi32>
    %swap3A_312 = vector.shape_cast %select_n3A_308 : vector<16xi32> to vector<16xi32>
    tpu.vector_store %arg6[%swap3A_309], %swap3A_312 {strides = array<i32>} : memref<512xi32, #tpu.memory_space<vmem>>, vector<16xi32>,
    %get3A_313 = arith.constant 144 : index
    %get3A_314 = tpu.vector_load %arg5[%get3A_313] {strides = array<i32>} : memref<512xi32, #tpu.memory_space<vmem>>, vector<16xi32>,
    %get3A_315 = vector.shape_cast %get3A_314 : vector<16xi32> to vector<16xi32>
    %ge3A_316 = arith.constant 249984 : i32
    %ge3A_317 = vector.broadcast %ge3A_316 : i32 to vector<16xi32>
    %ge3A_318 = arith.cmpi sge, %get3A_315, %ge3A_317 : vector<16xi32>
    %sub3A_319 = arith.constant 249984 : i32
    %sub3A_320 = vector.broadcast %sub3A_319 : i32 to vector<16xi32>
    %sub3A_321 = arith.subi %get3A_315, %sub3A_320 : vector<16xi32>
    %select_n3A_322 = arith.select %ge3A_318, %sub3A_321, %get3A_315 : vector<16xi1>, vector<16xi32>
    %ge3A_323 = arith.constant 249984 : i32
    %ge3A_324 = vector.broadcast %ge3A_323 : i32 to vector<16xi32>
    %ge3A_325 = arith.cmpi sge, %select_n3A_322, %ge3A_324 : vector<16xi32>
    %sub3A_326 = arith.constant 249984 : i32
    %sub3A_327 = vector.broadcast %sub3A_326 : i32 to vector<16xi32>
    %sub3A_328 = arith.subi %select_n3A_322, %sub3A_327 : vector<16xi32>
    %select_n3A_329 = arith.select %ge3A_325, %sub3A_328, %select_n3A_322 : vector<16xi1>, vector<16xi32>
    %ge3A_330 = arith.constant 249984 : i32
    %ge3A_331 = vector.broadcast %ge3A_330 : i32 to vector<16xi32>
    %ge3A_332 = arith.cmpi sge, %select_n3A_329, %ge3A_331 : vector<16xi32>
    %sub3A_333 = arith.constant 249984 : i32
    %sub3A_334 = vector.broadcast %sub3A_333 : i32 to vector<16xi32>
    %sub3A_335 = arith.subi %select_n3A_329, %sub3A_334 : vector<16xi32>
    %select_n3A_336 = arith.select %ge3A_332, %sub3A_335, %select_n3A_329 : vector<16xi1>, vector<16xi32>
    %ge3A_337 = arith.constant 249984 : i32
    %ge3A_338 = vector.broadcast %ge3A_337 : i32 to vector<16xi32>
    %ge3A_339 = arith.cmpi sge, %select_n3A_336, %ge3A_338 : vector<16xi32>
    %sub3A_340 = arith.constant 249984 : i32
    %sub3A_341 = vector.broadcast %sub3A_340 : i32 to vector<16xi32>
    %sub3A_342 = arith.subi %select_n3A_336, %sub3A_341 : vector<16xi32>
    %select_n3A_343 = arith.select %ge3A_339, %sub3A_342, %select_n3A_336 : vector<16xi1>, vector<16xi32>
    %swap3A_344 = arith.constant 144 : index
    %swap3A_345 = tpu.vector_load %arg6[%swap3A_344] {strides = array<i32>} : memref<512xi32, #tpu.memory_space<vmem>>, vector<16xi32>,
    %swap3A_346 = vector.shape_cast %swap3A_345 : vector<16xi32> to vector<16xi32>
    %swap3A_347 = vector.shape_cast %select_n3A_343 : vector<16xi32> to vector<16xi32>
    tpu.vector_store %arg6[%swap3A_344], %swap3A_347 {strides = array<i32>} : memref<512xi32, #tpu.memory_space<vmem>>, vector<16xi32>,
    %get3A_348 = arith.constant 160 : index
    %get3A_349 = tpu.vector_load %arg5[%get3A_348] {strides = array<i32>} : memref<512xi32, #tpu.memory_space<vmem>>, vector<16xi32>,
    %get3A_350 = vector.shape_cast %get3A_349 : vector<16xi32> to vector<16xi32>
    %ge3A_351 = arith.constant 249984 : i32
    %ge3A_352 = vector.broadcast %ge3A_351 : i32 to vector<16xi32>
    %ge3A_353 = arith.cmpi sge, %get3A_350, %ge3A_352 : vector<16xi32>
    %sub3A_354 = arith.constant 249984 : i32
    %sub3A_355 = vector.broadcast %sub3A_354 : i32 to vector<16xi32>
    %sub3A_356 = arith.subi %get3A_350, %sub3A_355 : vector<16xi32>
    %select_n3A_357 = arith.select %ge3A_353, %sub3A_356, %get3A_350 : vector<16xi1>, vector<16xi32>
    %ge3A_358 = arith.constant 249984 : i32
    %ge3A_359 = vector.broadcast %ge3A_358 : i32 to vector<16xi32>
    %ge3A_360 = arith.cmpi sge, %select_n3A_357, %ge3A_359 : vector<16xi32>
    %sub3A_361 = arith.constant 249984 : i32
    %sub3A_362 = vector.broadcast %sub3A_361 : i32 to vector<16xi32>
    %sub3A_363 = arith.subi %select_n3A_357, %sub3A_362 : vector<16xi32>
    %select_n3A_364 = arith.select %ge3A_360, %sub3A_363, %select_n3A_357 : vector<16xi1>, vector<16xi32>
    %ge3A_365 = arith.constant 249984 : i32
    %ge3A_366 = vector.broadcast %ge3A_365 : i32 to vector<16xi32>
    %ge3A_367 = arith.cmpi sge, %select_n3A_364, %ge3A_366 : vector<16xi32>
    %sub3A_368 = arith.constant 249984 : i32
    %sub3A_369 = vector.broadcast %sub3A_368 : i32 to vector<16xi32>
    %sub3A_370 = arith.subi %select_n3A_364, %sub3A_369 : vector<16xi32>
    %select_n3A_371 = arith.select %ge3A_367, %sub3A_370, %select_n3A_364 : vector<16xi1>, vector<16xi32>
    %ge3A_372 = arith.constant 249984 : i32
    %ge3A_373 = vector.broadcast %ge3A_372 : i32 to vector<16xi32>
    %ge3A_374 = arith.cmpi sge, %select_n3A_371, %ge3A_373 : vector<16xi32>
    %sub3A_375 = arith.constant 249984 : i32
    %sub3A_376 = vector.broadcast %sub3A_375 : i32 to vector<16xi32>
    %sub3A_377 = arith.subi %select_n3A_371, %sub3A_376 : vector<16xi32>
    %select_n3A_378 = arith.select %ge3A_374, %sub3A_377, %select_n3A_371 : vector<16xi1>, vector<16xi32>
    %swap3A_379 = arith.constant 160 : index
    %swap3A_380 = tpu.vector_load %arg6[%swap3A_379] {strides = array<i32>} : memref<512xi32, #tpu.memory_space<vmem>>, vector<16xi32>,
    %swap3A_381 = vector.shape_cast %swap3A_380 : vector<16xi32> to vector<16xi32>
    %swap3A_382 = vector.shape_cast %select_n3A_378 : vector<16xi32> to vector<16xi32>
    tpu.vector_store %arg6[%swap3A_379], %swap3A_382 {strides = array<i32>} : memref<512xi32, #tpu.memory_space<vmem>>, vector<16xi32>,
    %get3A_383 = arith.constant 176 : index
    %get3A_384 = tpu.vector_load %arg5[%get3A_383] {strides = array<i32>} : memref<512xi32, #tpu.memory_space<vmem>>, vector<16xi32>,
    %get3A_385 = vector.shape_cast %get3A_384 : vector<16xi32> to vector<16xi32>
    %ge3A_386 = arith.constant 249984 : i32
    %ge3A_387 = vector.broadcast %ge3A_386 : i32 to vector<16xi32>
    %ge3A_388 = arith.cmpi sge, %get3A_385, %ge3A_387 : vector<16xi32>
    %sub3A_389 = arith.constant 249984 : i32
    %sub3A_390 = vector.broadcast %sub3A_389 : i32 to vector<16xi32>
    %sub3A_391 = arith.subi %get3A_385, %sub3A_390 : vector<16xi32>
    %select_n3A_392 = arith.select %ge3A_388, %sub3A_391, %get3A_385 : vector<16xi1>, vector<16xi32>
    %ge3A_393 = arith.constant 249984 : i32
    %ge3A_394 = vector.broadcast %ge3A_393 : i32 to vector<16xi32>
    %ge3A_395 = arith.cmpi sge, %select_n3A_392, %ge3A_394 : vector<16xi32>
    %sub3A_396 = arith.constant 249984 : i32
    %sub3A_397 = vector.broadcast %sub3A_396 : i32 to vector<16xi32>
    %sub3A_398 = arith.subi %select_n3A_392, %sub3A_397 : vector<16xi32>
    %select_n3A_399 = arith.select %ge3A_395, %sub3A_398, %select_n3A_392 : vector<16xi1>, vector<16xi32>
    %ge3A_400 = arith.constant 249984 : i32
    %ge3A_401 = vector.broadcast %ge3A_400 : i32 to vector<16xi32>
    %ge3A_402 = arith.cmpi sge, %select_n3A_399, %ge3A_401 : vector<16xi32>
    %sub3A_403 = arith.constant 249984 : i32
    %sub3A_404 = vector.broadcast %sub3A_403 : i32 to vector<16xi32>
    %sub3A_405 = arith.subi %select_n3A_399, %sub3A_404 : vector<16xi32>
    %select_n3A_406 = arith.select %ge3A_402, %sub3A_405, %select_n3A_399 : vector<16xi1>, vector<16xi32>
    %ge3A_407 = arith.constant 249984 : i32
    %ge3A_408 = vector.broadcast %ge3A_407 : i32 to vector<16xi32>
    %ge3A_409 = arith.cmpi sge, %select_n3A_406, %ge3A_408 : vector<16xi32>
    %sub3A_410 = arith.constant 249984 : i32
    %sub3A_411 = vector.broadcast %sub3A_410 : i32 to vector<16xi32>
    %sub3A_412 = arith.subi %select_n3A_406, %sub3A_411 : vector<16xi32>
    %select_n3A_413 = arith.select %ge3A_409, %sub3A_412, %select_n3A_406 : vector<16xi1>, vector<16xi32>
    %swap3A_414 = arith.constant 176 : index
    %swap3A_415 = tpu.vector_load %arg6[%swap3A_414] {strides = array<i32>} : memref<512xi32, #tpu.memory_space<vmem>>, vector<16xi32>,
    %swap3A_416 = vector.shape_cast %swap3A_415 : vector<16xi32> to vector<16xi32>
    %swap3A_417 = vector.shape_cast %select_n3A_413 : vector<16xi32> to vector<16xi32>
    tpu.vector_store %arg6[%swap3A_414], %swap3A_417 {strides = array<i32>} : memref<512xi32, #tpu.memory_space<vmem>>, vector<16xi32>,
    %get3A_418 = arith.constant 192 : index
    %get3A_419 = tpu.vector_load %arg5[%get3A_418] {strides = array<i32>} : memref<512xi32, #tpu.memory_space<vmem>>, vector<16xi32>,
    %get3A_420 = vector.shape_cast %get3A_419 : vector<16xi32> to vector<16xi32>
    %ge3A_421 = arith.constant 249984 : i32
    %ge3A_422 = vector.broadcast %ge3A_421 : i32 to vector<16xi32>
    %ge3A_423 = arith.cmpi sge, %get3A_420, %ge3A_422 : vector<16xi32>
    %sub3A_424 = arith.constant 249984 : i32
    %sub3A_425 = vector.broadcast %sub3A_424 : i32 to vector<16xi32>
    %sub3A_426 = arith.subi %get3A_420, %sub3A_425 : vector<16xi32>
    %select_n3A_427 = arith.select %ge3A_423, %sub3A_426, %get3A_420 : vector<16xi1>, vector<16xi32>
    %ge3A_428 = arith.constant 249984 : i32
    %ge3A_429 = vector.broadcast %ge3A_428 : i32 to vector<16xi32>
    %ge3A_430 = arith.cmpi sge, %select_n3A_427, %ge3A_429 : vector<16xi32>
    %sub3A_431 = arith.constant 249984 : i32
    %sub3A_432 = vector.broadcast %sub3A_431 : i32 to vector<16xi32>
    %sub3A_433 = arith.subi %select_n3A_427, %sub3A_432 : vector<16xi32>
    %select_n3A_434 = arith.select %ge3A_430, %sub3A_433, %select_n3A_427 : vector<16xi1>, vector<16xi32>
    %ge3A_435 = arith.constant 249984 : i32
    %ge3A_436 = vector.broadcast %ge3A_435 : i32 to vector<16xi32>
    %ge3A_437 = arith.cmpi sge, %select_n3A_434, %ge3A_436 : vector<16xi32>
    %sub3A_438 = arith.constant 249984 : i32
    %sub3A_439 = vector.broadcast %sub3A_438 : i32 to vector<16xi32>
    %sub3A_440 = arith.subi %select_n3A_434, %sub3A_439 : vector<16xi32>
    %select_n3A_441 = arith.select %ge3A_437, %sub3A_440, %select_n3A_434 : vector<16xi1>, vector<16xi32>
    %ge3A_442 = arith.constant 249984 : i32
    %ge3A_443 = vector.broadcast %ge3A_442 : i32 to vector<16xi32>
    %ge3A_444 = arith.cmpi sge, %select_n3A_441, %ge3A_443 : vector<16xi32>
    %sub3A_445 = arith.constant 249984 : i32
    %sub3A_446 = vector.broadcast %sub3A_445 : i32 to vector<16xi32>
    %sub3A_447 = arith.subi %select_n3A_441, %sub3A_446 : vector<16xi32>
    %select_n3A_448 = arith.select %ge3A_444, %sub3A_447, %select_n3A_441 : vector<16xi1>, vector<16xi32>
    %swap3A_449 = arith.constant 192 : index
    %swap3A_450 = tpu.vector_load %arg6[%swap3A_449] {strides = array<i32>} : memref<512xi32, #tpu.memory_space<vmem>>, vector<16xi32>,
    %swap3A_451 = vector.shape_cast %swap3A_450 : vector<16xi32> to vector<16xi32>
    %swap3A_452 = vector.shape_cast %select_n3A_448 : vector<16xi32> to vector<16xi32>
    tpu.vector_store %arg6[%swap3A_449], %swap3A_452 {strides = array<i32>} : memref<512xi32, #tpu.memory_space<vmem>>, vector<16xi32>,
    %get3A_453 = arith.constant 208 : index
    %get3A_454 = tpu.vector_load %arg5[%get3A_453] {strides = array<i32>} : memref<512xi32, #tpu.memory_space<vmem>>, vector<16xi32>,
    %get3A_455 = vector.shape_cast %get3A_454 : vector<16xi32> to vector<16xi32>
    %ge3A_456 = arith.constant 249984 : i32
    %ge3A_457 = vector.broadcast %ge3A_456 : i32 to vector<16xi32>
    %ge3A_458 = arith.cmpi sge, %get3A_455, %ge3A_457 : vector<16xi32>
    %sub3A_459 = arith.constant 249984 : i32
    %sub3A_460 = vector.broadcast %sub3A_459 : i32 to vector<16xi32>
    %sub3A_461 = arith.subi %get3A_455, %sub3A_460 : vector<16xi32>
    %select_n3A_462 = arith.select %ge3A_458, %sub3A_461, %get3A_455 : vector<16xi1>, vector<16xi32>
    %ge3A_463 = arith.constant 249984 : i32
    %ge3A_464 = vector.broadcast %ge3A_463 : i32 to vector<16xi32>
    %ge3A_465 = arith.cmpi sge, %select_n3A_462, %ge3A_464 : vector<16xi32>
    %sub3A_466 = arith.constant 249984 : i32
    %sub3A_467 = vector.broadcast %sub3A_466 : i32 to vector<16xi32>
    %sub3A_468 = arith.subi %select_n3A_462, %sub3A_467 : vector<16xi32>
    %select_n3A_469 = arith.select %ge3A_465, %sub3A_468, %select_n3A_462 : vector<16xi1>, vector<16xi32>
    %ge3A_470 = arith.constant 249984 : i32
    %ge3A_471 = vector.broadcast %ge3A_470 : i32 to vector<16xi32>
    %ge3A_472 = arith.cmpi sge, %select_n3A_469, %ge3A_471 : vector<16xi32>
    %sub3A_473 = arith.constant 249984 : i32
    %sub3A_474 = vector.broadcast %sub3A_473 : i32 to vector<16xi32>
    %sub3A_475 = arith.subi %select_n3A_469, %sub3A_474 : vector<16xi32>
    %select_n3A_476 = arith.select %ge3A_472, %sub3A_475, %select_n3A_469 : vector<16xi1>, vector<16xi32>
    %ge3A_477 = arith.constant 249984 : i32
    %ge3A_478 = vector.broadcast %ge3A_477 : i32 to vector<16xi32>
    %ge3A_479 = arith.cmpi sge, %select_n3A_476, %ge3A_478 : vector<16xi32>
    %sub3A_480 = arith.constant 249984 : i32
    %sub3A_481 = vector.broadcast %sub3A_480 : i32 to vector<16xi32>
    %sub3A_482 = arith.subi %select_n3A_476, %sub3A_481 : vector<16xi32>
    %select_n3A_483 = arith.select %ge3A_479, %sub3A_482, %select_n3A_476 : vector<16xi1>, vector<16xi32>
    %swap3A_484 = arith.constant 208 : index
    %swap3A_485 = tpu.vector_load %arg6[%swap3A_484] {strides = array<i32>} : memref<512xi32, #tpu.memory_space<vmem>>, vector<16xi32>,
    %swap3A_486 = vector.shape_cast %swap3A_485 : vector<16xi32> to vector<16xi32>
    %swap3A_487 = vector.shape_cast %select_n3A_483 : vector<16xi32> to vector<16xi32>
    tpu.vector_store %arg6[%swap3A_484], %swap3A_487 {strides = array<i32>} : memref<512xi32, #tpu.memory_space<vmem>>, vector<16xi32>,
    %get3A_488 = arith.constant 224 : index
    %get3A_489 = tpu.vector_load %arg5[%get3A_488] {strides = array<i32>} : memref<512xi32, #tpu.memory_space<vmem>>, vector<16xi32>,
    %get3A_490 = vector.shape_cast %get3A_489 : vector<16xi32> to vector<16xi32>
    %ge3A_491 = arith.constant 249984 : i32
    %ge3A_492 = vector.broadcast %ge3A_491 : i32 to vector<16xi32>
    %ge3A_493 = arith.cmpi sge, %get3A_490, %ge3A_492 : vector<16xi32>
    %sub3A_494 = arith.constant 249984 : i32
    %sub3A_495 = vector.broadcast %sub3A_494 : i32 to vector<16xi32>
    %sub3A_496 = arith.subi %get3A_490, %sub3A_495 : vector<16xi32>
    %select_n3A_497 = arith.select %ge3A_493, %sub3A_496, %get3A_490 : vector<16xi1>, vector<16xi32>
    %ge3A_498 = arith.constant 249984 : i32
    %ge3A_499 = vector.broadcast %ge3A_498 : i32 to vector<16xi32>
    %ge3A_500 = arith.cmpi sge, %select_n3A_497, %ge3A_499 : vector<16xi32>
    %sub3A_501 = arith.constant 249984 : i32
    %sub3A_502 = vector.broadcast %sub3A_501 : i32 to vector<16xi32>
    %sub3A_503 = arith.subi %select_n3A_497, %sub3A_502 : vector<16xi32>
    %select_n3A_504 = arith.select %ge3A_500, %sub3A_503, %select_n3A_497 : vector<16xi1>, vector<16xi32>
    %ge3A_505 = arith.constant 249984 : i32
    %ge3A_506 = vector.broadcast %ge3A_505 : i32 to vector<16xi32>
    %ge3A_507 = arith.cmpi sge, %select_n3A_504, %ge3A_506 : vector<16xi32>
    %sub3A_508 = arith.constant 249984 : i32
    %sub3A_509 = vector.broadcast %sub3A_508 : i32 to vector<16xi32>
    %sub3A_510 = arith.subi %select_n3A_504, %sub3A_509 : vector<16xi32>
    %select_n3A_511 = arith.select %ge3A_507, %sub3A_510, %select_n3A_504 : vector<16xi1>, vector<16xi32>
    %ge3A_512 = arith.constant 249984 : i32
    %ge3A_513 = vector.broadcast %ge3A_512 : i32 to vector<16xi32>
    %ge3A_514 = arith.cmpi sge, %select_n3A_511, %ge3A_513 : vector<16xi32>
    %sub3A_515 = arith.constant 249984 : i32
    %sub3A_516 = vector.broadcast %sub3A_515 : i32 to vector<16xi32>
    %sub3A_517 = arith.subi %select_n3A_511, %sub3A_516 : vector<16xi32>
    %select_n3A_518 = arith.select %ge3A_514, %sub3A_517, %select_n3A_511 : vector<16xi1>, vector<16xi32>
    %swap3A_519 = arith.constant 224 : index
    %swap3A_520 = tpu.vector_load %arg6[%swap3A_519] {strides = array<i32>} : memref<512xi32, #tpu.memory_space<vmem>>, vector<16xi32>,
    %swap3A_521 = vector.shape_cast %swap3A_520 : vector<16xi32> to vector<16xi32>
    %swap3A_522 = vector.shape_cast %select_n3A_518 : vector<16xi32> to vector<16xi32>
    tpu.vector_store %arg6[%swap3A_519], %swap3A_522 {strides = array<i32>} : memref<512xi32, #tpu.memory_space<vmem>>, vector<16xi32>,
    %get3A_523 = arith.constant 240 : index
    %get3A_524 = tpu.vector_load %arg5[%get3A_523] {strides = array<i32>} : memref<512xi32, #tpu.memory_space<vmem>>, vector<16xi32>,
    %get3A_525 = vector.shape_cast %get3A_524 : vector<16xi32> to vector<16xi32>
    %ge3A_526 = arith.constant 249984 : i32
    %ge3A_527 = vector.broadcast %ge3A_526 : i32 to vector<16xi32>
    %ge3A_528 = arith.cmpi sge, %get3A_525, %ge3A_527 : vector<16xi32>
    %sub3A_529 = arith.constant 249984 : i32
    %sub3A_530 = vector.broadcast %sub3A_529 : i32 to vector<16xi32>
    %sub3A_531 = arith.subi %get3A_525, %sub3A_530 : vector<16xi32>
    %select_n3A_532 = arith.select %ge3A_528, %sub3A_531, %get3A_525 : vector<16xi1>, vector<16xi32>
    %ge3A_533 = arith.constant 249984 : i32
    %ge3A_534 = vector.broadcast %ge3A_533 : i32 to vector<16xi32>
    %ge3A_535 = arith.cmpi sge, %select_n3A_532, %ge3A_534 : vector<16xi32>
    %sub3A_536 = arith.constant 249984 : i32
    %sub3A_537 = vector.broadcast %sub3A_536 : i32 to vector<16xi32>
    %sub3A_538 = arith.subi %select_n3A_532, %sub3A_537 : vector<16xi32>
    %select_n3A_539 = arith.select %ge3A_535, %sub3A_538, %select_n3A_532 : vector<16xi1>, vector<16xi32>
    %ge3A_540 = arith.constant 249984 : i32
    %ge3A_541 = vector.broadcast %ge3A_540 : i32 to vector<16xi32>
    %ge3A_542 = arith.cmpi sge, %select_n3A_539, %ge3A_541 : vector<16xi32>
    %sub3A_543 = arith.constant 249984 : i32
    %sub3A_544 = vector.broadcast %sub3A_543 : i32 to vector<16xi32>
    %sub3A_545 = arith.subi %select_n3A_539, %sub3A_544 : vector<16xi32>
    %select_n3A_546 = arith.select %ge3A_542, %sub3A_545, %select_n3A_539 : vector<16xi1>, vector<16xi32>
    %ge3A_547 = arith.constant 249984 : i32
    %ge3A_548 = vector.broadcast %ge3A_547 : i32 to vector<16xi32>
    %ge3A_549 = arith.cmpi sge, %select_n3A_546, %ge3A_548 : vector<16xi32>
    %sub3A_550 = arith.constant 249984 : i32
    %sub3A_551 = vector.broadcast %sub3A_550 : i32 to vector<16xi32>
    %sub3A_552 = arith.subi %select_n3A_546, %sub3A_551 : vector<16xi32>
    %select_n3A_553 = arith.select %ge3A_549, %sub3A_552, %select_n3A_546 : vector<16xi1>, vector<16xi32>
    %swap3A_554 = arith.constant 240 : index
    %swap3A_555 = tpu.vector_load %arg6[%swap3A_554] {strides = array<i32>} : memref<512xi32, #tpu.memory_space<vmem>>, vector<16xi32>,
    %swap3A_556 = vector.shape_cast %swap3A_555 : vector<16xi32> to vector<16xi32>
    %swap3A_557 = vector.shape_cast %select_n3A_553 : vector<16xi32> to vector<16xi32>
    tpu.vector_store %arg6[%swap3A_554], %swap3A_557 {strides = array<i32>} : memref<512xi32, #tpu.memory_space<vmem>>, vector<16xi32>,
    %get3A_558 = arith.constant 256 : index
    %get3A_559 = tpu.vector_load %arg5[%get3A_558] {strides = array<i32>} : memref<512xi32, #tpu.memory_space<vmem>>, vector<16xi32>,
    %get3A_560 = vector.shape_cast %get3A_559 : vector<16xi32> to vector<16xi32>
    %ge3A_561 = arith.constant 249984 : i32
    %ge3A_562 = vector.broadcast %ge3A_561 : i32 to vector<16xi32>
    %ge3A_563 = arith.cmpi sge, %get3A_560, %ge3A_562 : vector<16xi32>
    %sub3A_564 = arith.constant 249984 : i32
    %sub3A_565 = vector.broadcast %sub3A_564 : i32 to vector<16xi32>
    %sub3A_566 = arith.subi %get3A_560, %sub3A_565 : vector<16xi32>
    %select_n3A_567 = arith.select %ge3A_563, %sub3A_566, %get3A_560 : vector<16xi1>, vector<16xi32>
    %ge3A_568 = arith.constant 249984 : i32
    %ge3A_569 = vector.broadcast %ge3A_568 : i32 to vector<16xi32>
    %ge3A_570 = arith.cmpi sge, %select_n3A_567, %ge3A_569 : vector<16xi32>
    %sub3A_571 = arith.constant 249984 : i32
    %sub3A_572 = vector.broadcast %sub3A_571 : i32 to vector<16xi32>
    %sub3A_573 = arith.subi %select_n3A_567, %sub3A_572 : vector<16xi32>
    %select_n3A_574 = arith.select %ge3A_570, %sub3A_573, %select_n3A_567 : vector<16xi1>, vector<16xi32>
    %ge3A_575 = arith.constant 249984 : i32
    %ge3A_576 = vector.broadcast %ge3A_575 : i32 to vector<16xi32>
    %ge3A_577 = arith.cmpi sge, %select_n3A_574, %ge3A_576 : vector<16xi32>
    %sub3A_578 = arith.constant 249984 : i32
    %sub3A_579 = vector.broadcast %sub3A_578 : i32 to vector<16xi32>
    %sub3A_580 = arith.subi %select_n3A_574, %sub3A_579 : vector<16xi32>
    %select_n3A_581 = arith.select %ge3A_577, %sub3A_580, %select_n3A_574 : vector<16xi1>, vector<16xi32>
    %ge3A_582 = arith.constant 249984 : i32
    %ge3A_583 = vector.broadcast %ge3A_582 : i32 to vector<16xi32>
    %ge3A_584 = arith.cmpi sge, %select_n3A_581, %ge3A_583 : vector<16xi32>
    %sub3A_585 = arith.constant 249984 : i32
    %sub3A_586 = vector.broadcast %sub3A_585 : i32 to vector<16xi32>
    %sub3A_587 = arith.subi %select_n3A_581, %sub3A_586 : vector<16xi32>
    %select_n3A_588 = arith.select %ge3A_584, %sub3A_587, %select_n3A_581 : vector<16xi1>, vector<16xi32>
    %swap3A_589 = arith.constant 256 : index
    %swap3A_590 = tpu.vector_load %arg6[%swap3A_589] {strides = array<i32>} : memref<512xi32, #tpu.memory_space<vmem>>, vector<16xi32>,
    %swap3A_591 = vector.shape_cast %swap3A_590 : vector<16xi32> to vector<16xi32>
    %swap3A_592 = vector.shape_cast %select_n3A_588 : vector<16xi32> to vector<16xi32>
    tpu.vector_store %arg6[%swap3A_589], %swap3A_592 {strides = array<i32>} : memref<512xi32, #tpu.memory_space<vmem>>, vector<16xi32>,
    %get3A_593 = arith.constant 272 : index
    %get3A_594 = tpu.vector_load %arg5[%get3A_593] {strides = array<i32>} : memref<512xi32, #tpu.memory_space<vmem>>, vector<16xi32>,
    %get3A_595 = vector.shape_cast %get3A_594 : vector<16xi32> to vector<16xi32>
    %ge3A_596 = arith.constant 249984 : i32
    %ge3A_597 = vector.broadcast %ge3A_596 : i32 to vector<16xi32>
    %ge3A_598 = arith.cmpi sge, %get3A_595, %ge3A_597 : vector<16xi32>
    %sub3A_599 = arith.constant 249984 : i32
    %sub3A_600 = vector.broadcast %sub3A_599 : i32 to vector<16xi32>
    %sub3A_601 = arith.subi %get3A_595, %sub3A_600 : vector<16xi32>
    %select_n3A_602 = arith.select %ge3A_598, %sub3A_601, %get3A_595 : vector<16xi1>, vector<16xi32>
    %ge3A_603 = arith.constant 249984 : i32
    %ge3A_604 = vector.broadcast %ge3A_603 : i32 to vector<16xi32>
    %ge3A_605 = arith.cmpi sge, %select_n3A_602, %ge3A_604 : vector<16xi32>
    %sub3A_606 = arith.constant 249984 : i32
    %sub3A_607 = vector.broadcast %sub3A_606 : i32 to vector<16xi32>
    %sub3A_608 = arith.subi %select_n3A_602, %sub3A_607 : vector<16xi32>
    %select_n3A_609 = arith.select %ge3A_605, %sub3A_608, %select_n3A_602 : vector<16xi1>, vector<16xi32>
    %ge3A_610 = arith.constant 249984 : i32
    %ge3A_611 = vector.broadcast %ge3A_610 : i32 to vector<16xi32>
    %ge3A_612 = arith.cmpi sge, %select_n3A_609, %ge3A_611 : vector<16xi32>
    %sub3A_613 = arith.constant 249984 : i32
    %sub3A_614 = vector.broadcast %sub3A_613 : i32 to vector<16xi32>
    %sub3A_615 = arith.subi %select_n3A_609, %sub3A_614 : vector<16xi32>
    %select_n3A_616 = arith.select %ge3A_612, %sub3A_615, %select_n3A_609 : vector<16xi1>, vector<16xi32>
    %ge3A_617 = arith.constant 249984 : i32
    %ge3A_618 = vector.broadcast %ge3A_617 : i32 to vector<16xi32>
    %ge3A_619 = arith.cmpi sge, %select_n3A_616, %ge3A_618 : vector<16xi32>
    %sub3A_620 = arith.constant 249984 : i32
    %sub3A_621 = vector.broadcast %sub3A_620 : i32 to vector<16xi32>
    %sub3A_622 = arith.subi %select_n3A_616, %sub3A_621 : vector<16xi32>
    %select_n3A_623 = arith.select %ge3A_619, %sub3A_622, %select_n3A_616 : vector<16xi1>, vector<16xi32>
    %swap3A_624 = arith.constant 272 : index
    %swap3A_625 = tpu.vector_load %arg6[%swap3A_624] {strides = array<i32>} : memref<512xi32, #tpu.memory_space<vmem>>, vector<16xi32>,
    %swap3A_626 = vector.shape_cast %swap3A_625 : vector<16xi32> to vector<16xi32>
    %swap3A_627 = vector.shape_cast %select_n3A_623 : vector<16xi32> to vector<16xi32>
    tpu.vector_store %arg6[%swap3A_624], %swap3A_627 {strides = array<i32>} : memref<512xi32, #tpu.memory_space<vmem>>, vector<16xi32>,
    %get3A_628 = arith.constant 288 : index
    %get3A_629 = tpu.vector_load %arg5[%get3A_628] {strides = array<i32>} : memref<512xi32, #tpu.memory_space<vmem>>, vector<16xi32>,
    %get3A_630 = vector.shape_cast %get3A_629 : vector<16xi32> to vector<16xi32>
    %ge3A_631 = arith.constant 249984 : i32
    %ge3A_632 = vector.broadcast %ge3A_631 : i32 to vector<16xi32>
    %ge3A_633 = arith.cmpi sge, %get3A_630, %ge3A_632 : vector<16xi32>
    %sub3A_634 = arith.constant 249984 : i32
    %sub3A_635 = vector.broadcast %sub3A_634 : i32 to vector<16xi32>
    %sub3A_636 = arith.subi %get3A_630, %sub3A_635 : vector<16xi32>
    %select_n3A_637 = arith.select %ge3A_633, %sub3A_636, %get3A_630 : vector<16xi1>, vector<16xi32>
    %ge3A_638 = arith.constant 249984 : i32
    %ge3A_639 = vector.broadcast %ge3A_638 : i32 to vector<16xi32>
    %ge3A_640 = arith.cmpi sge, %select_n3A_637, %ge3A_639 : vector<16xi32>
    %sub3A_641 = arith.constant 249984 : i32
    %sub3A_642 = vector.broadcast %sub3A_641 : i32 to vector<16xi32>
    %sub3A_643 = arith.subi %select_n3A_637, %sub3A_642 : vector<16xi32>
    %select_n3A_644 = arith.select %ge3A_640, %sub3A_643, %select_n3A_637 : vector<16xi1>, vector<16xi32>
    %ge3A_645 = arith.constant 249984 : i32
    %ge3A_646 = vector.broadcast %ge3A_645 : i32 to vector<16xi32>
    %ge3A_647 = arith.cmpi sge, %select_n3A_644, %ge3A_646 : vector<16xi32>
    %sub3A_648 = arith.constant 249984 : i32
    %sub3A_649 = vector.broadcast %sub3A_648 : i32 to vector<16xi32>
    %sub3A_650 = arith.subi %select_n3A_644, %sub3A_649 : vector<16xi32>
    %select_n3A_651 = arith.select %ge3A_647, %sub3A_650, %select_n3A_644 : vector<16xi1>, vector<16xi32>
    %ge3A_652 = arith.constant 249984 : i32
    %ge3A_653 = vector.broadcast %ge3A_652 : i32 to vector<16xi32>
    %ge3A_654 = arith.cmpi sge, %select_n3A_651, %ge3A_653 : vector<16xi32>
    %sub3A_655 = arith.constant 249984 : i32
    %sub3A_656 = vector.broadcast %sub3A_655 : i32 to vector<16xi32>
    %sub3A_657 = arith.subi %select_n3A_651, %sub3A_656 : vector<16xi32>
    %select_n3A_658 = arith.select %ge3A_654, %sub3A_657, %select_n3A_651 : vector<16xi1>, vector<16xi32>
    %swap3A_659 = arith.constant 288 : index
    %swap3A_660 = tpu.vector_load %arg6[%swap3A_659] {strides = array<i32>} : memref<512xi32, #tpu.memory_space<vmem>>, vector<16xi32>,
    %swap3A_661 = vector.shape_cast %swap3A_660 : vector<16xi32> to vector<16xi32>
    %swap3A_662 = vector.shape_cast %select_n3A_658 : vector<16xi32> to vector<16xi32>
    tpu.vector_store %arg6[%swap3A_659], %swap3A_662 {strides = array<i32>} : memref<512xi32, #tpu.memory_space<vmem>>, vector<16xi32>,
    %get3A_663 = arith.constant 304 : index
    %get3A_664 = tpu.vector_load %arg5[%get3A_663] {strides = array<i32>} : memref<512xi32, #tpu.memory_space<vmem>>, vector<16xi32>,
    %get3A_665 = vector.shape_cast %get3A_664 : vector<16xi32> to vector<16xi32>
    %ge3A_666 = arith.constant 249984 : i32
    %ge3A_667 = vector.broadcast %ge3A_666 : i32 to vector<16xi32>
    %ge3A_668 = arith.cmpi sge, %get3A_665, %ge3A_667 : vector<16xi32>
    %sub3A_669 = arith.constant 249984 : i32
    %sub3A_670 = vector.broadcast %sub3A_669 : i32 to vector<16xi32>
    %sub3A_671 = arith.subi %get3A_665, %sub3A_670 : vector<16xi32>
    %select_n3A_672 = arith.select %ge3A_668, %sub3A_671, %get3A_665 : vector<16xi1>, vector<16xi32>
    %ge3A_673 = arith.constant 249984 : i32
    %ge3A_674 = vector.broadcast %ge3A_673 : i32 to vector<16xi32>
    %ge3A_675 = arith.cmpi sge, %select_n3A_672, %ge3A_674 : vector<16xi32>
    %sub3A_676 = arith.constant 249984 : i32
    %sub3A_677 = vector.broadcast %sub3A_676 : i32 to vector<16xi32>
    %sub3A_678 = arith.subi %select_n3A_672, %sub3A_677 : vector<16xi32>
    %select_n3A_679 = arith.select %ge3A_675, %sub3A_678, %select_n3A_672 : vector<16xi1>, vector<16xi32>
    %ge3A_680 = arith.constant 249984 : i32
    %ge3A_681 = vector.broadcast %ge3A_680 : i32 to vector<16xi32>
    %ge3A_682 = arith.cmpi sge, %select_n3A_679, %ge3A_681 : vector<16xi32>
    %sub3A_683 = arith.constant 249984 : i32
    %sub3A_684 = vector.broadcast %sub3A_683 : i32 to vector<16xi32>
    %sub3A_685 = arith.subi %select_n3A_679, %sub3A_684 : vector<16xi32>
    %select_n3A_686 = arith.select %ge3A_682, %sub3A_685, %select_n3A_679 : vector<16xi1>, vector<16xi32>
    %ge3A_687 = arith.constant 249984 : i32
    %ge3A_688 = vector.broadcast %ge3A_687 : i32 to vector<16xi32>
    %ge3A_689 = arith.cmpi sge, %select_n3A_686, %ge3A_688 : vector<16xi32>
    %sub3A_690 = arith.constant 249984 : i32
    %sub3A_691 = vector.broadcast %sub3A_690 : i32 to vector<16xi32>
    %sub3A_692 = arith.subi %select_n3A_686, %sub3A_691 : vector<16xi32>
    %select_n3A_693 = arith.select %ge3A_689, %sub3A_692, %select_n3A_686 : vector<16xi1>, vector<16xi32>
    %swap3A_694 = arith.constant 304 : index
    %swap3A_695 = tpu.vector_load %arg6[%swap3A_694] {strides = array<i32>} : memref<512xi32, #tpu.memory_space<vmem>>, vector<16xi32>,
    %swap3A_696 = vector.shape_cast %swap3A_695 : vector<16xi32> to vector<16xi32>
    %swap3A_697 = vector.shape_cast %select_n3A_693 : vector<16xi32> to vector<16xi32>
    tpu.vector_store %arg6[%swap3A_694], %swap3A_697 {strides = array<i32>} : memref<512xi32, #tpu.memory_space<vmem>>, vector<16xi32>,
    %get3A_698 = arith.constant 320 : index
    %get3A_699 = tpu.vector_load %arg5[%get3A_698] {strides = array<i32>} : memref<512xi32, #tpu.memory_space<vmem>>, vector<16xi32>,
    %get3A_700 = vector.shape_cast %get3A_699 : vector<16xi32> to vector<16xi32>
    %ge3A_701 = arith.constant 249984 : i32
    %ge3A_702 = vector.broadcast %ge3A_701 : i32 to vector<16xi32>
    %ge3A_703 = arith.cmpi sge, %get3A_700, %ge3A_702 : vector<16xi32>
    %sub3A_704 = arith.constant 249984 : i32
    %sub3A_705 = vector.broadcast %sub3A_704 : i32 to vector<16xi32>
    %sub3A_706 = arith.subi %get3A_700, %sub3A_705 : vector<16xi32>
    %select_n3A_707 = arith.select %ge3A_703, %sub3A_706, %get3A_700 : vector<16xi1>, vector<16xi32>
    %ge3A_708 = arith.constant 249984 : i32
    %ge3A_709 = vector.broadcast %ge3A_708 : i32 to vector<16xi32>
    %ge3A_710 = arith.cmpi sge, %select_n3A_707, %ge3A_709 : vector<16xi32>
    %sub3A_711 = arith.constant 249984 : i32
    %sub3A_712 = vector.broadcast %sub3A_711 : i32 to vector<16xi32>
    %sub3A_713 = arith.subi %select_n3A_707, %sub3A_712 : vector<16xi32>
    %select_n3A_714 = arith.select %ge3A_710, %sub3A_713, %select_n3A_707 : vector<16xi1>, vector<16xi32>
    %ge3A_715 = arith.constant 249984 : i32
    %ge3A_716 = vector.broadcast %ge3A_715 : i32 to vector<16xi32>
    %ge3A_717 = arith.cmpi sge, %select_n3A_714, %ge3A_716 : vector<16xi32>
    %sub3A_718 = arith.constant 249984 : i32
    %sub3A_719 = vector.broadcast %sub3A_718 : i32 to vector<16xi32>
    %sub3A_720 = arith.subi %select_n3A_714, %sub3A_719 : vector<16xi32>
    %select_n3A_721 = arith.select %ge3A_717, %sub3A_720, %select_n3A_714 : vector<16xi1>, vector<16xi32>
    %ge3A_722 = arith.constant 249984 : i32
    %ge3A_723 = vector.broadcast %ge3A_722 : i32 to vector<16xi32>
    %ge3A_724 = arith.cmpi sge, %select_n3A_721, %ge3A_723 : vector<16xi32>
    %sub3A_725 = arith.constant 249984 : i32
    %sub3A_726 = vector.broadcast %sub3A_725 : i32 to vector<16xi32>
    %sub3A_727 = arith.subi %select_n3A_721, %sub3A_726 : vector<16xi32>
    %select_n3A_728 = arith.select %ge3A_724, %sub3A_727, %select_n3A_721 : vector<16xi1>, vector<16xi32>
    %swap3A_729 = arith.constant 320 : index
    %swap3A_730 = tpu.vector_load %arg6[%swap3A_729] {strides = array<i32>} : memref<512xi32, #tpu.memory_space<vmem>>, vector<16xi32>,
    %swap3A_731 = vector.shape_cast %swap3A_730 : vector<16xi32> to vector<16xi32>
    %swap3A_732 = vector.shape_cast %select_n3A_728 : vector<16xi32> to vector<16xi32>
    tpu.vector_store %arg6[%swap3A_729], %swap3A_732 {strides = array<i32>} : memref<512xi32, #tpu.memory_space<vmem>>, vector<16xi32>,
    %get3A_733 = arith.constant 336 : index
    %get3A_734 = tpu.vector_load %arg5[%get3A_733] {strides = array<i32>} : memref<512xi32, #tpu.memory_space<vmem>>, vector<16xi32>,
    %get3A_735 = vector.shape_cast %get3A_734 : vector<16xi32> to vector<16xi32>
    %ge3A_736 = arith.constant 249984 : i32
    %ge3A_737 = vector.broadcast %ge3A_736 : i32 to vector<16xi32>
    %ge3A_738 = arith.cmpi sge, %get3A_735, %ge3A_737 : vector<16xi32>
    %sub3A_739 = arith.constant 249984 : i32
    %sub3A_740 = vector.broadcast %sub3A_739 : i32 to vector<16xi32>
    %sub3A_741 = arith.subi %get3A_735, %sub3A_740 : vector<16xi32>
    %select_n3A_742 = arith.select %ge3A_738, %sub3A_741, %get3A_735 : vector<16xi1>, vector<16xi32>
    %ge3A_743 = arith.constant 249984 : i32
    %ge3A_744 = vector.broadcast %ge3A_743 : i32 to vector<16xi32>
    %ge3A_745 = arith.cmpi sge, %select_n3A_742, %ge3A_744 : vector<16xi32>
    %sub3A_746 = arith.constant 249984 : i32
    %sub3A_747 = vector.broadcast %sub3A_746 : i32 to vector<16xi32>
    %sub3A_748 = arith.subi %select_n3A_742, %sub3A_747 : vector<16xi32>
    %select_n3A_749 = arith.select %ge3A_745, %sub3A_748, %select_n3A_742 : vector<16xi1>, vector<16xi32>
    %ge3A_750 = arith.constant 249984 : i32
    %ge3A_751 = vector.broadcast %ge3A_750 : i32 to vector<16xi32>
    %ge3A_752 = arith.cmpi sge, %select_n3A_749, %ge3A_751 : vector<16xi32>
    %sub3A_753 = arith.constant 249984 : i32
    %sub3A_754 = vector.broadcast %sub3A_753 : i32 to vector<16xi32>
    %sub3A_755 = arith.subi %select_n3A_749, %sub3A_754 : vector<16xi32>
    %select_n3A_756 = arith.select %ge3A_752, %sub3A_755, %select_n3A_749 : vector<16xi1>, vector<16xi32>
    %ge3A_757 = arith.constant 249984 : i32
    %ge3A_758 = vector.broadcast %ge3A_757 : i32 to vector<16xi32>
    %ge3A_759 = arith.cmpi sge, %select_n3A_756, %ge3A_758 : vector<16xi32>
    %sub3A_760 = arith.constant 249984 : i32
    %sub3A_761 = vector.broadcast %sub3A_760 : i32 to vector<16xi32>
    %sub3A_762 = arith.subi %select_n3A_756, %sub3A_761 : vector<16xi32>
    %select_n3A_763 = arith.select %ge3A_759, %sub3A_762, %select_n3A_756 : vector<16xi1>, vector<16xi32>
    %swap3A_764 = arith.constant 336 : index
    %swap3A_765 = tpu.vector_load %arg6[%swap3A_764] {strides = array<i32>} : memref<512xi32, #tpu.memory_space<vmem>>, vector<16xi32>,
    %swap3A_766 = vector.shape_cast %swap3A_765 : vector<16xi32> to vector<16xi32>
    %swap3A_767 = vector.shape_cast %select_n3A_763 : vector<16xi32> to vector<16xi32>
    tpu.vector_store %arg6[%swap3A_764], %swap3A_767 {strides = array<i32>} : memref<512xi32, #tpu.memory_space<vmem>>, vector<16xi32>,
    %get3A_768 = arith.constant 352 : index
    %get3A_769 = tpu.vector_load %arg5[%get3A_768] {strides = array<i32>} : memref<512xi32, #tpu.memory_space<vmem>>, vector<16xi32>,
    %get3A_770 = vector.shape_cast %get3A_769 : vector<16xi32> to vector<16xi32>
    %ge3A_771 = arith.constant 249984 : i32
    %ge3A_772 = vector.broadcast %ge3A_771 : i32 to vector<16xi32>
    %ge3A_773 = arith.cmpi sge, %get3A_770, %ge3A_772 : vector<16xi32>
    %sub3A_774 = arith.constant 249984 : i32
    %sub3A_775 = vector.broadcast %sub3A_774 : i32 to vector<16xi32>
    %sub3A_776 = arith.subi %get3A_770, %sub3A_775 : vector<16xi32>
    %select_n3A_777 = arith.select %ge3A_773, %sub3A_776, %get3A_770 : vector<16xi1>, vector<16xi32>
    %ge3A_778 = arith.constant 249984 : i32
    %ge3A_779 = vector.broadcast %ge3A_778 : i32 to vector<16xi32>
    %ge3A_780 = arith.cmpi sge, %select_n3A_777, %ge3A_779 : vector<16xi32>
    %sub3A_781 = arith.constant 249984 : i32
    %sub3A_782 = vector.broadcast %sub3A_781 : i32 to vector<16xi32>
    %sub3A_783 = arith.subi %select_n3A_777, %sub3A_782 : vector<16xi32>
    %select_n3A_784 = arith.select %ge3A_780, %sub3A_783, %select_n3A_777 : vector<16xi1>, vector<16xi32>
    %ge3A_785 = arith.constant 249984 : i32
    %ge3A_786 = vector.broadcast %ge3A_785 : i32 to vector<16xi32>
    %ge3A_787 = arith.cmpi sge, %select_n3A_784, %ge3A_786 : vector<16xi32>
    %sub3A_788 = arith.constant 249984 : i32
    %sub3A_789 = vector.broadcast %sub3A_788 : i32 to vector<16xi32>
    %sub3A_790 = arith.subi %select_n3A_784, %sub3A_789 : vector<16xi32>
    %select_n3A_791 = arith.select %ge3A_787, %sub3A_790, %select_n3A_784 : vector<16xi1>, vector<16xi32>
    %ge3A_792 = arith.constant 249984 : i32
    %ge3A_793 = vector.broadcast %ge3A_792 : i32 to vector<16xi32>
    %ge3A_794 = arith.cmpi sge, %select_n3A_791, %ge3A_793 : vector<16xi32>
    %sub3A_795 = arith.constant 249984 : i32
    %sub3A_796 = vector.broadcast %sub3A_795 : i32 to vector<16xi32>
    %sub3A_797 = arith.subi %select_n3A_791, %sub3A_796 : vector<16xi32>
    %select_n3A_798 = arith.select %ge3A_794, %sub3A_797, %select_n3A_791 : vector<16xi1>, vector<16xi32>
    %swap3A_799 = arith.constant 352 : index
    %swap3A_800 = tpu.vector_load %arg6[%swap3A_799] {strides = array<i32>} : memref<512xi32, #tpu.memory_space<vmem>>, vector<16xi32>,
    %swap3A_801 = vector.shape_cast %swap3A_800 : vector<16xi32> to vector<16xi32>
    %swap3A_802 = vector.shape_cast %select_n3A_798 : vector<16xi32> to vector<16xi32>
    tpu.vector_store %arg6[%swap3A_799], %swap3A_802 {strides = array<i32>} : memref<512xi32, #tpu.memory_space<vmem>>, vector<16xi32>,
    %get3A_803 = arith.constant 368 : index
    %get3A_804 = tpu.vector_load %arg5[%get3A_803] {strides = array<i32>} : memref<512xi32, #tpu.memory_space<vmem>>, vector<16xi32>,
    %get3A_805 = vector.shape_cast %get3A_804 : vector<16xi32> to vector<16xi32>
    %ge3A_806 = arith.constant 249984 : i32
    %ge3A_807 = vector.broadcast %ge3A_806 : i32 to vector<16xi32>
    %ge3A_808 = arith.cmpi sge, %get3A_805, %ge3A_807 : vector<16xi32>
    %sub3A_809 = arith.constant 249984 : i32
    %sub3A_810 = vector.broadcast %sub3A_809 : i32 to vector<16xi32>
    %sub3A_811 = arith.subi %get3A_805, %sub3A_810 : vector<16xi32>
    %select_n3A_812 = arith.select %ge3A_808, %sub3A_811, %get3A_805 : vector<16xi1>, vector<16xi32>
    %ge3A_813 = arith.constant 249984 : i32
    %ge3A_814 = vector.broadcast %ge3A_813 : i32 to vector<16xi32>
    %ge3A_815 = arith.cmpi sge, %select_n3A_812, %ge3A_814 : vector<16xi32>
    %sub3A_816 = arith.constant 249984 : i32
    %sub3A_817 = vector.broadcast %sub3A_816 : i32 to vector<16xi32>
    %sub3A_818 = arith.subi %select_n3A_812, %sub3A_817 : vector<16xi32>
    %select_n3A_819 = arith.select %ge3A_815, %sub3A_818, %select_n3A_812 : vector<16xi1>, vector<16xi32>
    %ge3A_820 = arith.constant 249984 : i32
    %ge3A_821 = vector.broadcast %ge3A_820 : i32 to vector<16xi32>
    %ge3A_822 = arith.cmpi sge, %select_n3A_819, %ge3A_821 : vector<16xi32>
    %sub3A_823 = arith.constant 249984 : i32
    %sub3A_824 = vector.broadcast %sub3A_823 : i32 to vector<16xi32>
    %sub3A_825 = arith.subi %select_n3A_819, %sub3A_824 : vector<16xi32>
    %select_n3A_826 = arith.select %ge3A_822, %sub3A_825, %select_n3A_819 : vector<16xi1>, vector<16xi32>
    %ge3A_827 = arith.constant 249984 : i32
    %ge3A_828 = vector.broadcast %ge3A_827 : i32 to vector<16xi32>
    %ge3A_829 = arith.cmpi sge, %select_n3A_826, %ge3A_828 : vector<16xi32>
    %sub3A_830 = arith.constant 249984 : i32
    %sub3A_831 = vector.broadcast %sub3A_830 : i32 to vector<16xi32>
    %sub3A_832 = arith.subi %select_n3A_826, %sub3A_831 : vector<16xi32>
    %select_n3A_833 = arith.select %ge3A_829, %sub3A_832, %select_n3A_826 : vector<16xi1>, vector<16xi32>
    %swap3A_834 = arith.constant 368 : index
    %swap3A_835 = tpu.vector_load %arg6[%swap3A_834] {strides = array<i32>} : memref<512xi32, #tpu.memory_space<vmem>>, vector<16xi32>,
    %swap3A_836 = vector.shape_cast %swap3A_835 : vector<16xi32> to vector<16xi32>
    %swap3A_837 = vector.shape_cast %select_n3A_833 : vector<16xi32> to vector<16xi32>
    tpu.vector_store %arg6[%swap3A_834], %swap3A_837 {strides = array<i32>} : memref<512xi32, #tpu.memory_space<vmem>>, vector<16xi32>,
    %get3A_838 = arith.constant 384 : index
    %get3A_839 = tpu.vector_load %arg5[%get3A_838] {strides = array<i32>} : memref<512xi32, #tpu.memory_space<vmem>>, vector<16xi32>,
    %get3A_840 = vector.shape_cast %get3A_839 : vector<16xi32> to vector<16xi32>
    %ge3A_841 = arith.constant 249984 : i32
    %ge3A_842 = vector.broadcast %ge3A_841 : i32 to vector<16xi32>
    %ge3A_843 = arith.cmpi sge, %get3A_840, %ge3A_842 : vector<16xi32>
    %sub3A_844 = arith.constant 249984 : i32
    %sub3A_845 = vector.broadcast %sub3A_844 : i32 to vector<16xi32>
    %sub3A_846 = arith.subi %get3A_840, %sub3A_845 : vector<16xi32>
    %select_n3A_847 = arith.select %ge3A_843, %sub3A_846, %get3A_840 : vector<16xi1>, vector<16xi32>
    %ge3A_848 = arith.constant 249984 : i32
    %ge3A_849 = vector.broadcast %ge3A_848 : i32 to vector<16xi32>
    %ge3A_850 = arith.cmpi sge, %select_n3A_847, %ge3A_849 : vector<16xi32>
    %sub3A_851 = arith.constant 249984 : i32
    %sub3A_852 = vector.broadcast %sub3A_851 : i32 to vector<16xi32>
    %sub3A_853 = arith.subi %select_n3A_847, %sub3A_852 : vector<16xi32>
    %select_n3A_854 = arith.select %ge3A_850, %sub3A_853, %select_n3A_847 : vector<16xi1>, vector<16xi32>
    %ge3A_855 = arith.constant 249984 : i32
    %ge3A_856 = vector.broadcast %ge3A_855 : i32 to vector<16xi32>
    %ge3A_857 = arith.cmpi sge, %select_n3A_854, %ge3A_856 : vector<16xi32>
    %sub3A_858 = arith.constant 249984 : i32
    %sub3A_859 = vector.broadcast %sub3A_858 : i32 to vector<16xi32>
    %sub3A_860 = arith.subi %select_n3A_854, %sub3A_859 : vector<16xi32>
    %select_n3A_861 = arith.select %ge3A_857, %sub3A_860, %select_n3A_854 : vector<16xi1>, vector<16xi32>
    %ge3A_862 = arith.constant 249984 : i32
    %ge3A_863 = vector.broadcast %ge3A_862 : i32 to vector<16xi32>
    %ge3A_864 = arith.cmpi sge, %select_n3A_861, %ge3A_863 : vector<16xi32>
    %sub3A_865 = arith.constant 249984 : i32
    %sub3A_866 = vector.broadcast %sub3A_865 : i32 to vector<16xi32>
    %sub3A_867 = arith.subi %select_n3A_861, %sub3A_866 : vector<16xi32>
    %select_n3A_868 = arith.select %ge3A_864, %sub3A_867, %select_n3A_861 : vector<16xi1>, vector<16xi32>
    %swap3A_869 = arith.constant 384 : index
    %swap3A_870 = tpu.vector_load %arg6[%swap3A_869] {strides = array<i32>} : memref<512xi32, #tpu.memory_space<vmem>>, vector<16xi32>,
    %swap3A_871 = vector.shape_cast %swap3A_870 : vector<16xi32> to vector<16xi32>
    %swap3A_872 = vector.shape_cast %select_n3A_868 : vector<16xi32> to vector<16xi32>
    tpu.vector_store %arg6[%swap3A_869], %swap3A_872 {strides = array<i32>} : memref<512xi32, #tpu.memory_space<vmem>>, vector<16xi32>,
    %get3A_873 = arith.constant 400 : index
    %get3A_874 = tpu.vector_load %arg5[%get3A_873] {strides = array<i32>} : memref<512xi32, #tpu.memory_space<vmem>>, vector<16xi32>,
    %get3A_875 = vector.shape_cast %get3A_874 : vector<16xi32> to vector<16xi32>
    %ge3A_876 = arith.constant 249984 : i32
    %ge3A_877 = vector.broadcast %ge3A_876 : i32 to vector<16xi32>
    %ge3A_878 = arith.cmpi sge, %get3A_875, %ge3A_877 : vector<16xi32>
    %sub3A_879 = arith.constant 249984 : i32
    %sub3A_880 = vector.broadcast %sub3A_879 : i32 to vector<16xi32>
    %sub3A_881 = arith.subi %get3A_875, %sub3A_880 : vector<16xi32>
    %select_n3A_882 = arith.select %ge3A_878, %sub3A_881, %get3A_875 : vector<16xi1>, vector<16xi32>
    %ge3A_883 = arith.constant 249984 : i32
    %ge3A_884 = vector.broadcast %ge3A_883 : i32 to vector<16xi32>
    %ge3A_885 = arith.cmpi sge, %select_n3A_882, %ge3A_884 : vector<16xi32>
    %sub3A_886 = arith.constant 249984 : i32
    %sub3A_887 = vector.broadcast %sub3A_886 : i32 to vector<16xi32>
    %sub3A_888 = arith.subi %select_n3A_882, %sub3A_887 : vector<16xi32>
    %select_n3A_889 = arith.select %ge3A_885, %sub3A_888, %select_n3A_882 : vector<16xi1>, vector<16xi32>
    %ge3A_890 = arith.constant 249984 : i32
    %ge3A_891 = vector.broadcast %ge3A_890 : i32 to vector<16xi32>
    %ge3A_892 = arith.cmpi sge, %select_n3A_889, %ge3A_891 : vector<16xi32>
    %sub3A_893 = arith.constant 249984 : i32
    %sub3A_894 = vector.broadcast %sub3A_893 : i32 to vector<16xi32>
    %sub3A_895 = arith.subi %select_n3A_889, %sub3A_894 : vector<16xi32>
    %select_n3A_896 = arith.select %ge3A_892, %sub3A_895, %select_n3A_889 : vector<16xi1>, vector<16xi32>
    %ge3A_897 = arith.constant 249984 : i32
    %ge3A_898 = vector.broadcast %ge3A_897 : i32 to vector<16xi32>
    %ge3A_899 = arith.cmpi sge, %select_n3A_896, %ge3A_898 : vector<16xi32>
    %sub3A_900 = arith.constant 249984 : i32
    %sub3A_901 = vector.broadcast %sub3A_900 : i32 to vector<16xi32>
    %sub3A_902 = arith.subi %select_n3A_896, %sub3A_901 : vector<16xi32>
    %select_n3A_903 = arith.select %ge3A_899, %sub3A_902, %select_n3A_896 : vector<16xi1>, vector<16xi32>
    %swap3A_904 = arith.constant 400 : index
    %swap3A_905 = tpu.vector_load %arg6[%swap3A_904] {strides = array<i32>} : memref<512xi32, #tpu.memory_space<vmem>>, vector<16xi32>,
    %swap3A_906 = vector.shape_cast %swap3A_905 : vector<16xi32> to vector<16xi32>
    %swap3A_907 = vector.shape_cast %select_n3A_903 : vector<16xi32> to vector<16xi32>
    tpu.vector_store %arg6[%swap3A_904], %swap3A_907 {strides = array<i32>} : memref<512xi32, #tpu.memory_space<vmem>>, vector<16xi32>,
    %get3A_908 = arith.constant 416 : index
    %get3A_909 = tpu.vector_load %arg5[%get3A_908] {strides = array<i32>} : memref<512xi32, #tpu.memory_space<vmem>>, vector<16xi32>,
    %get3A_910 = vector.shape_cast %get3A_909 : vector<16xi32> to vector<16xi32>
    %ge3A_911 = arith.constant 249984 : i32
    %ge3A_912 = vector.broadcast %ge3A_911 : i32 to vector<16xi32>
    %ge3A_913 = arith.cmpi sge, %get3A_910, %ge3A_912 : vector<16xi32>
    %sub3A_914 = arith.constant 249984 : i32
    %sub3A_915 = vector.broadcast %sub3A_914 : i32 to vector<16xi32>
    %sub3A_916 = arith.subi %get3A_910, %sub3A_915 : vector<16xi32>
    %select_n3A_917 = arith.select %ge3A_913, %sub3A_916, %get3A_910 : vector<16xi1>, vector<16xi32>
    %ge3A_918 = arith.constant 249984 : i32
    %ge3A_919 = vector.broadcast %ge3A_918 : i32 to vector<16xi32>
    %ge3A_920 = arith.cmpi sge, %select_n3A_917, %ge3A_919 : vector<16xi32>
    %sub3A_921 = arith.constant 249984 : i32
    %sub3A_922 = vector.broadcast %sub3A_921 : i32 to vector<16xi32>
    %sub3A_923 = arith.subi %select_n3A_917, %sub3A_922 : vector<16xi32>
    %select_n3A_924 = arith.select %ge3A_920, %sub3A_923, %select_n3A_917 : vector<16xi1>, vector<16xi32>
    %ge3A_925 = arith.constant 249984 : i32
    %ge3A_926 = vector.broadcast %ge3A_925 : i32 to vector<16xi32>
    %ge3A_927 = arith.cmpi sge, %select_n3A_924, %ge3A_926 : vector<16xi32>
    %sub3A_928 = arith.constant 249984 : i32
    %sub3A_929 = vector.broadcast %sub3A_928 : i32 to vector<16xi32>
    %sub3A_930 = arith.subi %select_n3A_924, %sub3A_929 : vector<16xi32>
    %select_n3A_931 = arith.select %ge3A_927, %sub3A_930, %select_n3A_924 : vector<16xi1>, vector<16xi32>
    %ge3A_932 = arith.constant 249984 : i32
    %ge3A_933 = vector.broadcast %ge3A_932 : i32 to vector<16xi32>
    %ge3A_934 = arith.cmpi sge, %select_n3A_931, %ge3A_933 : vector<16xi32>
    %sub3A_935 = arith.constant 249984 : i32
    %sub3A_936 = vector.broadcast %sub3A_935 : i32 to vector<16xi32>
    %sub3A_937 = arith.subi %select_n3A_931, %sub3A_936 : vector<16xi32>
    %select_n3A_938 = arith.select %ge3A_934, %sub3A_937, %select_n3A_931 : vector<16xi1>, vector<16xi32>
    %swap3A_939 = arith.constant 416 : index
    %swap3A_940 = tpu.vector_load %arg6[%swap3A_939] {strides = array<i32>} : memref<512xi32, #tpu.memory_space<vmem>>, vector<16xi32>,
    %swap3A_941 = vector.shape_cast %swap3A_940 : vector<16xi32> to vector<16xi32>
    %swap3A_942 = vector.shape_cast %select_n3A_938 : vector<16xi32> to vector<16xi32>
    tpu.vector_store %arg6[%swap3A_939], %swap3A_942 {strides = array<i32>} : memref<512xi32, #tpu.memory_space<vmem>>, vector<16xi32>,
    %get3A_943 = arith.constant 432 : index
    %get3A_944 = tpu.vector_load %arg5[%get3A_943] {strides = array<i32>} : memref<512xi32, #tpu.memory_space<vmem>>, vector<16xi32>,
    %get3A_945 = vector.shape_cast %get3A_944 : vector<16xi32> to vector<16xi32>
    %ge3A_946 = arith.constant 249984 : i32
    %ge3A_947 = vector.broadcast %ge3A_946 : i32 to vector<16xi32>
    %ge3A_948 = arith.cmpi sge, %get3A_945, %ge3A_947 : vector<16xi32>
    %sub3A_949 = arith.constant 249984 : i32
    %sub3A_950 = vector.broadcast %sub3A_949 : i32 to vector<16xi32>
    %sub3A_951 = arith.subi %get3A_945, %sub3A_950 : vector<16xi32>
    %select_n3A_952 = arith.select %ge3A_948, %sub3A_951, %get3A_945 : vector<16xi1>, vector<16xi32>
    %ge3A_953 = arith.constant 249984 : i32
    %ge3A_954 = vector.broadcast %ge3A_953 : i32 to vector<16xi32>
    %ge3A_955 = arith.cmpi sge, %select_n3A_952, %ge3A_954 : vector<16xi32>
    %sub3A_956 = arith.constant 249984 : i32
    %sub3A_957 = vector.broadcast %sub3A_956 : i32 to vector<16xi32>
    %sub3A_958 = arith.subi %select_n3A_952, %sub3A_957 : vector<16xi32>
    %select_n3A_959 = arith.select %ge3A_955, %sub3A_958, %select_n3A_952 : vector<16xi1>, vector<16xi32>
    %ge3A_960 = arith.constant 249984 : i32
    %ge3A_961 = vector.broadcast %ge3A_960 : i32 to vector<16xi32>
    %ge3A_962 = arith.cmpi sge, %select_n3A_959, %ge3A_961 : vector<16xi32>
    %sub3A_963 = arith.constant 249984 : i32
    %sub3A_964 = vector.broadcast %sub3A_963 : i32 to vector<16xi32>
    %sub3A_965 = arith.subi %select_n3A_959, %sub3A_964 : vector<16xi32>
    %select_n3A_966 = arith.select %ge3A_962, %sub3A_965, %select_n3A_959 : vector<16xi1>, vector<16xi32>
    %ge3A_967 = arith.constant 249984 : i32
    %ge3A_968 = vector.broadcast %ge3A_967 : i32 to vector<16xi32>
    %ge3A_969 = arith.cmpi sge, %select_n3A_966, %ge3A_968 : vector<16xi32>
    %sub3A_970 = arith.constant 249984 : i32
    %sub3A_971 = vector.broadcast %sub3A_970 : i32 to vector<16xi32>
    %sub3A_972 = arith.subi %select_n3A_966, %sub3A_971 : vector<16xi32>
    %select_n3A_973 = arith.select %ge3A_969, %sub3A_972, %select_n3A_966 : vector<16xi1>, vector<16xi32>
    %swap3A_974 = arith.constant 432 : index
    %swap3A_975 = tpu.vector_load %arg6[%swap3A_974] {strides = array<i32>} : memref<512xi32, #tpu.memory_space<vmem>>, vector<16xi32>,
    %swap3A_976 = vector.shape_cast %swap3A_975 : vector<16xi32> to vector<16xi32>
    %swap3A_977 = vector.shape_cast %select_n3A_973 : vector<16xi32> to vector<16xi32>
    tpu.vector_store %arg6[%swap3A_974], %swap3A_977 {strides = array<i32>} : memref<512xi32, #tpu.memory_space<vmem>>, vector<16xi32>,
    %get3A_978 = arith.constant 448 : index
    %get3A_979 = tpu.vector_load %arg5[%get3A_978] {strides = array<i32>} : memref<512xi32, #tpu.memory_space<vmem>>, vector<16xi32>,
    %get3A_980 = vector.shape_cast %get3A_979 : vector<16xi32> to vector<16xi32>
    %ge3A_981 = arith.constant 249984 : i32
    %ge3A_982 = vector.broadcast %ge3A_981 : i32 to vector<16xi32>
    %ge3A_983 = arith.cmpi sge, %get3A_980, %ge3A_982 : vector<16xi32>
    %sub3A_984 = arith.constant 249984 : i32
    %sub3A_985 = vector.broadcast %sub3A_984 : i32 to vector<16xi32>
    %sub3A_986 = arith.subi %get3A_980, %sub3A_985 : vector<16xi32>
    %select_n3A_987 = arith.select %ge3A_983, %sub3A_986, %get3A_980 : vector<16xi1>, vector<16xi32>
    %ge3A_988 = arith.constant 249984 : i32
    %ge3A_989 = vector.broadcast %ge3A_988 : i32 to vector<16xi32>
    %ge3A_990 = arith.cmpi sge, %select_n3A_987, %ge3A_989 : vector<16xi32>
    %sub3A_991 = arith.constant 249984 : i32
    %sub3A_992 = vector.broadcast %sub3A_991 : i32 to vector<16xi32>
    %sub3A_993 = arith.subi %select_n3A_987, %sub3A_992 : vector<16xi32>
    %select_n3A_994 = arith.select %ge3A_990, %sub3A_993, %select_n3A_987 : vector<16xi1>, vector<16xi32>
    %ge3A_995 = arith.constant 249984 : i32
    %ge3A_996 = vector.broadcast %ge3A_995 : i32 to vector<16xi32>
    %ge3A_997 = arith.cmpi sge, %select_n3A_994, %ge3A_996 : vector<16xi32>
    %sub3A_998 = arith.constant 249984 : i32
    %sub3A_999 = vector.broadcast %sub3A_998 : i32 to vector<16xi32>
    %sub3A_1000 = arith.subi %select_n3A_994, %sub3A_999 : vector<16xi32>
    %select_n3A_1001 = arith.select %ge3A_997, %sub3A_1000, %select_n3A_994 : vector<16xi1>, vector<16xi32>
    %ge3A_1002 = arith.constant 249984 : i32
    %ge3A_1003 = vector.broadcast %ge3A_1002 : i32 to vector<16xi32>
    %ge3A_1004 = arith.cmpi sge, %select_n3A_1001, %ge3A_1003 : vector<16xi32>
    %sub3A_1005 = arith.constant 249984 : i32
    %sub3A_1006 = vector.broadcast %sub3A_1005 : i32 to vector<16xi32>
    %sub3A_1007 = arith.subi %select_n3A_1001, %sub3A_1006 : vector<16xi32>
    %select_n3A_1008 = arith.select %ge3A_1004, %sub3A_1007, %select_n3A_1001 : vector<16xi1>, vector<16xi32>
    %swap3A_1009 = arith.constant 448 : index
    %swap3A_1010 = tpu.vector_load %arg6[%swap3A_1009] {strides = array<i32>} : memref<512xi32, #tpu.memory_space<vmem>>, vector<16xi32>,
    %swap3A_1011 = vector.shape_cast %swap3A_1010 : vector<16xi32> to vector<16xi32>
    %swap3A_1012 = vector.shape_cast %select_n3A_1008 : vector<16xi32> to vector<16xi32>
    tpu.vector_store %arg6[%swap3A_1009], %swap3A_1012 {strides = array<i32>} : memref<512xi32, #tpu.memory_space<vmem>>, vector<16xi32>,
    %get3A_1013 = arith.constant 464 : index
    %get3A_1014 = tpu.vector_load %arg5[%get3A_1013] {strides = array<i32>} : memref<512xi32, #tpu.memory_space<vmem>>, vector<16xi32>,
    %get3A_1015 = vector.shape_cast %get3A_1014 : vector<16xi32> to vector<16xi32>
    %ge3A_1016 = arith.constant 249984 : i32
    %ge3A_1017 = vector.broadcast %ge3A_1016 : i32 to vector<16xi32>
    %ge3A_1018 = arith.cmpi sge, %get3A_1015, %ge3A_1017 : vector<16xi32>
    %sub3A_1019 = arith.constant 249984 : i32
    %sub3A_1020 = vector.broadcast %sub3A_1019 : i32 to vector<16xi32>
    %sub3A_1021 = arith.subi %get3A_1015, %sub3A_1020 : vector<16xi32>
    %select_n3A_1022 = arith.select %ge3A_1018, %sub3A_1021, %get3A_1015 : vector<16xi1>, vector<16xi32>
    %ge3A_1023 = arith.constant 249984 : i32
    %ge3A_1024 = vector.broadcast %ge3A_1023 : i32 to vector<16xi32>
    %ge3A_1025 = arith.cmpi sge, %select_n3A_1022, %ge3A_1024 : vector<16xi32>
    %sub3A_1026 = arith.constant 249984 : i32
    %sub3A_1027 = vector.broadcast %sub3A_1026 : i32 to vector<16xi32>
    %sub3A_1028 = arith.subi %select_n3A_1022, %sub3A_1027 : vector<16xi32>
    %select_n3A_1029 = arith.select %ge3A_1025, %sub3A_1028, %select_n3A_1022 : vector<16xi1>, vector<16xi32>
    %ge3A_1030 = arith.constant 249984 : i32
    %ge3A_1031 = vector.broadcast %ge3A_1030 : i32 to vector<16xi32>
    %ge3A_1032 = arith.cmpi sge, %select_n3A_1029, %ge3A_1031 : vector<16xi32>
    %sub3A_1033 = arith.constant 249984 : i32
    %sub3A_1034 = vector.broadcast %sub3A_1033 : i32 to vector<16xi32>
    %sub3A_1035 = arith.subi %select_n3A_1029, %sub3A_1034 : vector<16xi32>
    %select_n3A_1036 = arith.select %ge3A_1032, %sub3A_1035, %select_n3A_1029 : vector<16xi1>, vector<16xi32>
    %ge3A_1037 = arith.constant 249984 : i32
    %ge3A_1038 = vector.broadcast %ge3A_1037 : i32 to vector<16xi32>
    %ge3A_1039 = arith.cmpi sge, %select_n3A_1036, %ge3A_1038 : vector<16xi32>
    %sub3A_1040 = arith.constant 249984 : i32
    %sub3A_1041 = vector.broadcast %sub3A_1040 : i32 to vector<16xi32>
    %sub3A_1042 = arith.subi %select_n3A_1036, %sub3A_1041 : vector<16xi32>
    %select_n3A_1043 = arith.select %ge3A_1039, %sub3A_1042, %select_n3A_1036 : vector<16xi1>, vector<16xi32>
    %swap3A_1044 = arith.constant 464 : index
    %swap3A_1045 = tpu.vector_load %arg6[%swap3A_1044] {strides = array<i32>} : memref<512xi32, #tpu.memory_space<vmem>>, vector<16xi32>,
    %swap3A_1046 = vector.shape_cast %swap3A_1045 : vector<16xi32> to vector<16xi32>
    %swap3A_1047 = vector.shape_cast %select_n3A_1043 : vector<16xi32> to vector<16xi32>
    tpu.vector_store %arg6[%swap3A_1044], %swap3A_1047 {strides = array<i32>} : memref<512xi32, #tpu.memory_space<vmem>>, vector<16xi32>,
    %get3A_1048 = arith.constant 480 : index
    %get3A_1049 = tpu.vector_load %arg5[%get3A_1048] {strides = array<i32>} : memref<512xi32, #tpu.memory_space<vmem>>, vector<16xi32>,
    %get3A_1050 = vector.shape_cast %get3A_1049 : vector<16xi32> to vector<16xi32>
    %ge3A_1051 = arith.constant 249984 : i32
    %ge3A_1052 = vector.broadcast %ge3A_1051 : i32 to vector<16xi32>
    %ge3A_1053 = arith.cmpi sge, %get3A_1050, %ge3A_1052 : vector<16xi32>
    %sub3A_1054 = arith.constant 249984 : i32
    %sub3A_1055 = vector.broadcast %sub3A_1054 : i32 to vector<16xi32>
    %sub3A_1056 = arith.subi %get3A_1050, %sub3A_1055 : vector<16xi32>
    %select_n3A_1057 = arith.select %ge3A_1053, %sub3A_1056, %get3A_1050 : vector<16xi1>, vector<16xi32>
    %ge3A_1058 = arith.constant 249984 : i32
    %ge3A_1059 = vector.broadcast %ge3A_1058 : i32 to vector<16xi32>
    %ge3A_1060 = arith.cmpi sge, %select_n3A_1057, %ge3A_1059 : vector<16xi32>
    %sub3A_1061 = arith.constant 249984 : i32
    %sub3A_1062 = vector.broadcast %sub3A_1061 : i32 to vector<16xi32>
    %sub3A_1063 = arith.subi %select_n3A_1057, %sub3A_1062 : vector<16xi32>
    %select_n3A_1064 = arith.select %ge3A_1060, %sub3A_1063, %select_n3A_1057 : vector<16xi1>, vector<16xi32>
    %ge3A_1065 = arith.constant 249984 : i32
    %ge3A_1066 = vector.broadcast %ge3A_1065 : i32 to vector<16xi32>
    %ge3A_1067 = arith.cmpi sge, %select_n3A_1064, %ge3A_1066 : vector<16xi32>
    %sub3A_1068 = arith.constant 249984 : i32
    %sub3A_1069 = vector.broadcast %sub3A_1068 : i32 to vector<16xi32>
    %sub3A_1070 = arith.subi %select_n3A_1064, %sub3A_1069 : vector<16xi32>
    %select_n3A_1071 = arith.select %ge3A_1067, %sub3A_1070, %select_n3A_1064 : vector<16xi1>, vector<16xi32>
    %ge3A_1072 = arith.constant 249984 : i32
    %ge3A_1073 = vector.broadcast %ge3A_1072 : i32 to vector<16xi32>
    %ge3A_1074 = arith.cmpi sge, %select_n3A_1071, %ge3A_1073 : vector<16xi32>
    %sub3A_1075 = arith.constant 249984 : i32
    %sub3A_1076 = vector.broadcast %sub3A_1075 : i32 to vector<16xi32>
    %sub3A_1077 = arith.subi %select_n3A_1071, %sub3A_1076 : vector<16xi32>
    %select_n3A_1078 = arith.select %ge3A_1074, %sub3A_1077, %select_n3A_1071 : vector<16xi1>, vector<16xi32>
    %swap3A_1079 = arith.constant 480 : index
    %swap3A_1080 = tpu.vector_load %arg6[%swap3A_1079] {strides = array<i32>} : memref<512xi32, #tpu.memory_space<vmem>>, vector<16xi32>,
    %swap3A_1081 = vector.shape_cast %swap3A_1080 : vector<16xi32> to vector<16xi32>
    %swap3A_1082 = vector.shape_cast %select_n3A_1078 : vector<16xi32> to vector<16xi32>
    tpu.vector_store %arg6[%swap3A_1079], %swap3A_1082 {strides = array<i32>} : memref<512xi32, #tpu.memory_space<vmem>>, vector<16xi32>,
    %get3A_1083 = arith.constant 496 : index
    %get3A_1084 = tpu.vector_load %arg5[%get3A_1083] {strides = array<i32>} : memref<512xi32, #tpu.memory_space<vmem>>, vector<16xi32>,
    %get3A_1085 = vector.shape_cast %get3A_1084 : vector<16xi32> to vector<16xi32>
    %ge3A_1086 = arith.constant 249984 : i32
    %ge3A_1087 = vector.broadcast %ge3A_1086 : i32 to vector<16xi32>
    %ge3A_1088 = arith.cmpi sge, %get3A_1085, %ge3A_1087 : vector<16xi32>
    %sub3A_1089 = arith.constant 249984 : i32
    %sub3A_1090 = vector.broadcast %sub3A_1089 : i32 to vector<16xi32>
    %sub3A_1091 = arith.subi %get3A_1085, %sub3A_1090 : vector<16xi32>
    %select_n3A_1092 = arith.select %ge3A_1088, %sub3A_1091, %get3A_1085 : vector<16xi1>, vector<16xi32>
    %ge3A_1093 = arith.constant 249984 : i32
    %ge3A_1094 = vector.broadcast %ge3A_1093 : i32 to vector<16xi32>
    %ge3A_1095 = arith.cmpi sge, %select_n3A_1092, %ge3A_1094 : vector<16xi32>
    %sub3A_1096 = arith.constant 249984 : i32
    %sub3A_1097 = vector.broadcast %sub3A_1096 : i32 to vector<16xi32>
    %sub3A_1098 = arith.subi %select_n3A_1092, %sub3A_1097 : vector<16xi32>
    %select_n3A_1099 = arith.select %ge3A_1095, %sub3A_1098, %select_n3A_1092 : vector<16xi1>, vector<16xi32>
    %ge3A_1100 = arith.constant 249984 : i32
    %ge3A_1101 = vector.broadcast %ge3A_1100 : i32 to vector<16xi32>
    %ge3A_1102 = arith.cmpi sge, %select_n3A_1099, %ge3A_1101 : vector<16xi32>
    %sub3A_1103 = arith.constant 249984 : i32
    %sub3A_1104 = vector.broadcast %sub3A_1103 : i32 to vector<16xi32>
    %sub3A_1105 = arith.subi %select_n3A_1099, %sub3A_1104 : vector<16xi32>
    %select_n3A_1106 = arith.select %ge3A_1102, %sub3A_1105, %select_n3A_1099 : vector<16xi1>, vector<16xi32>
    %ge3A_1107 = arith.constant 249984 : i32
    %ge3A_1108 = vector.broadcast %ge3A_1107 : i32 to vector<16xi32>
    %ge3A_1109 = arith.cmpi sge, %select_n3A_1106, %ge3A_1108 : vector<16xi32>
    %sub3A_1110 = arith.constant 249984 : i32
    %sub3A_1111 = vector.broadcast %sub3A_1110 : i32 to vector<16xi32>
    %sub3A_1112 = arith.subi %select_n3A_1106, %sub3A_1111 : vector<16xi32>
    %select_n3A_1113 = arith.select %ge3A_1109, %sub3A_1112, %select_n3A_1106 : vector<16xi1>, vector<16xi32>
    %swap3A_1114 = arith.constant 496 : index
    %swap3A_1115 = tpu.vector_load %arg6[%swap3A_1114] {strides = array<i32>} : memref<512xi32, #tpu.memory_space<vmem>>, vector<16xi32>,
    %swap3A_1116 = vector.shape_cast %swap3A_1115 : vector<16xi32> to vector<16xi32>
    %swap3A_1117 = vector.shape_cast %select_n3A_1113 : vector<16xi32> to vector<16xi32>
    tpu.vector_store %arg6[%swap3A_1114], %swap3A_1117 {strides = array<i32>} : memref<512xi32, #tpu.memory_space<vmem>>, vector<16xi32>,
    %dma_start3A = arith.constant 0 : i32
    %dma_start3A_1118 = arith.constant 0 : i32
    %dma_start3A_1119 = tpu.memref_slice %arg7[%dma_start3A, %dma_start3A_1118] : memref<512x128xf32, #tpu.memory_space<vmem>> -> memref<128x128xf32, #tpu.memory_space<vmem>>
    %dma_start3A_1120 = arith.constant 0 : i32
    %dma_start3A_1121 = tpu.memref_slice %arg6[%dma_start3A_1120] : memref<512xi32, #tpu.memory_space<vmem>> -> memref<128xi32, #tpu.memory_space<vmem>>
    %dma_start3A_1122 = arith.constant 0 : i32
    %dma_start3A_1123 = arith.constant 0 : i32
    %dma_start3A_1124 = tpu.memref_slice %arg3[%dma_start3A_1122, %dma_start3A_1123] : memref<249984x128xf32, #tpu.memory_space<hbm>> -> memref<249984x128xf32, #tpu.memory_space<hbm>>
    tpu.enqueue_indirect_dma source(%dma_start3A_1124 : memref<249984x128xf32, #tpu.memory_space<hbm>>) target(%dma_start3A_1119 : memref<128x128xf32, #tpu.memory_space<vmem>>) offsets(%dma_start3A_1121 : memref<128xi32, #tpu.memory_space<vmem>>) semaphore(%arg8 : memref<!tpu.dma_semaphore, #tpu.memory_space<semaphore_mem>>)
    %dma_start3A_1125 = arith.constant 128 : i32
    %dma_start3A_1126 = arith.constant 0 : i32
    %dma_start3A_1127 = tpu.memref_slice %arg7[%dma_start3A_1125, %dma_start3A_1126] : memref<512x128xf32, #tpu.memory_space<vmem>> -> memref<128x128xf32, #tpu.memory_space<vmem>>
    %dma_start3A_1128 = arith.constant 128 : i32
    %dma_start3A_1129 = tpu.memref_slice %arg6[%dma_start3A_1128] : memref<512xi32, #tpu.memory_space<vmem>> -> memref<128xi32, #tpu.memory_space<vmem>>
    %dma_start3A_1130 = arith.constant 0 : i32
    %dma_start3A_1131 = arith.constant 0 : i32
    %dma_start3A_1132 = tpu.memref_slice %arg3[%dma_start3A_1130, %dma_start3A_1131] : memref<249984x128xf32, #tpu.memory_space<hbm>> -> memref<249984x128xf32, #tpu.memory_space<hbm>>
    tpu.enqueue_indirect_dma source(%dma_start3A_1132 : memref<249984x128xf32, #tpu.memory_space<hbm>>) target(%dma_start3A_1127 : memref<128x128xf32, #tpu.memory_space<vmem>>) offsets(%dma_start3A_1129 : memref<128xi32, #tpu.memory_space<vmem>>) semaphore(%arg8 : memref<!tpu.dma_semaphore, #tpu.memory_space<semaphore_mem>>)
    %dma_start3A_1133 = arith.constant 256 : i32
    %dma_start3A_1134 = arith.constant 0 : i32
    %dma_start3A_1135 = tpu.memref_slice %arg7[%dma_start3A_1133, %dma_start3A_1134] : memref<512x128xf32, #tpu.memory_space<vmem>> -> memref<128x128xf32, #tpu.memory_space<vmem>>
    %dma_start3A_1136 = arith.constant 256 : i32
    %dma_start3A_1137 = tpu.memref_slice %arg6[%dma_start3A_1136] : memref<512xi32, #tpu.memory_space<vmem>> -> memref<128xi32, #tpu.memory_space<vmem>>
    %dma_start3A_1138 = arith.constant 0 : i32
    %dma_start3A_1139 = arith.constant 0 : i32
    %dma_start3A_1140 = tpu.memref_slice %arg3[%dma_start3A_1138, %dma_start3A_1139] : memref<249984x128xf32, #tpu.memory_space<hbm>> -> memref<249984x128xf32, #tpu.memory_space<hbm>>
    tpu.enqueue_indirect_dma source(%dma_start3A_1140 : memref<249984x128xf32, #tpu.memory_space<hbm>>) target(%dma_start3A_1135 : memref<128x128xf32, #tpu.memory_space<vmem>>) offsets(%dma_start3A_1137 : memref<128xi32, #tpu.memory_space<vmem>>) semaphore(%arg8 : memref<!tpu.dma_semaphore, #tpu.memory_space<semaphore_mem>>)
    %dma_start3A_1141 = arith.constant 384 : i32
    %dma_start3A_1142 = arith.constant 0 : i32
    %dma_start3A_1143 = tpu.memref_slice %arg7[%dma_start3A_1141, %dma_start3A_1142] : memref<512x128xf32, #tpu.memory_space<vmem>> -> memref<128x128xf32, #tpu.memory_space<vmem>>
    %dma_start3A_1144 = arith.constant 384 : i32
    %dma_start3A_1145 = tpu.memref_slice %arg6[%dma_start3A_1144] : memref<512xi32, #tpu.memory_space<vmem>> -> memref<128xi32, #tpu.memory_space<vmem>>
    %dma_start3A_1146 = arith.constant 0 : i32
    %dma_start3A_1147 = arith.constant 0 : i32
    %dma_start3A_1148 = tpu.memref_slice %arg3[%dma_start3A_1146, %dma_start3A_1147] : memref<249984x128xf32, #tpu.memory_space<hbm>> -> memref<249984x128xf32, #tpu.memory_space<hbm>>
    tpu.enqueue_indirect_dma source(%dma_start3A_1148 : memref<249984x128xf32, #tpu.memory_space<hbm>>) target(%dma_start3A_1143 : memref<128x128xf32, #tpu.memory_space<vmem>>) offsets(%dma_start3A_1145 : memref<128xi32, #tpu.memory_space<vmem>>) semaphore(%arg8 : memref<!tpu.dma_semaphore, #tpu.memory_space<semaphore_mem>>)
    %dma_wait3A = arith.constant 0 : i32
    %dma_wait3A_1149 = arith.constant 0 : i32
    %dma_wait3A_1150 = tpu.memref_slice %arg7[%dma_wait3A, %dma_wait3A_1149] : memref<512x128xf32, #tpu.memory_space<vmem>> -> memref<128x128xf32, #tpu.memory_space<vmem>>
    %dma_wait3A_1151 = arith.constant 0 : i32
    %dma_wait3A_1152 = tpu.memref_slice %arg6[%dma_wait3A_1151] : memref<512xi32, #tpu.memory_space<vmem>> -> memref<128xi32, #tpu.memory_space<vmem>>
    %dma_wait3A_1153 = arith.constant 0 : i32
    %dma_wait3A_1154 = arith.constant 0 : i32
    %dma_wait3A_1155 = tpu.memref_slice %arg3[%dma_wait3A_1153, %dma_wait3A_1154] : memref<249984x128xf32, #tpu.memory_space<hbm>> -> memref<249984x128xf32, #tpu.memory_space<hbm>>
    tpu.wait_indirect_dma semaphore(%arg8 : memref<!tpu.dma_semaphore, #tpu.memory_space<semaphore_mem>>) src(%dma_wait3A_1155 : memref<249984x128xf32, #tpu.memory_space<hbm>>) dst(%dma_wait3A_1150 : memref<128x128xf32, #tpu.memory_space<vmem>>)
    %dma_wait3A_1156 = arith.constant 128 : i32
    %dma_wait3A_1157 = arith.constant 0 : i32
    %dma_wait3A_1158 = tpu.memref_slice %arg7[%dma_wait3A_1156, %dma_wait3A_1157] : memref<512x128xf32, #tpu.memory_space<vmem>> -> memref<128x128xf32, #tpu.memory_space<vmem>>
    %dma_wait3A_1159 = arith.constant 128 : i32
    %dma_wait3A_1160 = tpu.memref_slice %arg6[%dma_wait3A_1159] : memref<512xi32, #tpu.memory_space<vmem>> -> memref<128xi32, #tpu.memory_space<vmem>>
    %dma_wait3A_1161 = arith.constant 0 : i32
    %dma_wait3A_1162 = arith.constant 0 : i32
    %dma_wait3A_1163 = tpu.memref_slice %arg3[%dma_wait3A_1161, %dma_wait3A_1162] : memref<249984x128xf32, #tpu.memory_space<hbm>> -> memref<249984x128xf32, #tpu.memory_space<hbm>>
    tpu.wait_indirect_dma semaphore(%arg8 : memref<!tpu.dma_semaphore, #tpu.memory_space<semaphore_mem>>) src(%dma_wait3A_1163 : memref<249984x128xf32, #tpu.memory_space<hbm>>) dst(%dma_wait3A_1158 : memref<128x128xf32, #tpu.memory_space<vmem>>)
    %dma_wait3A_1164 = arith.constant 256 : i32
    %dma_wait3A_1165 = arith.constant 0 : i32
    %dma_wait3A_1166 = tpu.memref_slice %arg7[%dma_wait3A_1164, %dma_wait3A_1165] : memref<512x128xf32, #tpu.memory_space<vmem>> -> memref<128x128xf32, #tpu.memory_space<vmem>>
    %dma_wait3A_1167 = arith.constant 256 : i32
    %dma_wait3A_1168 = tpu.memref_slice %arg6[%dma_wait3A_1167] : memref<512xi32, #tpu.memory_space<vmem>> -> memref<128xi32, #tpu.memory_space<vmem>>
    %dma_wait3A_1169 = arith.constant 0 : i32
    %dma_wait3A_1170 = arith.constant 0 : i32
    %dma_wait3A_1171 = tpu.memref_slice %arg3[%dma_wait3A_1169, %dma_wait3A_1170] : memref<249984x128xf32, #tpu.memory_space<hbm>> -> memref<249984x128xf32, #tpu.memory_space<hbm>>
    tpu.wait_indirect_dma semaphore(%arg8 : memref<!tpu.dma_semaphore, #tpu.memory_space<semaphore_mem>>) src(%dma_wait3A_1171 : memref<249984x128xf32, #tpu.memory_space<hbm>>) dst(%dma_wait3A_1166 : memref<128x128xf32, #tpu.memory_space<vmem>>)
    %dma_wait3A_1172 = arith.constant 384 : i32
    %dma_wait3A_1173 = arith.constant 0 : i32
    %dma_wait3A_1174 = tpu.memref_slice %arg7[%dma_wait3A_1172, %dma_wait3A_1173] : memref<512x128xf32, #tpu.memory_space<vmem>> -> memref<128x128xf32, #tpu.memory_space<vmem>>
    %dma_wait3A_1175 = arith.constant 384 : i32
    %dma_wait3A_1176 = tpu.memref_slice %arg6[%dma_wait3A_1175] : memref<512xi32, #tpu.memory_space<vmem>> -> memref<128xi32, #tpu.memory_space<vmem>>
    %dma_wait3A_1177 = arith.constant 0 : i32
    %dma_wait3A_1178 = arith.constant 0 : i32
    %dma_wait3A_1179 = tpu.memref_slice %arg3[%dma_wait3A_1177, %dma_wait3A_1178] : memref<249984x128xf32, #tpu.memory_space<hbm>> -> memref<249984x128xf32, #tpu.memory_space<hbm>>
    tpu.wait_indirect_dma semaphore(%arg8 : memref<!tpu.dma_semaphore, #tpu.memory_space<semaphore_mem>>) src(%dma_wait3A_1179 : memref<249984x128xf32, #tpu.memory_space<hbm>>) dst(%dma_wait3A_1174 : memref<128x128xf32, #tpu.memory_space<vmem>>)
    "tpu.region"() ({
      %run_scoped3A = tpu.sem_alloc : memref<!tpu.dma_semaphore, #tpu.memory_space<semaphore_mem>>
      %dma_start3A_1180 = arith.constant 0 : i32
      %dma_start3A_1181 = tpu.memref_slice %arg4[%mul3A_2, %dma_start3A_1180] : memref<16384x128xf32, #tpu.memory_space<hbm>> -> memref<512x128xf32, #tpu.memory_space<hbm>>
      %dma_start3A_1182 = arith.constant 0 : i32
      %dma_start3A_1183 = tpu.memref_slice %arg4[%mul3A_2, %dma_start3A_1182] : memref<16384x128xf32, #tpu.memory_space<hbm>> -> memref<512x128xf32, #tpu.memory_space<hbm>>
      tpu.enqueue_dma source(%arg7 : memref<512x128xf32, #tpu.memory_space<vmem>>) target(%dma_start3A_1183 : memref<512x128xf32, #tpu.memory_space<hbm>>) target_semaphore(%run_scoped3A : memref<!tpu.dma_semaphore, #tpu.memory_space<semaphore_mem>>)
      %dma_wait3A_1184 = arith.constant 0 : i32
      %dma_wait3A_1185 = tpu.memref_slice %arg4[%mul3A_2, %dma_wait3A_1184] : memref<16384x128xf32, #tpu.memory_space<hbm>> -> memref<512x128xf32, #tpu.memory_space<hbm>>
      %dma_wait3A_1186 = arith.constant 0 : i32
      %dma_wait3A_1187 = tpu.memref_slice %arg4[%mul3A_2, %dma_wait3A_1186] : memref<16384x128xf32, #tpu.memory_space<hbm>> -> memref<512x128xf32, #tpu.memory_space<hbm>>
      tpu.wait_dma2 semaphore(%run_scoped3A : memref<!tpu.dma_semaphore, #tpu.memory_space<semaphore_mem>>) src(%arg7 : memref<512x128xf32, #tpu.memory_space<vmem>>) dst(%dma_wait3A_1187 : memref<512x128xf32, #tpu.memory_space<hbm>>)
      tpu.yield
    }) : () -> ()
    return
  }
}

module attributes {stable_mosaic.version = 14 : i64} {
  func.func @_relayout_body(%arg0: i32, %arg1: memref<32x11904xf32, #tpu.memory_space<vmem>>, %arg2: memref<32x11904xf32, #tpu.memory_space<vmem>>, %arg3: memref<32x11904xf32, #tpu.memory_space<vmem>>, %arg4: memref<32x11904xf32, #tpu.memory_space<vmem>>, %arg5: memref<11904x128xf32, #tpu.memory_space<vmem>>) attributes {dimension_semantics = [#tpu.dimension_semantics<arbitrary>], iteration_bounds = array<i64: 21>, scalar_prefetch = 0 : i64, scratch_operands = 0 : i64, tpu.core_type = #tpu.core_type<tc>, window_params = [{transform_indices = @transform_0, window_bounds = array<i64: 32, 11904>}, {transform_indices = @transform_1, window_bounds = array<i64: 32, 11904>}, {transform_indices = @transform_2, window_bounds = array<i64: 32, 11904>}, {transform_indices = @transform_3, window_bounds = array<i64: 32, 11904>}, {transform_indices = @transform_4, window_bounds = array<i64: 11904, 128>}]} {
    %get3A = arith.constant 0 : index
    %get3A_0 = arith.constant 0 : index
    %get3A_1 = vector.load %arg1[%get3A, %get3A_0] : memref<32x11904xf32, #tpu.memory_space<vmem>>, vector<32x11904xf32>
    %get3A_2 = arith.constant 0 : index
    %get3A_3 = arith.constant 0 : index
    %get3A_4 = vector.load %arg2[%get3A_2, %get3A_3] : memref<32x11904xf32, #tpu.memory_space<vmem>>, vector<32x11904xf32>
    %get3A_5 = arith.constant 0 : index
    %get3A_6 = arith.constant 0 : index
    %get3A_7 = vector.load %arg3[%get3A_5, %get3A_6] : memref<32x11904xf32, #tpu.memory_space<vmem>>, vector<32x11904xf32>
    %get3A_8 = arith.constant 0 : index
    %get3A_9 = arith.constant 0 : index
    %get3A_10 = vector.load %arg4[%get3A_8, %get3A_9] : memref<32x11904xf32, #tpu.memory_space<vmem>>, vector<32x11904xf32>
    %concatenate3A = tpu.concatenate %get3A_1, %get3A_4, %get3A_7, %get3A_10 in 0 : vector<32x11904xf32>, vector<32x11904xf32>, vector<32x11904xf32>, vector<32x11904xf32> -> vector<128x11904xf32>
    %transpose3A = tpu.transpose %concatenate3A, [1, 0] : vector<128x11904xf32> -> vector<11904x128xf32>
    %swap3A = arith.constant 0 : index
    %swap3A_11 = arith.constant 0 : index
    %swap3A_12 = vector.load %arg5[%swap3A, %swap3A_11] : memref<11904x128xf32, #tpu.memory_space<vmem>>, vector<11904x128xf32>
    tpu.vector_store %arg5[%swap3A, %swap3A_11], %transpose3A {strides = array<i32>} : memref<11904x128xf32, #tpu.memory_space<vmem>>, vector<11904x128xf32>,
    return
  }
  func.func @transform_0(%arg0: i32) -> (i32, i32) {
    %add3A = arith.constant 0 : i32
    %add3A_0 = arith.addi %add3A, %arg0 : i32
    %c0_i32 = arith.constant 0 : i32
    %c0_i32_1 = arith.constant 0 : i32
    return %c0_i32, %add3A_0 : i32, i32
  }
  func.func @transform_1(%arg0: i32) -> (i32, i32) {
    %add3A = arith.constant 21 : i32
    %add3A_0 = arith.addi %add3A, %arg0 : i32
    %c0_i32 = arith.constant 0 : i32
    %c0_i32_1 = arith.constant 0 : i32
    return %c0_i32, %add3A_0 : i32, i32
  }
  func.func @transform_2(%arg0: i32) -> (i32, i32) {
    %add3A = arith.constant 42 : i32
    %add3A_0 = arith.addi %add3A, %arg0 : i32
    %c0_i32 = arith.constant 0 : i32
    %c0_i32_1 = arith.constant 0 : i32
    return %c0_i32, %add3A_0 : i32, i32
  }
  func.func @transform_3(%arg0: i32) -> (i32, i32) {
    %add3A = arith.constant 63 : i32
    %add3A_0 = arith.addi %add3A, %arg0 : i32
    %c0_i32 = arith.constant 0 : i32
    %c0_i32_1 = arith.constant 0 : i32
    return %c0_i32, %add3A_0 : i32, i32
  }
  func.func @transform_4(%arg0: i32) -> (i32, i32) {
    %c0_i32 = arith.constant 0 : i32
    %c0_i32_0 = arith.constant 0 : i32
    return %arg0, %c0_i32 : i32, i32
  }
}

module attributes {stable_mosaic.version = 14 : i64} {
  func.func @_mlp_body(%arg0: i32, %arg1: memref<2048x128xf32, #tpu.memory_space<vmem>>, %arg2: memref<2048x128xf32, #tpu.memory_space<vmem>>, %arg3: memref<2048xi32, #tpu.memory_space<vmem>>, %arg4: memref<2048xi32, #tpu.memory_space<vmem>>, %arg5: memref<64x32xf32, #tpu.memory_space<vmem>>, %arg6: memref<64x32xf32, #tpu.memory_space<vmem>>, %arg7: memref<32x64xf32, #tpu.memory_space<vmem>>, %arg8: memref<32x64xf32, #tpu.memory_space<vmem>>, %arg9: memref<1x64xf32, #tpu.memory_space<vmem>>, %arg10: memref<64x32xf32, #tpu.memory_space<vmem>>, %arg11: memref<1x32xf32, #tpu.memory_space<vmem>>, %arg12: memref<1x32xf32, #tpu.memory_space<vmem>>, %arg13: memref<1x1xf32, #tpu.memory_space<vmem>>, %arg14: memref<2048xf32, #tpu.memory_space<vmem>>) attributes {dimension_semantics = [#tpu.dimension_semantics<arbitrary>], iteration_bounds = array<i64: 8>, scalar_prefetch = 0 : i64, scratch_operands = 0 : i64, tpu.core_type = #tpu.core_type<tc>, window_params = [{transform_indices = @transform_0, window_bounds = array<i64: 2048, 128>}, {transform_indices = @transform_1, window_bounds = array<i64: 2048, 128>}, {transform_indices = @transform_2, window_bounds = array<i64: 2048>}, {transform_indices = @transform_3, window_bounds = array<i64: 2048>}, {pipeline_mode = #tpu.pipeline_mode<synchronous>, transform_indices = @transform_4, window_bounds = array<i64: 64, 32>}, {pipeline_mode = #tpu.pipeline_mode<synchronous>, transform_indices = @transform_5, window_bounds = array<i64: 64, 32>}, {pipeline_mode = #tpu.pipeline_mode<synchronous>, transform_indices = @transform_6, window_bounds = array<i64: 32, 64>}, {pipeline_mode = #tpu.pipeline_mode<synchronous>, transform_indices = @transform_7, window_bounds = array<i64: 32, 64>}, {pipeline_mode = #tpu.pipeline_mode<synchronous>, transform_indices = @transform_8, window_bounds = array<i64: 1, 64>}, {pipeline_mode = #tpu.pipeline_mode<synchronous>, transform_indices = @transform_9, window_bounds = array<i64: 64, 32>}, {pipeline_mode = #tpu.pipeline_mode<synchronous>, transform_indices = @transform_10, window_bounds = array<i64: 1, 32>}, {pipeline_mode = #tpu.pipeline_mode<synchronous>, transform_indices = @transform_11, window_bounds = array<i64: 1, 32>}, {pipeline_mode = #tpu.pipeline_mode<synchronous>, transform_indices = @transform_12, window_bounds = array<i64: 1, 1>}, {transform_indices = @transform_13, window_bounds = array<i64: 2048>}]} {
    %get3A = arith.constant 0 : index
    %get3A_0 = arith.constant 0 : index
    %get3A_1 = vector.load %arg1[%get3A, %get3A_0] : memref<2048x128xf32, #tpu.memory_space<vmem>>, vector<2048x128xf32>
    %get3A_2 = arith.constant 0 : index
    %get3A_3 = vector.load %arg3[%get3A_2] : memref<2048xi32, #tpu.memory_space<vmem>>, vector<2048xi32>
    %get3A_4 = arith.constant 0 : index
    %get3A_5 = arith.constant 0 : index
    %get3A_6 = vector.load %arg5[%get3A_4, %get3A_5] : memref<64x32xf32, #tpu.memory_space<vmem>>, vector<64x32xf32>
    %reshape3A = vector.shape_cast %get3A_3 : vector<2048xi32> to vector<2048x1xi32>
    %lt3A = arith.constant 249984 : i32
    %lt3A_7 = vector.broadcast %lt3A : i32 to vector<2048x1xi32>
    %lt3A_8 = arith.cmpi slt, %reshape3A, %lt3A_7 : vector<2048x1xi32>
    %slice3A = vector.extract_strided_slice %get3A_1 {offsets = [0, 0], sizes = [2048, 32], strides = [1, 1]} : vector<2048x128xf32> to vector<2048x32xf32>
    %jit3A = arith.constant 0.000000e+00 : f32
    %broadcast_in_dim3A = vector.shape_cast %lt3A_8 : vector<2048x1xi1> to vector<2048x1xi1>
    %broadcast_in_dim3A_9 = vector.broadcast %broadcast_in_dim3A : vector<2048x1xi1> to vector<2048x32xi1>
    %broadcast_in_dim3A_10 = vector.broadcast %jit3A : f32 to vector<2048x32xf32>
    %select_n3A = arith.select %broadcast_in_dim3A_9, %slice3A, %broadcast_in_dim3A_10 : vector<2048x32xi1>, vector<2048x32xf32>
    %ge3A = arith.constant 249984 : i32
    %ge3A_11 = vector.broadcast %ge3A : i32 to vector<2048x1xi32>
    %ge3A_12 = arith.cmpi sge, %reshape3A, %ge3A_11 : vector<2048x1xi32>
    %lt3A_13 = arith.constant 499968 : i32
    %lt3A_14 = vector.broadcast %lt3A_13 : i32 to vector<2048x1xi32>
    %lt3A_15 = arith.cmpi slt, %reshape3A, %lt3A_14 : vector<2048x1xi32>
    %and3A = arith.andi %ge3A_12, %lt3A_15 : vector<2048x1xi1>
    %slice3A_16 = vector.extract_strided_slice %get3A_1 {offsets = [0, 32], sizes = [2048, 32], strides = [1, 1]} : vector<2048x128xf32> to vector<2048x32xf32>
    %jit3A_17 = arith.constant 0.000000e+00 : f32
    %broadcast_in_dim3A_18 = vector.shape_cast %and3A : vector<2048x1xi1> to vector<2048x1xi1>
    %broadcast_in_dim3A_19 = vector.broadcast %broadcast_in_dim3A_18 : vector<2048x1xi1> to vector<2048x32xi1>
    %broadcast_in_dim3A_20 = vector.broadcast %jit3A_17 : f32 to vector<2048x32xf32>
    %select_n3A_21 = arith.select %broadcast_in_dim3A_19, %slice3A_16, %broadcast_in_dim3A_20 : vector<2048x32xi1>, vector<2048x32xf32>
    %add3A = arith.addf %select_n3A, %select_n3A_21 : vector<2048x32xf32>
    %ge3A_22 = arith.constant 499968 : i32
    %ge3A_23 = vector.broadcast %ge3A_22 : i32 to vector<2048x1xi32>
    %ge3A_24 = arith.cmpi sge, %reshape3A, %ge3A_23 : vector<2048x1xi32>
    %lt3A_25 = arith.constant 749952 : i32
    %lt3A_26 = vector.broadcast %lt3A_25 : i32 to vector<2048x1xi32>
    %lt3A_27 = arith.cmpi slt, %reshape3A, %lt3A_26 : vector<2048x1xi32>
    %and3A_28 = arith.andi %ge3A_24, %lt3A_27 : vector<2048x1xi1>
    %slice3A_29 = vector.extract_strided_slice %get3A_1 {offsets = [0, 64], sizes = [2048, 32], strides = [1, 1]} : vector<2048x128xf32> to vector<2048x32xf32>
    %jit3A_30 = arith.constant 0.000000e+00 : f32
    %broadcast_in_dim3A_31 = vector.shape_cast %and3A_28 : vector<2048x1xi1> to vector<2048x1xi1>
    %broadcast_in_dim3A_32 = vector.broadcast %broadcast_in_dim3A_31 : vector<2048x1xi1> to vector<2048x32xi1>
    %broadcast_in_dim3A_33 = vector.broadcast %jit3A_30 : f32 to vector<2048x32xf32>
    %select_n3A_34 = arith.select %broadcast_in_dim3A_32, %slice3A_29, %broadcast_in_dim3A_33 : vector<2048x32xi1>, vector<2048x32xf32>
    %add3A_35 = arith.addf %add3A, %select_n3A_34 : vector<2048x32xf32>
    %ge3A_36 = arith.constant 749952 : i32
    %ge3A_37 = vector.broadcast %ge3A_36 : i32 to vector<2048x1xi32>
    %ge3A_38 = arith.cmpi sge, %reshape3A, %ge3A_37 : vector<2048x1xi32>
    %lt3A_39 = arith.constant 999936 : i32
    %lt3A_40 = vector.broadcast %lt3A_39 : i32 to vector<2048x1xi32>
    %lt3A_41 = arith.cmpi slt, %reshape3A, %lt3A_40 : vector<2048x1xi32>
    %and3A_42 = arith.andi %ge3A_38, %lt3A_41 : vector<2048x1xi1>
    %slice3A_43 = vector.extract_strided_slice %get3A_1 {offsets = [0, 96], sizes = [2048, 32], strides = [1, 1]} : vector<2048x128xf32> to vector<2048x32xf32>
    %jit3A_44 = arith.constant 0.000000e+00 : f32
    %broadcast_in_dim3A_45 = vector.shape_cast %and3A_42 : vector<2048x1xi1> to vector<2048x1xi1>
    %broadcast_in_dim3A_46 = vector.broadcast %broadcast_in_dim3A_45 : vector<2048x1xi1> to vector<2048x32xi1>
    %broadcast_in_dim3A_47 = vector.broadcast %jit3A_44 : f32 to vector<2048x32xf32>
    %select_n3A_48 = arith.select %broadcast_in_dim3A_46, %slice3A_43, %broadcast_in_dim3A_47 : vector<2048x32xi1>, vector<2048x32xf32>
    %add3A_49 = arith.addf %add3A_35, %select_n3A_48 : vector<2048x32xf32>
    %iota3A = tpu.iota {dimensions = array<i32: 1>} : vector<2048x64xi32>
    %sub3A = arith.constant 999936 : i32
    %sub3A_50 = vector.broadcast %sub3A : i32 to vector<2048x1xi32>
    %sub3A_51 = arith.subi %reshape3A, %sub3A_50 : vector<2048x1xi32>
    %eq3A = vector.broadcast %sub3A_51 : vector<2048x1xi32> to vector<2048x64xi32>
    %eq3A_52 = arith.cmpi eq, %iota3A, %eq3A : vector<2048x64xi32>
    %convert_element_type3A = arith.extui %eq3A_52 : vector<2048x64xi1> to vector<2048x64xi32>
    %convert_element_type3A_53 = arith.sitofp %convert_element_type3A : vector<2048x64xi32> to vector<2048x64xf32>
    %dot_general3A = arith.constant dense<0.000000e+00> : vector<2048x32xf32>
    %dot_general3A_54 = tpu.matmul %convert_element_type3A_53, %get3A_6, %dot_general3A {dimension_numbers = #tpu.dot_dimension_numbers<[1], [0], [0], [1], [0, 0, 1, 1], [], []>, transpose_lhs_hint = false} : vector<2048x64xf32>, vector<64x32xf32>, vector<2048x32xf32> -> vector<2048x32xf32>
    %ge3A_55 = arith.constant 999936 : i32
    %ge3A_56 = vector.broadcast %ge3A_55 : i32 to vector<2048x1xi32>
    %ge3A_57 = arith.cmpi sge, %reshape3A, %ge3A_56 : vector<2048x1xi32>
    %broadcast_in_dim3A_58 = vector.shape_cast %ge3A_57 : vector<2048x1xi1> to vector<2048x1xi1>
    %broadcast_in_dim3A_59 = vector.broadcast %broadcast_in_dim3A_58 : vector<2048x1xi1> to vector<2048x32xi1>
    %select_n3A_60 = arith.select %broadcast_in_dim3A_59, %dot_general3A_54, %add3A_49 : vector<2048x32xi1>, vector<2048x32xf32>
    %get3A_61 = arith.constant 0 : index
    %get3A_62 = arith.constant 0 : index
    %get3A_63 = vector.load %arg2[%get3A_61, %get3A_62] : memref<2048x128xf32, #tpu.memory_space<vmem>>, vector<2048x128xf32>
    %get3A_64 = arith.constant 0 : index
    %get3A_65 = vector.load %arg4[%get3A_64] : memref<2048xi32, #tpu.memory_space<vmem>>, vector<2048xi32>
    %get3A_66 = arith.constant 0 : index
    %get3A_67 = arith.constant 0 : index
    %get3A_68 = vector.load %arg6[%get3A_66, %get3A_67] : memref<64x32xf32, #tpu.memory_space<vmem>>, vector<64x32xf32>
    %reshape3A_69 = vector.shape_cast %get3A_65 : vector<2048xi32> to vector<2048x1xi32>
    %lt3A_70 = arith.constant 249984 : i32
    %lt3A_71 = vector.broadcast %lt3A_70 : i32 to vector<2048x1xi32>
    %lt3A_72 = arith.cmpi slt, %reshape3A_69, %lt3A_71 : vector<2048x1xi32>
    %slice3A_73 = vector.extract_strided_slice %get3A_63 {offsets = [0, 0], sizes = [2048, 32], strides = [1, 1]} : vector<2048x128xf32> to vector<2048x32xf32>
    %jit3A_74 = arith.constant 0.000000e+00 : f32
    %broadcast_in_dim3A_75 = vector.shape_cast %lt3A_72 : vector<2048x1xi1> to vector<2048x1xi1>
    %broadcast_in_dim3A_76 = vector.broadcast %broadcast_in_dim3A_75 : vector<2048x1xi1> to vector<2048x32xi1>
    %broadcast_in_dim3A_77 = vector.broadcast %jit3A_74 : f32 to vector<2048x32xf32>
    %select_n3A_78 = arith.select %broadcast_in_dim3A_76, %slice3A_73, %broadcast_in_dim3A_77 : vector<2048x32xi1>, vector<2048x32xf32>
    %ge3A_79 = arith.constant 249984 : i32
    %ge3A_80 = vector.broadcast %ge3A_79 : i32 to vector<2048x1xi32>
    %ge3A_81 = arith.cmpi sge, %reshape3A_69, %ge3A_80 : vector<2048x1xi32>
    %lt3A_82 = arith.constant 499968 : i32
    %lt3A_83 = vector.broadcast %lt3A_82 : i32 to vector<2048x1xi32>
    %lt3A_84 = arith.cmpi slt, %reshape3A_69, %lt3A_83 : vector<2048x1xi32>
    %and3A_85 = arith.andi %ge3A_81, %lt3A_84 : vector<2048x1xi1>
    %slice3A_86 = vector.extract_strided_slice %get3A_63 {offsets = [0, 32], sizes = [2048, 32], strides = [1, 1]} : vector<2048x128xf32> to vector<2048x32xf32>
    %jit3A_87 = arith.constant 0.000000e+00 : f32
    %broadcast_in_dim3A_88 = vector.shape_cast %and3A_85 : vector<2048x1xi1> to vector<2048x1xi1>
    %broadcast_in_dim3A_89 = vector.broadcast %broadcast_in_dim3A_88 : vector<2048x1xi1> to vector<2048x32xi1>
    %broadcast_in_dim3A_90 = vector.broadcast %jit3A_87 : f32 to vector<2048x32xf32>
    %select_n3A_91 = arith.select %broadcast_in_dim3A_89, %slice3A_86, %broadcast_in_dim3A_90 : vector<2048x32xi1>, vector<2048x32xf32>
    %add3A_92 = arith.addf %select_n3A_78, %select_n3A_91 : vector<2048x32xf32>
    %ge3A_93 = arith.constant 499968 : i32
    %ge3A_94 = vector.broadcast %ge3A_93 : i32 to vector<2048x1xi32>
    %ge3A_95 = arith.cmpi sge, %reshape3A_69, %ge3A_94 : vector<2048x1xi32>
    %lt3A_96 = arith.constant 749952 : i32
    %lt3A_97 = vector.broadcast %lt3A_96 : i32 to vector<2048x1xi32>
    %lt3A_98 = arith.cmpi slt, %reshape3A_69, %lt3A_97 : vector<2048x1xi32>
    %and3A_99 = arith.andi %ge3A_95, %lt3A_98 : vector<2048x1xi1>
    %slice3A_100 = vector.extract_strided_slice %get3A_63 {offsets = [0, 64], sizes = [2048, 32], strides = [1, 1]} : vector<2048x128xf32> to vector<2048x32xf32>
    %jit3A_101 = arith.constant 0.000000e+00 : f32
    %broadcast_in_dim3A_102 = vector.shape_cast %and3A_99 : vector<2048x1xi1> to vector<2048x1xi1>
    %broadcast_in_dim3A_103 = vector.broadcast %broadcast_in_dim3A_102 : vector<2048x1xi1> to vector<2048x32xi1>
    %broadcast_in_dim3A_104 = vector.broadcast %jit3A_101 : f32 to vector<2048x32xf32>
    %select_n3A_105 = arith.select %broadcast_in_dim3A_103, %slice3A_100, %broadcast_in_dim3A_104 : vector<2048x32xi1>, vector<2048x32xf32>
    %add3A_106 = arith.addf %add3A_92, %select_n3A_105 : vector<2048x32xf32>
    %ge3A_107 = arith.constant 749952 : i32
    %ge3A_108 = vector.broadcast %ge3A_107 : i32 to vector<2048x1xi32>
    %ge3A_109 = arith.cmpi sge, %reshape3A_69, %ge3A_108 : vector<2048x1xi32>
    %lt3A_110 = arith.constant 999936 : i32
    %lt3A_111 = vector.broadcast %lt3A_110 : i32 to vector<2048x1xi32>
    %lt3A_112 = arith.cmpi slt, %reshape3A_69, %lt3A_111 : vector<2048x1xi32>
    %and3A_113 = arith.andi %ge3A_109, %lt3A_112 : vector<2048x1xi1>
    %slice3A_114 = vector.extract_strided_slice %get3A_63 {offsets = [0, 96], sizes = [2048, 32], strides = [1, 1]} : vector<2048x128xf32> to vector<2048x32xf32>
    %jit3A_115 = arith.constant 0.000000e+00 : f32
    %broadcast_in_dim3A_116 = vector.shape_cast %and3A_113 : vector<2048x1xi1> to vector<2048x1xi1>
    %broadcast_in_dim3A_117 = vector.broadcast %broadcast_in_dim3A_116 : vector<2048x1xi1> to vector<2048x32xi1>
    %broadcast_in_dim3A_118 = vector.broadcast %jit3A_115 : f32 to vector<2048x32xf32>
    %select_n3A_119 = arith.select %broadcast_in_dim3A_117, %slice3A_114, %broadcast_in_dim3A_118 : vector<2048x32xi1>, vector<2048x32xf32>
    %add3A_120 = arith.addf %add3A_106, %select_n3A_119 : vector<2048x32xf32>
    %iota3A_121 = tpu.iota {dimensions = array<i32: 1>} : vector<2048x64xi32>
    %sub3A_122 = arith.constant 999936 : i32
    %sub3A_123 = vector.broadcast %sub3A_122 : i32 to vector<2048x1xi32>
    %sub3A_124 = arith.subi %reshape3A_69, %sub3A_123 : vector<2048x1xi32>
    %eq3A_125 = vector.broadcast %sub3A_124 : vector<2048x1xi32> to vector<2048x64xi32>
    %eq3A_126 = arith.cmpi eq, %iota3A_121, %eq3A_125 : vector<2048x64xi32>
    %convert_element_type3A_127 = arith.extui %eq3A_126 : vector<2048x64xi1> to vector<2048x64xi32>
    %convert_element_type3A_128 = arith.sitofp %convert_element_type3A_127 : vector<2048x64xi32> to vector<2048x64xf32>
    %dot_general3A_129 = arith.constant dense<0.000000e+00> : vector<2048x32xf32>
    %dot_general3A_130 = tpu.matmul %convert_element_type3A_128, %get3A_68, %dot_general3A_129 {dimension_numbers = #tpu.dot_dimension_numbers<[1], [0], [0], [1], [0, 0, 1, 1], [], []>, transpose_lhs_hint = false} : vector<2048x64xf32>, vector<64x32xf32>, vector<2048x32xf32> -> vector<2048x32xf32>
    %ge3A_131 = arith.constant 999936 : i32
    %ge3A_132 = vector.broadcast %ge3A_131 : i32 to vector<2048x1xi32>
    %ge3A_133 = arith.cmpi sge, %reshape3A_69, %ge3A_132 : vector<2048x1xi32>
    %broadcast_in_dim3A_134 = vector.shape_cast %ge3A_133 : vector<2048x1xi1> to vector<2048x1xi1>
    %broadcast_in_dim3A_135 = vector.broadcast %broadcast_in_dim3A_134 : vector<2048x1xi1> to vector<2048x32xi1>
    %select_n3A_136 = arith.select %broadcast_in_dim3A_135, %dot_general3A_130, %add3A_120 : vector<2048x32xi1>, vector<2048x32xf32>
    %get3A_137 = arith.constant 0 : index
    %get3A_138 = arith.constant 0 : index
    %get3A_139 = vector.load %arg7[%get3A_137, %get3A_138] : memref<32x64xf32, #tpu.memory_space<vmem>>, vector<32x64xf32>
    %dot_general3A_140 = arith.constant dense<0.000000e+00> : vector<2048x64xf32>
    %dot_general3A_141 = tpu.matmul %select_n3A_60, %get3A_139, %dot_general3A_140 {dimension_numbers = #tpu.dot_dimension_numbers<[1], [0], [0], [1], [0, 0, 1, 1], [], []>, transpose_lhs_hint = false} : vector<2048x32xf32>, vector<32x64xf32>, vector<2048x64xf32> -> vector<2048x64xf32>
    %get3A_142 = arith.constant 0 : index
    %get3A_143 = arith.constant 0 : index
    %get3A_144 = vector.load %arg8[%get3A_142, %get3A_143] : memref<32x64xf32, #tpu.memory_space<vmem>>, vector<32x64xf32>
    %dot_general3A_145 = arith.constant dense<0.000000e+00> : vector<2048x64xf32>
    %dot_general3A_146 = tpu.matmul %select_n3A_136, %get3A_144, %dot_general3A_145 {dimension_numbers = #tpu.dot_dimension_numbers<[1], [0], [0], [1], [0, 0, 1, 1], [], []>, transpose_lhs_hint = false} : vector<2048x32xf32>, vector<32x64xf32>, vector<2048x64xf32> -> vector<2048x64xf32>
    %add3A_147 = arith.addf %dot_general3A_141, %dot_general3A_146 : vector<2048x64xf32>
    %get3A_148 = arith.constant 0 : index
    %get3A_149 = arith.constant 0 : index
    %get3A_150 = vector.load %arg9[%get3A_148, %get3A_149] : memref<1x64xf32, #tpu.memory_space<vmem>>, vector<1x64xf32>
    %add3A_151 = vector.broadcast %get3A_150 : vector<1x64xf32> to vector<2048x64xf32>
    %add3A_152 = arith.addf %add3A_147, %add3A_151 : vector<2048x64xf32>
    %max3A = arith.constant 0.000000e+00 : f32
    %max3A_153 = vector.broadcast %max3A : f32 to vector<2048x64xf32>
    %max3A_154 = arith.maximumf %add3A_152, %max3A_153 : vector<2048x64xf32>
    %get3A_155 = arith.constant 0 : index
    %get3A_156 = arith.constant 0 : index
    %get3A_157 = vector.load %arg10[%get3A_155, %get3A_156] : memref<64x32xf32, #tpu.memory_space<vmem>>, vector<64x32xf32>
    %dot_general3A_158 = arith.constant dense<0.000000e+00> : vector<2048x32xf32>
    %dot_general3A_159 = tpu.matmul %max3A_154, %get3A_157, %dot_general3A_158 {dimension_numbers = #tpu.dot_dimension_numbers<[1], [0], [0], [1], [0, 0, 1, 1], [], []>, transpose_lhs_hint = false} : vector<2048x64xf32>, vector<64x32xf32>, vector<2048x32xf32> -> vector<2048x32xf32>
    %get3A_160 = arith.constant 0 : index
    %get3A_161 = arith.constant 0 : index
    %get3A_162 = vector.load %arg11[%get3A_160, %get3A_161] : memref<1x32xf32, #tpu.memory_space<vmem>>, vector<1x32xf32>
    %add3A_163 = vector.broadcast %get3A_162 : vector<1x32xf32> to vector<2048x32xf32>
    %add3A_164 = arith.addf %dot_general3A_159, %add3A_163 : vector<2048x32xf32>
    %max3A_165 = arith.constant 0.000000e+00 : f32
    %max3A_166 = vector.broadcast %max3A_165 : f32 to vector<2048x32xf32>
    %max3A_167 = arith.maximumf %add3A_164, %max3A_166 : vector<2048x32xf32>
    %get3A_168 = arith.constant 0 : index
    %get3A_169 = arith.constant 0 : index
    %get3A_170 = vector.load %arg12[%get3A_168, %get3A_169] : memref<1x32xf32, #tpu.memory_space<vmem>>, vector<1x32xf32>
    %mul3A = vector.broadcast %get3A_170 : vector<1x32xf32> to vector<2048x32xf32>
    %mul3A_171 = arith.mulf %max3A_167, %mul3A : vector<2048x32xf32>
    %reduce_sum3A = arith.constant dense<0.000000e+00> : vector<2048xf32>
    %reduce_sum3A_172 = vector.multi_reduction <add>, %mul3A_171, %reduce_sum3A [1] : vector<2048x32xf32> to vector<2048xf32>
    %get3A_173 = arith.constant 0 : index
    %get3A_174 = arith.constant 0 : index
    %get3A_175 = vector.load %arg13[%get3A_173, %get3A_174] : memref<1x1xf32, #tpu.memory_space<vmem>>, vector<1x1xf32>
    %get3A_176 = vector.extract %get3A_175[0, 0] : f32 from vector<1x1xf32>
    %add3A_177 = vector.broadcast %get3A_176 : f32 to vector<2048xf32>
    %add3A_178 = arith.addf %reduce_sum3A_172, %add3A_177 : vector<2048xf32>
    %swap3A = arith.constant 0 : index
    %swap3A_179 = vector.load %arg14[%swap3A] : memref<2048xf32, #tpu.memory_space<vmem>>, vector<2048xf32>
    tpu.vector_store %arg14[%swap3A], %add3A_178 {strides = array<i32>} : memref<2048xf32, #tpu.memory_space<vmem>>, vector<2048xf32>,
    return
  }
  func.func @transform_0(%arg0: i32) -> (i32, i32) {
    %c0_i32 = arith.constant 0 : i32
    %c0_i32_0 = arith.constant 0 : i32
    return %arg0, %c0_i32 : i32, i32
  }
  func.func @transform_1(%arg0: i32) -> (i32, i32) {
    %c0_i32 = arith.constant 0 : i32
    %c0_i32_0 = arith.constant 0 : i32
    return %arg0, %c0_i32 : i32, i32
  }
  func.func @transform_2(%arg0: i32) -> i32 {
    %c0_i32 = arith.constant 0 : i32
    return %arg0 : i32
  }
  func.func @transform_3(%arg0: i32) -> i32 {
    %c0_i32 = arith.constant 0 : i32
    return %arg0 : i32
  }
  func.func @transform_4(%arg0: i32) -> (i32, i32) {
    %c0_i32 = arith.constant 0 : i32
    %c0_i32_0 = arith.constant 0 : i32
    %c0_i32_1 = arith.constant 0 : i32
    return %c0_i32, %c0_i32_0 : i32, i32
  }
  func.func @transform_5(%arg0: i32) -> (i32, i32) {
    %c0_i32 = arith.constant 0 : i32
    %c0_i32_0 = arith.constant 0 : i32
    %c0_i32_1 = arith.constant 0 : i32
    return %c0_i32, %c0_i32_0 : i32, i32
  }
  func.func @transform_6(%arg0: i32) -> (i32, i32) {
    %c0_i32 = arith.constant 0 : i32
    %c0_i32_0 = arith.constant 0 : i32
    %c0_i32_1 = arith.constant 0 : i32
    return %c0_i32, %c0_i32_0 : i32, i32
  }
  func.func @transform_7(%arg0: i32) -> (i32, i32) {
    %c0_i32 = arith.constant 0 : i32
    %c0_i32_0 = arith.constant 0 : i32
    %c0_i32_1 = arith.constant 0 : i32
    return %c0_i32, %c0_i32_0 : i32, i32
  }
  func.func @transform_8(%arg0: i32) -> (i32, i32) {
    %c0_i32 = arith.constant 0 : i32
    %c0_i32_0 = arith.constant 0 : i32
    %c0_i32_1 = arith.constant 0 : i32
    return %c0_i32, %c0_i32_0 : i32, i32
  }
  func.func @transform_9(%arg0: i32) -> (i32, i32) {
    %c0_i32 = arith.constant 0 : i32
    %c0_i32_0 = arith.constant 0 : i32
    %c0_i32_1 = arith.constant 0 : i32
    return %c0_i32, %c0_i32_0 : i32, i32
  }
  func.func @transform_10(%arg0: i32) -> (i32, i32) {
    %c0_i32 = arith.constant 0 : i32
    %c0_i32_0 = arith.constant 0 : i32
    %c0_i32_1 = arith.constant 0 : i32
    return %c0_i32, %c0_i32_0 : i32, i32
  }
  func.func @transform_11(%arg0: i32) -> (i32, i32) {
    %c0_i32 = arith.constant 0 : i32
    %c0_i32_0 = arith.constant 0 : i32
    %c0_i32_1 = arith.constant 0 : i32
    return %c0_i32, %c0_i32_0 : i32, i32
  }
  func.func @transform_12(%arg0: i32) -> (i32, i32) {
    %c0_i32 = arith.constant 0 : i32
    %c0_i32_0 = arith.constant 0 : i32
    %c0_i32_1 = arith.constant 0 : i32
    return %c0_i32, %c0_i32_0 : i32, i32
  }
  func.func @transform_13(%arg0: i32) -> i32 {
    %c0_i32 = arith.constant 0 : i32
    return %arg0 : i32
  }
}

</mosaic_0001>

<sc_bundles>
// kernel: kernel.10.cloned.1.call-start
scs
__scs_entry_jumppad:
0x0: {  	(pc) =	sbr.rel $0x88, $3  }
0x1: {  	(tag) =	ssettag $0x0;
	lr =	simm.s32 $0x1  }
0x2: {  	[smem:$0x3F97] =	sst lr;
	_ =	strace $0xD0000000  }
0x3: {  	_ = 	snop  }
0x4: {  	_ = 	snop  }
0x5: {  	_ = 	snop  }
0x6: {  	_ = 	snop  }
0x7: {  	_ = 	snop  }
__scs_overlays_trampoline_lowered:
0x8: {  	[smem:$0x3FA6] =	sst s0  }
0x9: {  	[smem:$0x3FA7] =	sst s1  }
0xa: {  	[smem:$0x3FA8] =	sst s2  }
0xb: {  	[smem:$0x3FA9] =	sst s3  }
0xc: {  	[smem:$0x3FAA] =	sst s4  }
0xd: {  	[smem:$0x3FAB] =	sst s5  }
0xe: {  	[smem:$0x3FAC] =	sst s6  }
0xf: {  	[smem:$0x3FAD] =	sst s7  }
0x10: {  	[smem:$0x3FAE] =	sst s8  }
0x11: {  	[smem:$0x3FAF] =	sst s9;
	s0 =	simm.s32 @!p0 $0x0  }
0x12: {  	s1 =	sld [smem:$0x3F95];
	s0 =	simm.s32 @p0 $0x1  }
0x13: {  	[smem:$0x3FB0] =	sst s0;
	s0 =	simm.s32 @!p1 $0x0  }
0x14: {  	s2 =	sld [smem:$0x3F94];
	s0 =	simm.s32 @p1 $0x1  }
0x15: {  	[smem:$0x3FB1] =	sst s0;
	s0 =	simm.s32 @!p2 $0x0  }
0x16: {  	s3 =	sld [smem:$0x3FDB];
	s0 =	simm.s32 @p2 $0x1  }
0x17: {  	s4 =	simm.s32 $0x1BF5;
	[smem:$0x3FB3] =	sst s0  }
0x18: {  	s0 =	sld [smem:$0x3F96];
	_ =	swait.ge [sflag:s4], $0x0  }
0x19: {  	s7 =	sld [smem:$0x3F97]  }
0x1a: {  	s8 =	sadd.s32 $0xFFFFE003, lr  }
0x1b: {  	s9 =	sadd.s32 $0xFFFFFEF7, lr;
	s5 =	simm.s32 $0xFFFFFFFF;
	p2 =	slt.u32 s8, $0xFFFFF086  }
0x1c: {  	p1 =	slt.u32 s9, $0xF7A;
	s5 =	simm.s32 @!p2 $0x0  }
0x1d: {  	s5 =	simm.s32 @p1 $0x1;
	p0 =	seq.s32 s7, s2  }
0x1e: {  	s7 =	smul.u32 @!p0 $0xF7A, s2;
	p2 =	seq.s32 @!p0 s5, $0x0  }
0x1f: {  	s9 =	smul.u32 $0xF7A, s1;
	s8 =	simm.s32 @!p0 $0x1BF5;
	p2 =	por !p2, p0  }
0x20: {  	[sflag:s8] =	ssyncset.s32 @!p0 $0xFFFFF086;
	s6 =	sadd.s32 @!p0 s3, s7;
	s7 =	simm.s32 @!p0 $0x108  }
0x21: {  	s3 =	sadd.s32 s3, s9;
	s6 =	sadd.s32 @!p0 $0x88, s6;
	s7 =	simm.s32 @p2 $0x1082  }
0x22: {  	[simem:s7], [sflag:s8] =	dma.local @!p0 [hbm:s6], $0xF7A  }
0x23: {  	s9 =	sor.u32 $0xD0000000, s2;
	s6 =	simm.s32 $0x108;
	_ =	swait.ge @!p0 [sflag:s8], $0x0  }
0x24: {  	s3 =	sadd.s32 $0x88, s3;
	s6 =	simm.s32 @!p1 $0x1082;
	[sflag:s4] =	ssyncset.s32 $0xFFFFF086  }
0x25: {  	[simem:s6], [sflag:s4] =	dma.local [hbm:s3], $0xF7A  }
0x26: {  	[smem:$0x3F97] =	sst s1;
	(tag) =	ssettag s2;
	_ =	strace s9  }
0x27: {  	s1 =	sld [smem:$0x3FA7]  }
0x28: {  	s2 =	sld [smem:$0x3FA8]  }
0x29: {  	s4 =	sld [smem:$0x3FAA]  }
0x2a: {  	p0 =	seq.s32 s5, $0x0;
	s5 =	sld [smem:$0x3FAB]  }
0x2b: {  	s6 =	sld [smem:$0x3FAC]  }
0x2c: {  	s7 =	sld [smem:$0x3FAD]  }
0x2d: {  	s3 =	simm.s32 $0x108;
	s8 =	sld [smem:$0x3FAE]  }
0x2e: {  	s3 =	simm.s32 @!p0 $0x1082;
	s9 =	sld [smem:$0x3FAF]  }
0x2f: {  	lr =	sadd.s32 s0, s3;
	s0 =	sld [smem:$0x3FA6]  }
0x30: {  	s3 =	sld [smem:$0x3FA9]  }
0x31: {  	[smem:$0x3FB2] =	sst s10  }
0x32: {  	s10 =	sld [smem:$0x3FB0];
	_ =	sdelay $0x3  }
0x33: {  	p0 =	seq.s32 s10, $0x1;
	s10 =	sld [smem:$0x3FB2];
	_ =	sdelay $0x3  }
0x34: {  	[smem:$0x3FB2] =	sst s10  }
0x35: {  	s10 =	sld [smem:$0x3FB1];
	_ =	sdelay $0x3  }
0x36: {  	p1 =	seq.s32 s10, $0x1;
	s10 =	sld [smem:$0x3FB2];
	_ =	sdelay $0x3  }
0x37: {  	[smem:$0x3FB2] =	sst s10  }
0x38: {  	s10 =	sld [smem:$0x3FB3]  }
0x39: {  	_ = 	snop;
	(pc) =	sbr.ind lr, $3  }
0x3a: {  	_ = 	snop  }
0x3b: {  	_ = 	snop  }
0x3c: {  	p2 =	seq.s32 s10, $0x1;
	s10 =	sld [smem:$0x3FB2]  }
0x3d: {  	_ =	shalt  }
0x3e: {  	_ =	shalt  }
0x3f: {  	_ =	shalt  }
0x40: {  	_ =	shalt  }
0x41: {  	_ =	shalt  }
0x42: {  	_ =	shalt  }
0x43: {  	_ =	shalt  }
0x44: {  	_ =	shalt  }
0x45: {  	_ =	shalt  }
0x46: {  	_ =	shalt  }
0x47: {  	_ =	shalt  }
0x48: {  	_ =	shalt  }
0x49: {  	_ =	shalt  }
0x4a: {  	_ =	shalt  }
0x4b: {  	_ =	shalt  }
0x4c: {  	_ =	shalt  }
0x4d: {  	_ =	shalt  }
0x4e: {  	_ =	shalt  }
0x4f: {  	_ =	shalt  }
0x50: {  	_ =	shalt  }
0x51: {  	_ =	shalt  }
0x52: {  	_ =	shalt  }
0x53: {  	_ =	shalt  }
0x54: {  	_ =	shalt  }
0x55: {  	_ =	shalt  }
0x56: {  	_ =	shalt  }
0x57: {  	_ =	shalt  }
0x58: {  	_ =	shalt  }
0x59: {  	_ =	shalt  }
0x5a: {  	_ =	shalt  }
0x5b: {  	_ =	shalt  }
0x5c: {  	_ =	shalt  }
0x5d: {  	_ =	shalt  }
0x5e: {  	_ =	shalt  }
0x5f: {  	_ =	shalt  }
0x60: {  	_ =	shalt  }
0x61: {  	_ =	shalt  }
0x62: {  	_ =	shalt  }
0x63: {  	_ =	shalt  }
0x64: {  	_ =	shalt  }
0x65: {  	_ =	shalt  }
0x66: {  	_ =	shalt  }
0x67: {  	_ =	shalt  }
0x68: {  	_ =	shalt  }
0x69: {  	_ =	shalt  }
0x6a: {  	_ =	shalt  }
0x6b: {  	_ =	shalt  }
0x6c: {  	_ =	shalt  }
0x6d: {  	_ =	shalt  }
0x6e: {  	_ =	shalt  }
0x6f: {  	_ =	shalt  }
0x70: {  	_ =	shalt  }
0x71: {  	_ =	shalt  }
0x72: {  	_ =	shalt  }
0x73: {  	_ =	shalt  }
0x74: {  	_ =	shalt  }
0x75: {  	_ =	shalt  }
0x76: {  	_ =	shalt  }
0x77: {  	_ =	shalt  }
0x78: {  	_ =	shalt  }
0x79: {  	_ =	shalt  }
0x7a: {  	_ =	shalt  }
0x7b: {  	_ =	shalt  }
0x7c: {  	_ =	shalt  }
0x7d: {  	_ =	shalt  }
0x7e: {  	_ =	shalt  }
0x7f: {  	_ =	shalt  }
0x80: {  	_ =	shalt  }
0x81: {  	_ =	shalt  }
0x82: {  	_ =	shalt  }
0x83: {  	_ =	shalt  }
0x84: {  	_ =	shalt  }
0x85: {  	_ =	shalt  }
0x86: {  	_ =	shalt  }
0x87: {  	_ =	shalt  }
.Lfunc_end0:
.L_simem_size_0:
called_computation.1_lowered:
.L_overlay_start_0:
0x88: {  	s2 =	sld [smem:$0x3FD9]  }
0x89: {  	s3 =	sld [smem:$0x3FFE];
	_ =	sdelay $0x1  }
0x8a: {  	s1 =	srdreg.scid  }
0x8b: {  	s0 =	sand.u32 $0x1, s1  }
0x8c: {  	s17 =	sshll.u32 s0, $0xA;
	s2 =	sadd.s32 s3, s2  }
0x8d: {  	s2 =	sadd.s32 s2, s17  }
0x8e: {  	[smem:$0x3FBE] =	sst s2  }
0x8f: {  	_ = 	snop  }
0x90: {  	s18 =	sld [smem:$0x3FC8];
	(tm) =	ssettm $0x1  }
0x91: {  	s19 =	sld [smem:$0x3FFB];
	_ =	sdelay $0x3  }
0x92: {  	_ =	strace s19  }
0x93: {  	s2 =	sld [smem:$0x3FFC];
	_ =	sdelay $0x3  }
0x94: {  	_ =	strace s2  }
0x95: {  	s2 =	sld [smem:$0x3FFD];
	_ =	sdelay $0x3  }
0x96: {  	_ =	strace s2  }
0x97: {  	_ =	strace $0x8FFFFFFF  }
0x98: {  	s20 =	sld [smem:$0x3FDB];
	_ =	sdelay $0x1  }
0x99: {  	s4 =	simm.s32 $_scs_section_size  }
0x9a: {  	s5 =	simm.s32 $_size__tile_overlayer_lowered;
	s6 =	simm.s32 $_tile_overlayer_lowered  }
0x9b: {  	s7 =	simm.s32 $0x1BFF;
	s21 =	sshll.u32 s6, $0x1;
	s4 =	sadd.s32 s4, s20  }
0x9c: {  	s22 =	simm.s32 $0x0;
	s5 =	sshll.u32 s5, $0x1;
	s6 =	sadd.s32 s21, s4  }
0x9d: {  	[timem:s22], [sflag:s7] =	dma.local [hbm:s6], s5  }
0x9e: {  	_ =	swait.ge [sflag:s7], s5  }
0x9f: {  	s5 =	ssub.s32 $0x0, s5;
	[sflag:s7] =	ssyncset.done $0x0  }
0xa0: {  	[sflag:s7] =	ssyncadd.s32 s5;
	_ =	sdelay $0x1  }
0xa1: {  	s23 =	simm.s32 $0x1B8B  }
0xa2: {  	_ =	swait.ge [sflag:s23], $0x1  }
0xa3: {  	[sflag:s23] =	ssyncset.done $0x0  }
0xa4: {  	[sflag:s23] =	ssyncadd.s32 $0xFFFFFFFF  }
0xa5: {  	s5 =	sld [smem:$0x0]  }
0xa6: {  	s6 =	sand.u32 $0xFFFFFFFE, s1  }
0xa7: {  	p0 =	sne.s32 s1, s6  }
0xa8: {  	s6 =	sshll.u32 @p0 s6, $0xE  }
0xa9: {  	s6 =	sadd.s32 @p0 $0x11B8D, s6;
	s7 =	sshll.u32 @p0 s5, $0x11  }
0xaa: {  	s6 =	sor.u32 @p0 s7, s6  }
0xab: {  	[sflag:s6] =	ssyncadd.remote.s32 @p0 $0x1;
	_ =	sdelay $0x1  }
0xac: {  	s6 =	simm.s32 @p0 $0x1B8D  }
0xad: {  	_ =	swait.eq @p0 [sflag:s6], $0x1  }
0xae: {  	[sflag:s6] =	ssyncadd.s32 @p0 $0xFFFFFFFF  }
0xaf: {  	s7 =	sshll.u32 @!p0 s1, $0xE  }
0xb0: {  	s7 =	sor.u32 @!p0 $0x4000, s7;
	s6 =	simm.s32 @!p0 $0x1B8D  }
0xb1: {  	s5 =	sshll.u32 @!p0 s5, $0x11;
	s7 =	sadd.s32 @!p0 $0x11B8D, s7;
	_ =	swait.eq @!p0 [sflag:s6], $0x1  }
0xb2: {  	s5 =	sor.u32 @!p0 s5, s7;
	[sflag:s6] =	ssyncadd.s32 @!p0 $0xFFFFFFFF  }
0xb3: {  	s25 =	simm.s32 $0x1B8E;
	s24 =	sld [smem:$0x3FFE];
	[sflag:s5] =	ssyncadd.remote.s32 @!p0 $0x1  }
0xb4: {  	s26 =	simm.s32 $execute0_lowered;
	[smem:$0x3FD2] =	sst s25  }
0xb5: {  	s6 =	sshll.u32 s26, $0x1;
	_ =	strace $0x80000049;
	[dreg:$0x1] =	wrdreg $0xFFFFFFFF  }
0xb6: {  	s28 =	simm.s32 $_size_execute0_lowered;
	s4 =	sadd.s32 s4, s6;
	[dreg:$0x0] =	wrdreg $0x0  }
0xb7: {  	s6 =	sshll.u32 s28, $0x1;
	[dreg:$0x2] =	wrdreg s4  }
0xb8: {  	[dreg:$0x3] =	wrdreg s6  }
0xb9: {  	[dreg:$0x4] =	wrdreg $0xC0  }
0xba: {  	_ =	task [dreg:s22], $0x5FFFF  }
0xbb: {  	[dreg:$0x1] =	wrdreg $0xFFFFFFFF  }
0xbc: {  	[dreg:$0x0] =	wrdreg $0x60  }
0xbd: {  	[dreg:$0x2] =	wrdreg s18  }
0xbe: {  	[dreg:$0x3] =	wrdreg s24  }
0xbf: {  	[dreg:$0x4] =	wrdreg $0xA  }
0xc0: {  	_ =	task.clear_ibuf [dreg:s22], $0x5FFFF;
	_ =	strace $0x90000049  }
0xc1: {  	s29 =	simm.s32 $0xA;
	_ =	strace $0x8000004B  }
0xc2: {  	_ =	swait.ge [sflag:s29], $0x1  }
0xc3: {  	[sflag:s29] =	ssyncadd.s32 $0xFFFFFFFF  }
0xc4: {  	_ =	strace $0x9000004B  }
0xc5: {  	_ =	sfence  }
0xc6: {  	s30 =	sld [smem:$0x0];
	_ =	sdelay $0x2  }
0xc7: {  	s31 =	sshll.u32 s1, $0xD;
	s1 =	sshrl.u32 s1, $0x2  }
0xc8: {  	s4 =	sand.u32 $0x4000, s31;
	s1 =	sadd.s32 s1, s30  }
0xc9: {  	s0 =	sor.u32 s4, s0;
	s1 =	sshll.u32 s1, $0x11  }
0xca: {  	s0 =	sor.u32 s1, s0  }
0xcb: {  	s0 =	sadd.s32 $0x8F2B, s0  }
0xcc: {  	[sflag:s0] =	ssyncadd.remote.s32 $0x1  }
0xcd: {  	_ =	sfence.sel $0xFFFF  }
0xce: {  	[dreg:$0x0] =	wrdreg $0xFFFFFFFF;
	(pc) =	sbr.abs _section_cstart, $3  }
0xcf: {  	[dreg:$0x1] =	wrdreg $0xFFFFFFFF  }
0xd0: {  	_ =	task.clear_ibuf [dreg:s22], $0x2FFFF;
	_ =	strace $0x9FFFFFFF  }
0xd1: {  	(tm) =	ssettm $0x7FFFFFFF  }
tec
execute0_lowered:
.L_overlay_start_1:
0x0: {  	(tag) =	ssettag $0x1  }
0x1: {  	s4 =	rddreg [dreg:$0x0]  }
0x2: {  	s5 =	rddreg [dreg:$0x1]  }
0x3: {  	s0 =	rddreg [dreg:$0x2]  }
0x4: {  	s3 =	srdreg.scid;
	s2 =	simm.s32 $0x0;
	s1 =	stileid.u32  }
0x5: {  	s9 =	simm.s32 $0x200;
	s10 =	simm.s32 $0x400;
	s11 =	simm.s32 $0x280  }
0x6: {  	s12 =	simm.s32 $0x4400;
	s13 =	simm.s32 $0x300;
	s14 =	simm.s32 $0x8400  }
0x7: {  	s15 =	simm.s32 $0x380;
	s16 =	simm.s32 $0xC400;
	s17 =	simm.s32 $0x1  }
0x8: {  	s6 =	sand.u32 $0x1, s3;
	[smem:$0x7FF] =	sst s2;
	s30 =	sshll.u32 s1, $0xA  }
0x9: {  	s3 =	sadd.s32 $0x412400, s5;
	s7 =	sshll.u32 s6, $0x9;
	s6 =	ssub.s32 $0x2, s6  }
0xa: {  	_ =	strace $0x8000004A;
	s7 =	sor.u32 s7, s30;
	s31 =	sshrl.u32 s6, $0x1  }
0xb: {  	s8 =	sshll.u32 s7, $0x4;
	s7 =	sshrl.u32 s7, $0x3;
	s6 =	ssub.s32 s6, s31  }
0xc: {  	s5 =	sadd.s32 s8, s5;
	s4 =	sadd.s32 s4, s7;
	s6 =	smax.u32 s6, $0x1  }
0xd: {  	s7 =	simm.s32 $0x2;
	s8 =	simm.s32 $0x80;
	s5 =	sadd.s32 $0x7E2C00, s5  }
.LBB2_1:
0xe: {  	[tilespmem:s2], [sflag:$0x2] =	stream.linear.gather [hbm4b:s4+s2], $0x200, $0x38;
	[tilespmem:$0x10400] =	vst v63  }
0xf: {  	_ =	swait.ge [sflag:s7], $0x200  }
0x10: {  	[sflag:s7] =	ssyncset.done $0x0  }
0x11: {  	[sflag:s7] =	ssyncadd.s32 $0xFFFFFE00  }
0x12: {  	v0 =	vld [tilespmem:$0x0]  }
0x13: {  	v1 =	vld [tilespmem:$0x10]  }
0x14: {  	v3 =	vld [tilespmem:$0x20]  }
0x15: {  	v4 =	vld [tilespmem:$0x30]  }
0x16: {  	v5 =	vld [tilespmem:$0x40]  }
0x17: {  	v6 =	vld [tilespmem:$0x50]  }
0x18: {  	v7 =	vld [tilespmem:$0x60]  }
0x19: {  	v8 =	vld [tilespmem:$0x70]  }
0x1a: {  	v9 =	vld [tilespmem:$0x80]  }
0x1b: {  	vm0 =	vgt.s32 v0, $0x3D07F;
	v2 =	vadd.s32 $0xFFFC2F80, v0  }
0x1c: {  	vm9 =	vgt.s32 v1, $0x3D07F;
	v10 =	vadd.s32 $0xFFFC2F80, v1;
	vm4 =	vgt.s32 v3, $0x3D07F  }
0x1d: {  	v17 =	vadd.s32 $0xFFFC2F80, v3;
	vm5 =	vgt.s32 v4, $0x3D07F;
	v18 =	vadd.s32 $0xFFFC2F80, v4  }
0x1e: {  	v25 =	vadd.s32 $0xFFFC2F80, v5;
	v26 =	vadd.s32 $0xFFFC2F80, v6;
	v33 =	vadd.s32 $0xFFFC2F80, v7  }
0x1f: {  	v34 =	vadd.s32 $0xFFFC2F80, v8;
	v41 =	vadd.s32 $0xFFFC2F80, v9;
	v0 =	vsel vm0, v2, v0  }
0x20: {  	v1 =	vsel vm9, v10, v1;
	vm10 =	vgt.s32 v0, $0x3D07F;
	v11 =	vadd.s32 $0xFFFC2F80, v0  }
0x21: {  	v10 =	vld [tilespmem:$0x90];
	vm11 =	vgt.s32 v1, $0x3D07F;
	v12 =	vadd.s32 $0xFFFC2F80, v1;
	v0 =	vsel vm10, v11, v0  }
0x22: {  	v1 =	vsel vm11, v12, v1;
	vm12 =	vgt.s32 v0, $0x3D07F;
	v13 =	vadd.s32 $0xFFFC2F80, v0  }
0x23: {  	vm13 =	vgt.s32 v1, $0x3D07F;
	v14 =	vadd.s32 $0xFFFC2F80, v1;
	v0 =	vsel vm12, v13, v0  }
0x24: {  	v11 =	vld [tilespmem:$0xA0];
	v2 =	vsel vm13, v14, v1;
	vm12 =	vgt.s32 v5, $0x3D07F;
	vm13 =	vgt.s32 v6, $0x3D07F  }
0x25: {  	v12 =	vld [tilespmem:$0xB0];
	vm14 =	vgt.s32 v0, $0x3D07F;
	v15 =	vadd.s32 $0xFFFC2F80, v0;
	vm15 =	vgt.s32 v2, $0x3D07F  }
0x26: {  	v13 =	vld [tilespmem:$0xC0];
	v16 =	vadd.s32 $0xFFFC2F80, v2;
	v42 =	vadd.s32 $0xFFFC2F80, v10;
	v1 =	vsel vm14, v15, v0  }
0x27: {  	v14 =	vld [tilespmem:$0xD0];
	v0 =	vsel vm15, v16, v2;
	v2 =	vsel vm4, v17, v3;
	v3 =	vsel vm5, v18, v4  }
0x28: {  	vm6 =	vgt.s32 v2, $0x3D07F;
	v19 =	vadd.s32 $0xFFFC2F80, v2;
	vm7 =	vgt.s32 v3, $0x3D07F  }
0x29: {  	v15 =	vld [tilespmem:$0xE0];
	v20 =	vadd.s32 $0xFFFC2F80, v3;
	v49 =	vadd.s32 $0xFFFC2F80, v11;
	v2 =	vsel vm6, v19, v2  }
0x2a: {  	v16 =	vld [tilespmem:$0xF0];
	v50 =	vadd.s32 $0xFFFC2F80, v12;
	v3 =	vsel vm7, v20, v3;
	vm8 =	vgt.s32 v2, $0x3D07F  }
0x2b: {  	v21 =	vadd.s32 $0xFFFC2F80, v2;
	vm9 =	vgt.s32 v3, $0x3D07F;
	v22 =	vadd.s32 $0xFFFC2F80, v3  }
0x2c: {  	v57 =	vadd.s32 $0xFFFC2F80, v13;
	v58 =	vadd.s32 $0xFFFC2F80, v14;
	v2 =	vsel vm8, v21, v2  }
0x2d: {  	v4 =	vsel vm9, v22, v3;
	vm8 =	vgt.s32 v7, $0x3D07F;
	vm9 =	vgt.s32 v8, $0x3D07F  }
0x2e: {  	vm10 =	vgt.s32 v2, $0x3D07F;
	v23 =	vadd.s32 $0xFFFC2F80, v2;
	vm11 =	vgt.s32 v4, $0x3D07F  }
0x2f: {  	v24 =	vadd.s32 $0xFFFC2F80, v4;
	v18 =	vadd.s32 $0xFFFC2F80, v15;
	v19 =	vadd.s32 $0xFFFC2F80, v16  }
0x30: {  	v3 =	vsel vm10, v23, v2;
	v2 =	vsel vm11, v24, v4;
	v4 =	vsel vm12, v25, v5  }
0x31: {  	v5 =	vsel vm13, v26, v6;
	vm14 =	vgt.s32 v4, $0x3D07F;
	v27 =	vadd.s32 $0xFFFC2F80, v4  }
0x32: {  	vm15 =	vgt.s32 v5, $0x3D07F;
	v28 =	vadd.s32 $0xFFFC2F80, v5;
	v4 =	vsel vm14, v27, v4  }
0x33: {  	v5 =	vsel vm15, v28, v5;
	vm4 =	vgt.s32 v4, $0x3D07F;
	v29 =	vadd.s32 $0xFFFC2F80, v4  }
0x34: {  	vm5 =	vgt.s32 v5, $0x3D07F;
	v30 =	vadd.s32 $0xFFFC2F80, v5;
	v4 =	vsel vm4, v29, v4  }
0x35: {  	v6 =	vsel vm5, v30, v5;
	vm4 =	vgt.s32 v9, $0x3D07F;
	vm6 =	vgt.s32 v4, $0x3D07F  }
0x36: {  	v31 =	vadd.s32 $0xFFFC2F80, v4;
	vm7 =	vgt.s32 v6, $0x3D07F;
	v32 =	vadd.s32 $0xFFFC2F80, v6  }
0x37: {  	v5 =	vsel vm6, v31, v4;
	v4 =	vsel vm7, v32, v6;
	v6 =	vsel vm8, v33, v7  }
0x38: {  	v7 =	vsel vm9, v34, v8;
	vm10 =	vgt.s32 v6, $0x3D07F;
	v35 =	vadd.s32 $0xFFFC2F80, v6  }
0x39: {  	vm11 =	vgt.s32 v7, $0x3D07F;
	v36 =	vadd.s32 $0xFFFC2F80, v7;
	v6 =	vsel vm10, v35, v6  }
0x3a: {  	v7 =	vsel vm11, v36, v7;
	vm12 =	vgt.s32 v6, $0x3D07F;
	v37 =	vadd.s32 $0xFFFC2F80, v6  }
0x3b: {  	vm13 =	vgt.s32 v7, $0x3D07F;
	v38 =	vadd.s32 $0xFFFC2F80, v7;
	v6 =	vsel vm12, v37, v6  }
0x3c: {  	vm5 =	vgt.s32 v10, $0x3D07F;
	v8 =	vsel vm13, v38, v7;
	vm14 =	vgt.s32 v6, $0x3D07F  }
0x3d: {  	v39 =	vadd.s32 $0xFFFC2F80, v6;
	vm15 =	vgt.s32 v8, $0x3D07F;
	v40 =	vadd.s32 $0xFFFC2F80, v8  }
0x3e: {  	v7 =	vsel vm14, v39, v6;
	v6 =	vsel vm15, v40, v8;
	v8 =	vsel vm4, v41, v9  }
0x3f: {  	v9 =	vsel vm5, v42, v10;
	vm6 =	vgt.s32 v8, $0x3D07F;
	v43 =	vadd.s32 $0xFFFC2F80, v8  }
0x40: {  	vm7 =	vgt.s32 v9, $0x3D07F;
	v44 =	vadd.s32 $0xFFFC2F80, v9;
	v8 =	vsel vm6, v43, v8  }
0x41: {  	vm12 =	vgt.s32 v11, $0x3D07F;
	v9 =	vsel vm7, v44, v9;
	vm8 =	vgt.s32 v8, $0x3D07F  }
0x42: {  	v45 =	vadd.s32 $0xFFFC2F80, v8;
	vm9 =	vgt.s32 v9, $0x3D07F;
	v46 =	vadd.s32 $0xFFFC2F80, v9  }
0x43: {  	vm13 =	vgt.s32 v12, $0x3D07F;
	v8 =	vsel vm8, v45, v8;
	v10 =	vsel vm9, v46, v9  }
0x44: {  	vm8 =	vgt.s32 v13, $0x3D07F;
	vm9 =	vgt.s32 v14, $0x3D07F;
	vm10 =	vgt.s32 v8, $0x3D07F  }
0x45: {  	v47 =	vadd.s32 $0xFFFC2F80, v8;
	vm11 =	vgt.s32 v10, $0x3D07F;
	v48 =	vadd.s32 $0xFFFC2F80, v10  }
0x46: {  	v9 =	vsel vm10, v47, v8;
	v8 =	vsel vm11, v48, v10;
	v10 =	vsel vm12, v49, v11  }
0x47: {  	v11 =	vsel vm13, v50, v12;
	vm14 =	vgt.s32 v10, $0x3D07F;
	v51 =	vadd.s32 $0xFFFC2F80, v10  }
0x48: {  	vm15 =	vgt.s32 v11, $0x3D07F;
	v52 =	vadd.s32 $0xFFFC2F80, v11;
	v10 =	vsel vm14, v51, v10  }
0x49: {  	v11 =	vsel vm15, v52, v11;
	vm4 =	vgt.s32 v10, $0x3D07F;
	v53 =	vadd.s32 $0xFFFC2F80, v10  }
0x4a: {  	vm5 =	vgt.s32 v11, $0x3D07F;
	v54 =	vadd.s32 $0xFFFC2F80, v11;
	v10 =	vsel vm4, v53, v10  }
0x4b: {  	v12 =	vsel vm5, v54, v11;
	vm4 =	vgt.s32 v15, $0x3D07F;
	vm6 =	vgt.s32 v10, $0x3D07F  }
0x4c: {  	v55 =	vadd.s32 $0xFFFC2F80, v10;
	vm7 =	vgt.s32 v12, $0x3D07F;
	v56 =	vadd.s32 $0xFFFC2F80, v12  }
0x4d: {  	v11 =	vsel vm6, v55, v10;
	v10 =	vsel vm7, v56, v12;
	v12 =	vsel vm8, v57, v13  }
0x4e: {  	v13 =	vsel vm9, v58, v14;
	vm10 =	vgt.s32 v12, $0x3D07F;
	v59 =	vadd.s32 $0xFFFC2F80, v12  }
0x4f: {  	vm11 =	vgt.s32 v13, $0x3D07F;
	v60 =	vadd.s32 $0xFFFC2F80, v13;
	v12 =	vsel vm10, v59, v12  }
0x50: {  	v13 =	vsel vm11, v60, v13;
	vm12 =	vgt.s32 v12, $0x3D07F;
	v61 =	vadd.s32 $0xFFFC2F80, v12  }
0x51: {  	vm13 =	vgt.s32 v13, $0x3D07F;
	v62 =	vadd.s32 $0xFFFC2F80, v13;
	v12 =	vsel vm12, v61, v12  }
0x52: {  	vm5 =	vgt.s32 v16, $0x3D07F;
	v14 =	vsel vm13, v62, v13;
	vm14 =	vgt.s32 v12, $0x3D07F  }
0x53: {  	v63 =	vadd.s32 $0xFFFC2F80, v12;
	vm15 =	vgt.s32 v14, $0x3D07F;
	v17 =	vadd.s32 $0xFFFC2F80, v14  }
0x54: {  	v13 =	vsel vm14, v63, v12;
	v12 =	vsel vm15, v17, v14;
	v14 =	vsel vm4, v18, v15  }
0x55: {  	v15 =	vsel vm5, v19, v16;
	v17 =	vld [tilespmem:$0x100];
	vm6 =	vgt.s32 v14, $0x3D07F;
	v20 =	vadd.s32 $0xFFFC2F80, v14  }
0x56: {  	v18 =	vld [tilespmem:$0x110];
	vm7 =	vgt.s32 v15, $0x3D07F;
	v21 =	vadd.s32 $0xFFFC2F80, v15;
	v14 =	vsel vm6, v20, v14  }
0x57: {  	v19 =	vld [tilespmem:$0x120];
	v15 =	vsel vm7, v21, v15;
	vm8 =	vgt.s32 v14, $0x3D07F;
	v22 =	vadd.s32 $0xFFFC2F80, v14  }
0x58: {  	vm9 =	vgt.s32 v15, $0x3D07F;
	v23 =	vadd.s32 $0xFFFC2F80, v15;
	v14 =	vsel vm8, v22, v14  }
0x59: {  	v16 =	vsel vm9, v23, v15;
	vm10 =	vgt.s32 v14, $0x3D07F;
	v24 =	vadd.s32 $0xFFFC2F80, v14  }
0x5a: {  	v20 =	vld [tilespmem:$0x130];
	vm11 =	vgt.s32 v16, $0x3D07F;
	v25 =	vadd.s32 $0xFFFC2F80, v16;
	vm12 =	vgt.s32 v17, $0x3D07F  }
0x5b: {  	v21 =	vld [tilespmem:$0x140];
	v26 =	vadd.s32 $0xFFFC2F80, v17;
	vm13 =	vgt.s32 v18, $0x3D07F;
	v27 =	vadd.s32 $0xFFFC2F80, v18  }
0x5c: {  	v22 =	vld [tilespmem:$0x150];
	vm8 =	vgt.s32 v19, $0x3D07F;
	v34 =	vadd.s32 $0xFFFC2F80, v19;
	v15 =	vsel vm10, v24, v14  }
0x5d: {  	v23 =	vld [tilespmem:$0x160];
	v14 =	vsel vm11, v25, v16;
	v16 =	vsel vm12, v26, v17;
	v17 =	vsel vm13, v27, v18  }
0x5e: {  	vm14 =	vgt.s32 v16, $0x3D07F;
	v28 =	vadd.s32 $0xFFFC2F80, v16;
	vm15 =	vgt.s32 v17, $0x3D07F  }
0x5f: {  	v24 =	vld [tilespmem:$0x170];
	v29 =	vadd.s32 $0xFFFC2F80, v17;
	vm9 =	vgt.s32 v20, $0x3D07F;
	v35 =	vadd.s32 $0xFFFC2F80, v20  }
0x60: {  	v25 =	vld [tilespmem:$0x180];
	v42 =	vadd.s32 $0xFFFC2F80, v21;
	v16 =	vsel vm14, v28, v16;
	v17 =	vsel vm15, v29, v17  }
0x61: {  	v26 =	vld [tilespmem:$0x190];
	vm4 =	vgt.s32 v16, $0x3D07F;
	v30 =	vadd.s32 $0xFFFC2F80, v16;
	vm5 =	vgt.s32 v17, $0x3D07F  }
0x62: {  	v31 =	vadd.s32 $0xFFFC2F80, v17;
	v43 =	vadd.s32 $0xFFFC2F80, v22;
	v50 =	vadd.s32 $0xFFFC2F80, v23  }
0x63: {  	v16 =	vsel vm4, v30, v16;
	v18 =	vsel vm5, v31, v17;
	vm4 =	vgt.s32 v21, $0x3D07F  }
0x64: {  	v28 =	vld [tilespmem:$0x1A0];
	vm5 =	vgt.s32 v22, $0x3D07F;
	vm6 =	vgt.s32 v16, $0x3D07F;
	v32 =	vadd.s32 $0xFFFC2F80, v16  }
0x65: {  	vm7 =	vgt.s32 v18, $0x3D07F;
	v33 =	vadd.s32 $0xFFFC2F80, v18;
	v51 =	vadd.s32 $0xFFFC2F80, v24  }
0x66: {  	v30 =	vld [tilespmem:$0x1B0];
	v58 =	vadd.s32 $0xFFFC2F80, v25;
	v59 =	vadd.s32 $0xFFFC2F80, v26;
	v17 =	vsel vm6, v32, v16  }
0x67: {  	v16 =	vsel vm7, v33, v18;
	v18 =	vsel vm8, v34, v19;
	v19 =	vsel vm9, v35, v20  }
0x68: {  	vm10 =	vgt.s32 v18, $0x3D07F;
	v36 =	vadd.s32 $0xFFFC2F80, v18;
	vm11 =	vgt.s32 v19, $0x3D07F  }
0x69: {  	v37 =	vadd.s32 $0xFFFC2F80, v19;
	v34 =	vadd.s32 $0xFFFC2F80, v28;
	v18 =	vsel vm10, v36, v18  }
0x6a: {  	v19 =	vsel vm11, v37, v19;
	vm12 =	vgt.s32 v18, $0x3D07F;
	v38 =	vadd.s32 $0xFFFC2F80, v18  }
0x6b: {  	vm13 =	vgt.s32 v19, $0x3D07F;
	v39 =	vadd.s32 $0xFFFC2F80, v19;
	v35 =	vadd.s32 $0xFFFC2F80, v30  }
0x6c: {  	v18 =	vsel vm12, v38, v18;
	v20 =	vsel vm13, v39, v19;
	vm12 =	vgt.s32 v23, $0x3D07F  }
0x6d: {  	vm13 =	vgt.s32 v24, $0x3D07F;
	vm14 =	vgt.s32 v18, $0x3D07F;
	v40 =	vadd.s32 $0xFFFC2F80, v18  }
0x6e: {  	vm15 =	vgt.s32 v20, $0x3D07F;
	v41 =	vadd.s32 $0xFFFC2F80, v20;
	v19 =	vsel vm14, v40, v18  }
0x6f: {  	v18 =	vsel vm15, v41, v20;
	v20 =	vsel vm4, v42, v21;
	v21 =	vsel vm5, v43, v22  }
0x70: {  	v22 =	vsel vm12, v50, v23;
	v23 =	vsel vm13, v51, v24;
	vm6 =	vgt.s32 v20, $0x3D07F  }
0x71: {  	v44 =	vadd.s32 $0xFFFC2F80, v20;
	vm7 =	vgt.s32 v21, $0x3D07F;
	v45 =	vadd.s32 $0xFFFC2F80, v21  }
0x72: {  	v38 =	vld [tilespmem:$0x1C0];
	vm14 =	vgt.s32 v22, $0x3D07F;
	v52 =	vadd.s32 $0xFFFC2F80, v22;
	vm15 =	vgt.s32 v23, $0x3D07F  }
0x73: {  	v53 =	vadd.s32 $0xFFFC2F80, v23;
	v20 =	vsel vm6, v44, v20;
	v21 =	vsel vm7, v45, v21  }
0x74: {  	v22 =	vsel vm14, v52, v22;
	v23 =	vsel vm15, v53, v23;
	vm8 =	vgt.s32 v20, $0x3D07F  }
0x75: {  	v46 =	vadd.s32 $0xFFFC2F80, v20;
	vm9 =	vgt.s32 v21, $0x3D07F;
	v47 =	vadd.s32 $0xFFFC2F80, v21  }
0x76: {  	vm4 =	vgt.s32 v22, $0x3D07F;
	v54 =	vadd.s32 $0xFFFC2F80, v22;
	vm5 =	vgt.s32 v23, $0x3D07F  }
0x77: {  	v55 =	vadd.s32 $0xFFFC2F80, v23;
	v44 =	vadd.s32 $0xFFFC2F80, v38;
	v20 =	vsel vm8, v46, v20  }
0x78: {  	v40 =	vld [tilespmem:$0x1D0];
	v21 =	vsel vm9, v47, v21;
	v22 =	vsel vm4, v54, v22;
	v23 =	vsel vm5, v55, v23  }
0x79: {  	v50 =	vld [tilespmem:$0x1F0];
	vm8 =	vgt.s32 v25, $0x3D07F;
	vm9 =	vgt.s32 v26, $0x3D07F;
	vm4 =	vgt.s32 v28, $0x3D07F  }
0x7a: {  	vm5 =	vgt.s32 v30, $0x3D07F;
	vm10 =	vgt.s32 v20, $0x3D07F;
	v48 =	vadd.s32 $0xFFFC2F80, v20  }
0x7b: {  	vm11 =	vgt.s32 v21, $0x3D07F;
	v49 =	vadd.s32 $0xFFFC2F80, v21;
	vm6 =	vgt.s32 v22, $0x3D07F  }
0x7c: {  	v56 =	vadd.s32 $0xFFFC2F80, v22;
	vm7 =	vgt.s32 v23, $0x3D07F;
	v57 =	vadd.s32 $0xFFFC2F80, v23  }
0x7d: {  	[tilespmem:$0x230] =	vst v2;
	v24 =	vsel vm8, v58, v25;
	v60 =	vsel vm9, v59, v26;
	v2 =	vsel vm4, v34, v28  }
0x7e: {  	[tilespmem:$0x220] =	vst v3;
	v3 =	vsel vm5, v35, v30;
	v45 =	vadd.s32 $0xFFFC2F80, v40;
	v55 =	vadd.s32 $0xFFFC2F80, v50  }
0x7f: {  	[tilespmem:$0x200] =	vst v1;
	v20 =	vsel vm10, v48, v20;
	v21 =	vsel vm11, v49, v21;
	v22 =	vsel vm6, v56, v22  }
0x80: {  	[tilespmem:$0x210] =	vst v0;
	v23 =	vsel vm7, v57, v23;
	vm10 =	vgt.s32 v24, $0x3D07F;
	v61 =	vadd.s32 $0xFFFC2F80, v24  }
0x81: {  	[tilespmem:$0x240] =	vst v5;
	vm11 =	vgt.s32 v60, $0x3D07F;
	v63 =	vadd.s32 $0xFFFC2F80, v60;
	vm6 =	vgt.s32 v2, $0x3D07F  }
0x82: {  	[tilespmem:$0x250] =	vst v4;
	v36 =	vadd.s32 $0xFFFC2F80, v2;
	vm7 =	vgt.s32 v3, $0x3D07F;
	v37 =	vadd.s32 $0xFFFC2F80, v3  }
0x83: {  	[tilespmem:$0x260] =	vst v7;
	v62 =	vsel vm10, v61, v24;
	v1 =	vsel vm11, v63, v60;
	v2 =	vsel vm6, v36, v2  }
0x84: {  	[tilespmem:$0x270] =	vst v6;
	v3 =	vsel vm7, v37, v3;
	vm12 =	vgt.s32 v62, $0x3D07F;
	v29 =	vadd.s32 $0xFFFC2F80, v62  }
0x85: {  	[tilespmem:$0x280] =	vst v9;
	vm13 =	vgt.s32 v1, $0x3D07F;
	v31 =	vadd.s32 $0xFFFC2F80, v1;
	vm8 =	vgt.s32 v2, $0x3D07F  }
0x86: {  	[tilespmem:$0x290] =	vst v8;
	v39 =	vadd.s32 $0xFFFC2F80, v2;
	vm9 =	vgt.s32 v3, $0x3D07F;
	v41 =	vadd.s32 $0xFFFC2F80, v3  }
0x87: {  	[tilespmem:$0x2A0] =	vst v11;
	v0 =	vsel vm12, v29, v62;
	v1 =	vsel vm13, v31, v1;
	v2 =	vsel vm8, v39, v2  }
0x88: {  	[tilespmem:$0x2B0] =	vst v10;
	v3 =	vsel vm9, v41, v3;
	vm12 =	vgt.s32 v38, $0x3D07F;
	vm13 =	vgt.s32 v40, $0x3D07F  }
0x89: {  	[tilespmem:$0x2C0] =	vst v13;
	vm9 =	vgt.s32 v50, $0x3D07F;
	vm14 =	vgt.s32 v0, $0x3D07F;
	v32 =	vadd.s32 $0xFFFC2F80, v0  }
0x8a: {  	[tilespmem:$0x2D0] =	vst v12;
	v48 =	vld [tilespmem:$0x1E0];
	vm15 =	vgt.s32 v1, $0x3D07F;
	v33 =	vadd.s32 $0xFFFC2F80, v1;
	vm10 =	vgt.s32 v2, $0x3D07F  }
0x8b: {  	[tilespmem:$0x2E0] =	vst v15;
	v42 =	vadd.s32 $0xFFFC2F80, v2;
	vm11 =	vgt.s32 v3, $0x3D07F;
	v43 =	vadd.s32 $0xFFFC2F80, v3  }
0x8c: {  	[tilespmem:$0x2F0] =	vst v14;
	v4 =	vsel vm12, v44, v38;
	v5 =	vsel vm13, v45, v40;
	v56 =	vsel vm9, v55, v50  }
0x8d: {  	[tilespmem:$0x300] =	vst v17;
	v0 =	vsel vm14, v32, v0;
	v1 =	vsel vm15, v33, v1;
	v2 =	vsel vm10, v42, v2  }
0x8e: {  	[tilespmem:$0x310] =	vst v16;
	v3 =	vsel vm11, v43, v3;
	vm14 =	vgt.s32 v4, $0x3D07F;
	v46 =	vadd.s32 $0xFFFC2F80, v4  }
0x8f: {  	[tilespmem:$0x320] =	vst v19;
	vm15 =	vgt.s32 v5, $0x3D07F;
	v47 =	vadd.s32 $0xFFFC2F80, v5;
	vm8 =	vgt.s32 v48, $0x3D07F  }
0x90: {  	[tilespmem:$0x330] =	vst v18;
	v54 =	vadd.s32 $0xFFFC2F80, v48;
	vm11 =	vgt.s32 v56, $0x3D07F;
	v59 =	vadd.s32 $0xFFFC2F80, v56  }
0x91: {  	[tilespmem:$0x340] =	vst v20;
	v4 =	vsel vm14, v46, v4;
	v5 =	vsel vm15, v47, v5;
	v6 =	vsel vm8, v54, v48  }
0x92: {  	[tilespmem:$0x380] =	vst v0;
	v0 =	vsel vm11, v59, v56;
	vm4 =	vgt.s32 v4, $0x3D07F;
	v49 =	vadd.s32 $0xFFFC2F80, v4  }
0x93: {  	[tilespmem:$0x350] =	vst v21;
	vm5 =	vgt.s32 v5, $0x3D07F;
	v51 =	vadd.s32 $0xFFFC2F80, v5;
	vm10 =	vgt.s32 v6, $0x3D07F  }
0x94: {  	[tilespmem:$0x360] =	vst v22;
	v57 =	vadd.s32 $0xFFFC2F80, v6;
	vm13 =	vgt.s32 v0, $0x3D07F;
	v61 =	vadd.s32 $0xFFFC2F80, v0  }
0x95: {  	[tilespmem:$0x370] =	vst v23;
	v4 =	vsel vm4, v49, v4;
	v5 =	vsel vm5, v51, v5;
	v58 =	vsel vm10, v57, v6  }
0x96: {  	[tilespmem:$0x390] =	vst v1;
	v0 =	vsel vm13, v61, v0;
	vm6 =	vgt.s32 v4, $0x3D07F;
	v52 =	vadd.s32 $0xFFFC2F80, v4  }
0x97: {  	[tilespmem:$0x3A0] =	vst v2;
	vm7 =	vgt.s32 v5, $0x3D07F;
	v53 =	vadd.s32 $0xFFFC2F80, v5;
	vm12 =	vgt.s32 v58, $0x3D07F  }
0x98: {  	[tilespmem:$0x3B0] =	vst v3;
	v60 =	vadd.s32 $0xFFFC2F80, v58;
	vm15 =	vgt.s32 v0, $0x3D07F;
	v4 =	vsel vm6, v52, v4  }
0x99: {  	v63 =	vadd.s32 $0xFFFC2F80, v0;
	v5 =	vsel vm7, v53, v5;
	v1 =	vsel vm12, v60, v58;
	[tilespmem:$0x3C0] =	vst v4  }
0x9a: {  	v0 =	vsel vm15, v63, v0;
	vm14 =	vgt.s32 v1, $0x3D07F;
	v62 =	vadd.s32 $0xFFFC2F80, v1;
	[tilespmem:$0x3D0] =	vst v5  }
0x9b: {  	[tilespmem:$0x3F0] =	vst v0;
	v1 =	vsel vm14, v62, v1  }
0x9c: {  	[tilespmem:$0x3E0] =	vst v1  }
0x9d: {  	[tilespmem:s10], [sflag:$0x1] =	stream.indirect.gather [hbm4b:s3+s8], $0x80, s9, s8, $0xb8;
	[tilespmem:$0x10400] =	vst v63  }
0x9e: {  	_ = 	snop  }
0x9f: {  	[tilespmem:s12], [sflag:$0x1] =	stream.indirect.gather [hbm4b:s3+s8], $0x80, s11, s8, $0xb8;
	[tilespmem:$0x10400] =	vst v63  }
0xa0: {  	_ = 	snop  }
0xa1: {  	[tilespmem:s14], [sflag:$0x1] =	stream.indirect.gather [hbm4b:s3+s8], $0x80, s13, s8, $0xb8;
	[tilespmem:$0x10400] =	vst v63  }
0xa2: {  	_ = 	snop  }
0xa3: {  	[tilespmem:s16], [sflag:$0x1] =	stream.indirect.gather [hbm4b:s3+s8], $0x80, s15, s8, $0xb8;
	[tilespmem:$0x10400] =	vst v63  }
0xa4: {  	_ =	swait.ge [sflag:s17], $0x4000  }
0xa5: {  	[sflag:s17] =	ssyncset.done $0x0  }
0xa6: {  	[sflag:s17] =	ssyncadd.s32 $0xFFFFC000  }
0xa7: {  	_ =	swait.ge [sflag:s17], $0x4000  }
0xa8: {  	[sflag:s17] =	ssyncset.done $0x0  }
0xa9: {  	[sflag:s17] =	ssyncadd.s32 $0xFFFFC000  }
0xaa: {  	_ =	swait.ge [sflag:s17], $0x4000  }
0xab: {  	[sflag:s17] =	ssyncset.done $0x0  }
0xac: {  	[sflag:s17] =	ssyncadd.s32 $0xFFFFC000  }
0xad: {  	_ =	swait.ge [sflag:s17], $0x4000  }
0xae: {  	p0 =	sne.s32 s6, $0x1;
	[sflag:s17] =	ssyncset.done $0x0  }
.Ltmp0:
0xaf: {  	[sflag:s17] =	ssyncadd.s32 $0xFFFFC000;
	(pc) =	sbr.rel @p0 .LBB2_1-.Ltmp0, $4  }
0xb0: {  	[hbm4b:s5+s2] =	stream.linear.scatter [tilespmem:s10], [sflag:$0x2], $0x10000, $0x38;
	[tilespmem:$0x10400] =	vst v63  }
0xb1: {  	_ =	swait.ge [sflag:s7], $0x10000  }
0xb2: {  	[sflag:s7] =	ssyncset.done $0x0  }
0xb3: {  	s6 =	sadd.s32 $0xFFFFFFFF, s6;
	[sflag:s7] =	ssyncadd.s32 $0xFFFF0000  }
0xb4: {  	_ =	sfence.sel $0x180000  }
0xb5: {  	[bflag:$0x0] =	sbarrier.arrive $0xFFFF  }
0xb6: {  	p0 =	sne.s32 s1, $0x0;
	_ =	strace $0x9000004A  }
0xb7: {  	s0 =	sadd.s32 @!p0 $0x100000, s0;
	[bflag:$0x2] =	sbarrier.arrive $0xFFFF  }
0xb8: {  	[sflag:s0] =	ssyncadd.tile.s32 @!p0 $0x1;
	_ =	shalt  }
.Lfunc_end2:
_tile_overlayer_lowered:
.L_overlay_start_2:
0xb9: {  	(tag) =	ssettag $0x2  }
0xba: {  	s0 =	rddreg [dreg:$0x0];
	s2 =	stileid.u32  }
0xbb: {  	s1 =	rddreg [dreg:$0x1];
	p0 =	sne.s32 s2, $0x0  }
0xbc: {  	s3 =	rddreg [dreg:$0x2];
	[bflag:$0x3] =	sbarrier.arrive $0xFFFF;
	s2 =	simm.s32 @!p0 $0x1C02  }
0xbd: {  	[timem:s3], [sflag:s2] =	dma.local @!p0 [hbm:s0], s1  }
0xbe: {  	s0 =	simm.s32 @!p0 $0x2  }
0xbf: {  	_ =	swait.ge @!p0 [sflag:s0], s1  }
0xc0: {  	s1 =	ssub.s32 @!p0 $0x0, s1;
	[sflag:s0] =	ssyncset.done @!p0 $0x0  }
0xc1: {  	[sflag:s0] =	ssyncadd.s32 @!p0 s1  }
0xc2: {  	[bflag:$0x3] =	sbarrier.arrive $0xFFFF  }
0xc3: {  	_ =	shalt  }

// kernel: kernel.7.cloned.1.call-start
scs
__scs_entry_jumppad:
0x0: {  	(pc) =	sbr.rel $0x88, $3  }
0x1: {  	(tag) =	ssettag $0x0;
	lr =	simm.s32 $0x1  }
0x2: {  	[smem:$0x3F97] =	sst lr;
	_ =	strace $0xD0000000  }
0x3: {  	_ = 	snop  }
0x4: {  	_ = 	snop  }
0x5: {  	_ = 	snop  }
0x6: {  	_ = 	snop  }
0x7: {  	_ = 	snop  }
__scs_overlays_trampoline_lowered:
0x8: {  	[smem:$0x3FA6] =	sst s0  }
0x9: {  	[smem:$0x3FA7] =	sst s1  }
0xa: {  	[smem:$0x3FA8] =	sst s2  }
0xb: {  	[smem:$0x3FA9] =	sst s3  }
0xc: {  	[smem:$0x3FAA] =	sst s4  }
0xd: {  	[smem:$0x3FAB] =	sst s5  }
0xe: {  	[smem:$0x3FAC] =	sst s6  }
0xf: {  	[smem:$0x3FAD] =	sst s7  }
0x10: {  	[smem:$0x3FAE] =	sst s8  }
0x11: {  	[smem:$0x3FAF] =	sst s9;
	s0 =	simm.s32 @!p0 $0x0  }
0x12: {  	s1 =	sld [smem:$0x3F95];
	s0 =	simm.s32 @p0 $0x1  }
0x13: {  	[smem:$0x3FB0] =	sst s0;
	s0 =	simm.s32 @!p1 $0x0  }
0x14: {  	s2 =	sld [smem:$0x3F94];
	s0 =	simm.s32 @p1 $0x1  }
0x15: {  	[smem:$0x3FB1] =	sst s0;
	s0 =	simm.s32 @!p2 $0x0  }
0x16: {  	s3 =	sld [smem:$0x3FDB];
	s0 =	simm.s32 @p2 $0x1  }
0x17: {  	s4 =	simm.s32 $0x1BF5;
	[smem:$0x3FB3] =	sst s0  }
0x18: {  	s0 =	sld [smem:$0x3F96];
	_ =	swait.ge [sflag:s4], $0x0  }
0x19: {  	s7 =	sld [smem:$0x3F97]  }
0x1a: {  	s8 =	sadd.s32 $0xFFFFE003, lr  }
0x1b: {  	s9 =	sadd.s32 $0xFFFFFEF7, lr;
	s5 =	simm.s32 $0xFFFFFFFF;
	p2 =	slt.u32 s8, $0xFFFFF086  }
0x1c: {  	p1 =	slt.u32 s9, $0xF7A;
	s5 =	simm.s32 @!p2 $0x0  }
0x1d: {  	s5 =	simm.s32 @p1 $0x1;
	p0 =	seq.s32 s7, s2  }
0x1e: {  	s7 =	smul.u32 @!p0 $0xF7A, s2;
	p2 =	seq.s32 @!p0 s5, $0x0  }
0x1f: {  	s9 =	smul.u32 $0xF7A, s1;
	s8 =	simm.s32 @!p0 $0x1BF5;
	p2 =	por !p2, p0  }
0x20: {  	[sflag:s8] =	ssyncset.s32 @!p0 $0xFFFFF086;
	s6 =	sadd.s32 @!p0 s3, s7;
	s7 =	simm.s32 @!p0 $0x108  }
0x21: {  	s3 =	sadd.s32 s3, s9;
	s6 =	sadd.s32 @!p0 $0x88, s6;
	s7 =	simm.s32 @p2 $0x1082  }
0x22: {  	[simem:s7], [sflag:s8] =	dma.local @!p0 [hbm:s6], $0xF7A  }
0x23: {  	s9 =	sor.u32 $0xD0000000, s2;
	s6 =	simm.s32 $0x108;
	_ =	swait.ge @!p0 [sflag:s8], $0x0  }
0x24: {  	s3 =	sadd.s32 $0x88, s3;
	s6 =	simm.s32 @!p1 $0x1082;
	[sflag:s4] =	ssyncset.s32 $0xFFFFF086  }
0x25: {  	[simem:s6], [sflag:s4] =	dma.local [hbm:s3], $0xF7A  }
0x26: {  	[smem:$0x3F97] =	sst s1;
	(tag) =	ssettag s2;
	_ =	strace s9  }
0x27: {  	s1 =	sld [smem:$0x3FA7]  }
0x28: {  	s2 =	sld [smem:$0x3FA8]  }
0x29: {  	s4 =	sld [smem:$0x3FAA]  }
0x2a: {  	p0 =	seq.s32 s5, $0x0;
	s5 =	sld [smem:$0x3FAB]  }
0x2b: {  	s6 =	sld [smem:$0x3FAC]  }
0x2c: {  	s7 =	sld [smem:$0x3FAD]  }
0x2d: {  	s3 =	simm.s32 $0x108;
	s8 =	sld [smem:$0x3FAE]  }
0x2e: {  	s3 =	simm.s32 @!p0 $0x1082;
	s9 =	sld [smem:$0x3FAF]  }
0x2f: {  	lr =	sadd.s32 s0, s3;
	s0 =	sld [smem:$0x3FA6]  }
0x30: {  	s3 =	sld [smem:$0x3FA9]  }
0x31: {  	[smem:$0x3FB2] =	sst s10  }
0x32: {  	s10 =	sld [smem:$0x3FB0];
	_ =	sdelay $0x3  }
0x33: {  	p0 =	seq.s32 s10, $0x1;
	s10 =	sld [smem:$0x3FB2];
	_ =	sdelay $0x3  }
0x34: {  	[smem:$0x3FB2] =	sst s10  }
0x35: {  	s10 =	sld [smem:$0x3FB1];
	_ =	sdelay $0x3  }
0x36: {  	p1 =	seq.s32 s10, $0x1;
	s10 =	sld [smem:$0x3FB2];
	_ =	sdelay $0x3  }
0x37: {  	[smem:$0x3FB2] =	sst s10  }
0x38: {  	s10 =	sld [smem:$0x3FB3]  }
0x39: {  	_ = 	snop;
	(pc) =	sbr.ind lr, $3  }
0x3a: {  	_ = 	snop  }
0x3b: {  	_ = 	snop  }
0x3c: {  	p2 =	seq.s32 s10, $0x1;
	s10 =	sld [smem:$0x3FB2]  }
0x3d: {  	_ =	shalt  }
0x3e: {  	_ =	shalt  }
0x3f: {  	_ =	shalt  }
0x40: {  	_ =	shalt  }
0x41: {  	_ =	shalt  }
0x42: {  	_ =	shalt  }
0x43: {  	_ =	shalt  }
0x44: {  	_ =	shalt  }
0x45: {  	_ =	shalt  }
0x46: {  	_ =	shalt  }
0x47: {  	_ =	shalt  }
0x48: {  	_ =	shalt  }
0x49: {  	_ =	shalt  }
0x4a: {  	_ =	shalt  }
0x4b: {  	_ =	shalt  }
0x4c: {  	_ =	shalt  }
0x4d: {  	_ =	shalt  }
0x4e: {  	_ =	shalt  }
0x4f: {  	_ =	shalt  }
0x50: {  	_ =	shalt  }
0x51: {  	_ =	shalt  }
0x52: {  	_ =	shalt  }
0x53: {  	_ =	shalt  }
0x54: {  	_ =	shalt  }
0x55: {  	_ =	shalt  }
0x56: {  	_ =	shalt  }
0x57: {  	_ =	shalt  }
0x58: {  	_ =	shalt  }
0x59: {  	_ =	shalt  }
0x5a: {  	_ =	shalt  }
0x5b: {  	_ =	shalt  }
0x5c: {  	_ =	shalt  }
0x5d: {  	_ =	shalt  }
0x5e: {  	_ =	shalt  }
0x5f: {  	_ =	shalt  }
0x60: {  	_ =	shalt  }
0x61: {  	_ =	shalt  }
0x62: {  	_ =	shalt  }
0x63: {  	_ =	shalt  }
0x64: {  	_ =	shalt  }
0x65: {  	_ =	shalt  }
0x66: {  	_ =	shalt  }
0x67: {  	_ =	shalt  }
0x68: {  	_ =	shalt  }
0x69: {  	_ =	shalt  }
0x6a: {  	_ =	shalt  }
0x6b: {  	_ =	shalt  }
0x6c: {  	_ =	shalt  }
0x6d: {  	_ =	shalt  }
0x6e: {  	_ =	shalt  }
0x6f: {  	_ =	shalt  }
0x70: {  	_ =	shalt  }
0x71: {  	_ =	shalt  }
0x72: {  	_ =	shalt  }
0x73: {  	_ =	shalt  }
0x74: {  	_ =	shalt  }
0x75: {  	_ =	shalt  }
0x76: {  	_ =	shalt  }
0x77: {  	_ =	shalt  }
0x78: {  	_ =	shalt  }
0x79: {  	_ =	shalt  }
0x7a: {  	_ =	shalt  }
0x7b: {  	_ =	shalt  }
0x7c: {  	_ =	shalt  }
0x7d: {  	_ =	shalt  }
0x7e: {  	_ =	shalt  }
0x7f: {  	_ =	shalt  }
0x80: {  	_ =	shalt  }
0x81: {  	_ =	shalt  }
0x82: {  	_ =	shalt  }
0x83: {  	_ =	shalt  }
0x84: {  	_ =	shalt  }
0x85: {  	_ =	shalt  }
0x86: {  	_ =	shalt  }
0x87: {  	_ =	shalt  }
.Lfunc_end0:
.L_simem_size_0:
called_computation_lowered:
.L_overlay_start_0:
0x88: {  	s2 =	sld [smem:$0x3FD9]  }
0x89: {  	s3 =	sld [smem:$0x3FFE];
	_ =	sdelay $0x1  }
0x8a: {  	s1 =	srdreg.scid  }
0x8b: {  	s0 =	sand.u32 $0x1, s1  }
0x8c: {  	s17 =	sshll.u32 s0, $0xA;
	s2 =	sadd.s32 s3, s2  }
0x8d: {  	s2 =	sadd.s32 s2, s17  }
0x8e: {  	[smem:$0x3FBE] =	sst s2  }
0x8f: {  	_ = 	snop  }
0x90: {  	s2 =	sld [smem:$0x3FC9];
	(tm) =	ssettm $0x1  }
0x91: {  	s18 =	sld [smem:$0x3FFB];
	_ =	sdelay $0x3  }
0x92: {  	_ =	strace s18  }
0x93: {  	s3 =	sld [smem:$0x3FFC];
	_ =	sdelay $0x3  }
0x94: {  	_ =	strace s3  }
0x95: {  	s3 =	sld [smem:$0x3FFD];
	_ =	sdelay $0x3  }
0x96: {  	_ =	strace s3  }
0x97: {  	_ =	strace $0x8FFFFFFF  }
0x98: {  	s19 =	sld [smem:$0x3FDB];
	_ =	sdelay $0x1  }
0x99: {  	s4 =	simm.s32 $_scs_section_size  }
0x9a: {  	s5 =	simm.s32 $_size__tile_overlayer_lowered;
	s6 =	simm.s32 $_tile_overlayer_lowered  }
0x9b: {  	s22 =	simm.s32 $0x1BFF;
	s21 =	sshll.u32 s6, $0x1;
	s3 =	sadd.s32 s4, s19  }
0x9c: {  	s7 =	simm.s32 $0x0;
	s20 =	sshll.u32 s5, $0x1;
	s5 =	sadd.s32 s21, s3  }
0x9d: {  	[timem:s7], [sflag:s22] =	dma.local [hbm:s5], s20  }
0x9e: {  	_ =	swait.ge [sflag:s22], s20  }
0x9f: {  	s4 =	ssub.s32 $0x0, s20;
	[sflag:s22] =	ssyncset.done $0x0  }
0xa0: {  	[sflag:s22] =	ssyncadd.s32 s4;
	_ =	sdelay $0x1  }
0xa1: {  	s23 =	simm.s32 $0x1B8B  }
0xa2: {  	_ =	swait.ge [sflag:s23], $0x1  }
0xa3: {  	[sflag:s23] =	ssyncset.done $0x0  }
0xa4: {  	s25 =	simm.s32 $0x1B8E;
	s24 =	sld [smem:$0x3FFE];
	[sflag:s23] =	ssyncadd.s32 $0xFFFFFFFF  }
0xa5: {  	s26 =	simm.s32 $execute0_lowered;
	[smem:$0x3FD2] =	sst s25  }
0xa6: {  	s5 =	sshll.u32 s26, $0x1;
	_ =	strace $0x80000046;
	[dreg:$0x1] =	wrdreg $0xFFFFFFFF  }
0xa7: {  	s28 =	simm.s32 $_size_execute0_lowered;
	s3 =	sadd.s32 s3, s5;
	[dreg:$0x0] =	wrdreg $0x0  }
0xa8: {  	s5 =	sshll.u32 s28, $0x1;
	[dreg:$0x2] =	wrdreg s3  }
0xa9: {  	[dreg:$0x3] =	wrdreg s5  }
0xaa: {  	[dreg:$0x4] =	wrdreg $0xC0  }
0xab: {  	_ =	task [dreg:s7], $0x5FFFF  }
0xac: {  	[dreg:$0x1] =	wrdreg $0xFFFFFFFF  }
0xad: {  	[dreg:$0x0] =	wrdreg $0x60  }
0xae: {  	[dreg:$0x2] =	wrdreg s2  }
0xaf: {  	[dreg:$0x3] =	wrdreg s24  }
0xb0: {  	[dreg:$0x4] =	wrdreg $0x9  }
0xb1: {  	_ =	task.clear_ibuf [dreg:s7], $0x5FFFF;
	_ =	strace $0x90000046  }
0xb2: {  	s29 =	simm.s32 $0x9;
	_ =	strace $0x80000048  }
0xb3: {  	_ =	swait.ge [sflag:s29], $0x1  }
0xb4: {  	[sflag:s29] =	ssyncadd.s32 $0xFFFFFFFF  }
0xb5: {  	_ =	strace $0x90000048  }
0xb6: {  	_ =	sfence  }
0xb7: {  	s30 =	sld [smem:$0x0];
	_ =	sdelay $0x2  }
0xb8: {  	s31 =	sshll.u32 s1, $0xD;
	s1 =	sshrl.u32 s1, $0x2  }
0xb9: {  	s3 =	sand.u32 $0x4000, s31;
	s1 =	sadd.s32 s1, s30  }
0xba: {  	s0 =	sor.u32 s3, s0;
	s1 =	sshll.u32 s1, $0x11  }
0xbb: {  	s0 =	sor.u32 s1, s0  }
0xbc: {  	s0 =	sadd.s32 $0x8F2B, s0  }
0xbd: {  	[sflag:s0] =	ssyncadd.remote.s32 $0x1  }
0xbe: {  	_ =	sfence.sel $0xFFFF  }
0xbf: {  	[dreg:$0x0] =	wrdreg $0xFFFFFFFF;
	(pc) =	sbr.abs _section_cstart, $3  }
0xc0: {  	[dreg:$0x1] =	wrdreg $0xFFFFFFFF  }
0xc1: {  	_ =	task.clear_ibuf [dreg:s7], $0x2FFFF;
	_ =	strace $0x9FFFFFFF  }
0xc2: {  	(tm) =	ssettm $0x7FFFFFFF  }
0xc3: {  	_ =	shalt  }
tec
execute0_lowered:
.L_overlay_start_1:
0x0: {  	(tag) =	ssettag $0x1  }
0x1: {  	s4 =	rddreg [dreg:$0x0]  }
0x2: {  	s5 =	rddreg [dreg:$0x1]  }
0x3: {  	s0 =	rddreg [dreg:$0x2]  }
0x4: {  	s3 =	srdreg.scid;
	s2 =	simm.s32 $0x0;
	s1 =	stileid.u32  }
0x5: {  	s9 =	simm.s32 $0x200;
	s10 =	simm.s32 $0x400;
	s11 =	simm.s32 $0x280  }
0x6: {  	s12 =	simm.s32 $0x4400;
	s13 =	simm.s32 $0x300;
	s14 =	simm.s32 $0x8400  }
0x7: {  	s15 =	simm.s32 $0x380;
	s16 =	simm.s32 $0xC400;
	s17 =	simm.s32 $0x1  }
0x8: {  	s6 =	sand.u32 $0x1, s3;
	[smem:$0x7FF] =	sst s2;
	s30 =	sshll.u32 s1, $0xA  }
0x9: {  	s3 =	sadd.s32 $0x1C00, s5;
	s7 =	sshll.u32 s6, $0x9;
	s6 =	ssub.s32 $0x2, s6  }
0xa: {  	_ =	strace $0x80000047;
	s7 =	sor.u32 s7, s30;
	s31 =	sshrl.u32 s6, $0x1  }
0xb: {  	s8 =	sshll.u32 s7, $0x4;
	s7 =	sshrl.u32 s7, $0x3;
	s6 =	ssub.s32 s6, s31  }
0xc: {  	s5 =	sadd.s32 s8, s5;
	s4 =	sadd.s32 s4, s7;
	s6 =	smax.u32 s6, $0x1  }
0xd: {  	s7 =	simm.s32 $0x2;
	s8 =	simm.s32 $0x80;
	s5 =	sadd.s32 $0x3D2400, s5  }
.LBB2_1:
0xe: {  	[tilespmem:s2], [sflag:$0x2] =	stream.linear.gather [hbm4b:s4+s2], $0x200, $0x38;
	[tilespmem:$0x10400] =	vst v63  }
0xf: {  	_ =	swait.ge [sflag:s7], $0x200  }
0x10: {  	[sflag:s7] =	ssyncset.done $0x0  }
0x11: {  	[sflag:s7] =	ssyncadd.s32 $0xFFFFFE00  }
0x12: {  	v0 =	vld [tilespmem:$0x0]  }
0x13: {  	v1 =	vld [tilespmem:$0x10]  }
0x14: {  	v3 =	vld [tilespmem:$0x20]  }
0x15: {  	v4 =	vld [tilespmem:$0x30]  }
0x16: {  	v5 =	vld [tilespmem:$0x40]  }
0x17: {  	v6 =	vld [tilespmem:$0x50]  }
0x18: {  	v7 =	vld [tilespmem:$0x60]  }
0x19: {  	v8 =	vld [tilespmem:$0x70]  }
0x1a: {  	v9 =	vld [tilespmem:$0x80]  }
0x1b: {  	vm0 =	vgt.s32 v0, $0x3D07F;
	v2 =	vadd.s32 $0xFFFC2F80, v0  }
0x1c: {  	vm9 =	vgt.s32 v1, $0x3D07F;
	v10 =	vadd.s32 $0xFFFC2F80, v1;
	vm4 =	vgt.s32 v3, $0x3D07F  }
0x1d: {  	v17 =	vadd.s32 $0xFFFC2F80, v3;
	vm5 =	vgt.s32 v4, $0x3D07F;
	v18 =	vadd.s32 $0xFFFC2F80, v4  }
0x1e: {  	v25 =	vadd.s32 $0xFFFC2F80, v5;
	v26 =	vadd.s32 $0xFFFC2F80, v6;
	v33 =	vadd.s32 $0xFFFC2F80, v7  }
0x1f: {  	v34 =	vadd.s32 $0xFFFC2F80, v8;
	v41 =	vadd.s32 $0xFFFC2F80, v9;
	v0 =	vsel vm0, v2, v0  }
0x20: {  	v1 =	vsel vm9, v10, v1;
	vm10 =	vgt.s32 v0, $0x3D07F;
	v11 =	vadd.s32 $0xFFFC2F80, v0  }
0x21: {  	v10 =	vld [tilespmem:$0x90];
	vm11 =	vgt.s32 v1, $0x3D07F;
	v12 =	vadd.s32 $0xFFFC2F80, v1;
	v0 =	vsel vm10, v11, v0  }
0x22: {  	v1 =	vsel vm11, v12, v1;
	vm12 =	vgt.s32 v0, $0x3D07F;
	v13 =	vadd.s32 $0xFFFC2F80, v0  }
0x23: {  	vm13 =	vgt.s32 v1, $0x3D07F;
	v14 =	vadd.s32 $0xFFFC2F80, v1;
	v0 =	vsel vm12, v13, v0  }
0x24: {  	v11 =	vld [tilespmem:$0xA0];
	v2 =	vsel vm13, v14, v1;
	vm12 =	vgt.s32 v5, $0x3D07F;
	vm13 =	vgt.s32 v6, $0x3D07F  }
0x25: {  	v12 =	vld [tilespmem:$0xB0];
	vm14 =	vgt.s32 v0, $0x3D07F;
	v15 =	vadd.s32 $0xFFFC2F80, v0;
	vm15 =	vgt.s32 v2, $0x3D07F  }
0x26: {  	v13 =	vld [tilespmem:$0xC0];
	v16 =	vadd.s32 $0xFFFC2F80, v2;
	v42 =	vadd.s32 $0xFFFC2F80, v10;
	v1 =	vsel vm14, v15, v0  }
0x27: {  	v14 =	vld [tilespmem:$0xD0];
	v0 =	vsel vm15, v16, v2;
	v2 =	vsel vm4, v17, v3;
	v3 =	vsel vm5, v18, v4  }
0x28: {  	vm6 =	vgt.s32 v2, $0x3D07F;
	v19 =	vadd.s32 $0xFFFC2F80, v2;
	vm7 =	vgt.s32 v3, $0x3D07F  }
0x29: {  	v15 =	vld [tilespmem:$0xE0];
	v20 =	vadd.s32 $0xFFFC2F80, v3;
	v49 =	vadd.s32 $0xFFFC2F80, v11;
	v2 =	vsel vm6, v19, v2  }
0x2a: {  	v16 =	vld [tilespmem:$0xF0];
	v50 =	vadd.s32 $0xFFFC2F80, v12;
	v3 =	vsel vm7, v20, v3;
	vm8 =	vgt.s32 v2, $0x3D07F  }
0x2b: {  	v21 =	vadd.s32 $0xFFFC2F80, v2;
	vm9 =	vgt.s32 v3, $0x3D07F;
	v22 =	vadd.s32 $0xFFFC2F80, v3  }
0x2c: {  	v57 =	vadd.s32 $0xFFFC2F80, v13;
	v58 =	vadd.s32 $0xFFFC2F80, v14;
	v2 =	vsel vm8, v21, v2  }
0x2d: {  	v4 =	vsel vm9, v22, v3;
	vm8 =	vgt.s32 v7, $0x3D07F;
	vm9 =	vgt.s32 v8, $0x3D07F  }
0x2e: {  	vm10 =	vgt.s32 v2, $0x3D07F;
	v23 =	vadd.s32 $0xFFFC2F80, v2;
	vm11 =	vgt.s32 v4, $0x3D07F  }
0x2f: {  	v24 =	vadd.s32 $0xFFFC2F80, v4;
	v18 =	vadd.s32 $0xFFFC2F80, v15;
	v19 =	vadd.s32 $0xFFFC2F80, v16  }
0x30: {  	v3 =	vsel vm10, v23, v2;
	v2 =	vsel vm11, v24, v4;
	v4 =	vsel vm12, v25, v5  }
0x31: {  	v5 =	vsel vm13, v26, v6;
	vm14 =	vgt.s32 v4, $0x3D07F;
	v27 =	vadd.s32 $0xFFFC2F80, v4  }
0x32: {  	vm15 =	vgt.s32 v5, $0x3D07F;
	v28 =	vadd.s32 $0xFFFC2F80, v5;
	v4 =	vsel vm14, v27, v4  }
0x33: {  	v5 =	vsel vm15, v28, v5;
	vm4 =	vgt.s32 v4, $0x3D07F;
	v29 =	vadd.s32 $0xFFFC2F80, v4  }
0x34: {  	vm5 =	vgt.s32 v5, $0x3D07F;
	v30 =	vadd.s32 $0xFFFC2F80, v5;
	v4 =	vsel vm4, v29, v4  }
0x35: {  	v6 =	vsel vm5, v30, v5;
	vm4 =	vgt.s32 v9, $0x3D07F;
	vm6 =	vgt.s32 v4, $0x3D07F  }
0x36: {  	v31 =	vadd.s32 $0xFFFC2F80, v4;
	vm7 =	vgt.s32 v6, $0x3D07F;
	v32 =	vadd.s32 $0xFFFC2F80, v6  }
0x37: {  	v5 =	vsel vm6, v31, v4;
	v4 =	vsel vm7, v32, v6;
	v6 =	vsel vm8, v33, v7  }
0x38: {  	v7 =	vsel vm9, v34, v8;
	vm10 =	vgt.s32 v6, $0x3D07F;
	v35 =	vadd.s32 $0xFFFC2F80, v6  }
0x39: {  	vm11 =	vgt.s32 v7, $0x3D07F;
	v36 =	vadd.s32 $0xFFFC2F80, v7;
	v6 =	vsel vm10, v35, v6  }
0x3a: {  	v7 =	vsel vm11, v36, v7;
	vm12 =	vgt.s32 v6, $0x3D07F;
	v37 =	vadd.s32 $0xFFFC2F80, v6  }
0x3b: {  	vm13 =	vgt.s32 v7, $0x3D07F;
	v38 =	vadd.s32 $0xFFFC2F80, v7;
	v6 =	vsel vm12, v37, v6  }
0x3c: {  	vm5 =	vgt.s32 v10, $0x3D07F;
	v8 =	vsel vm13, v38, v7;
	vm14 =	vgt.s32 v6, $0x3D07F  }
0x3d: {  	v39 =	vadd.s32 $0xFFFC2F80, v6;
	vm15 =	vgt.s32 v8, $0x3D07F;
	v40 =	vadd.s32 $0xFFFC2F80, v8  }
0x3e: {  	v7 =	vsel vm14, v39, v6;
	v6 =	vsel vm15, v40, v8;
	v8 =	vsel vm4, v41, v9  }
0x3f: {  	v9 =	vsel vm5, v42, v10;
	vm6 =	vgt.s32 v8, $0x3D07F;
	v43 =	vadd.s32 $0xFFFC2F80, v8  }
0x40: {  	vm7 =	vgt.s32 v9, $0x3D07F;
	v44 =	vadd.s32 $0xFFFC2F80, v9;
	v8 =	vsel vm6, v43, v8  }
0x41: {  	vm12 =	vgt.s32 v11, $0x3D07F;
	v9 =	vsel vm7, v44, v9;
	vm8 =	vgt.s32 v8, $0x3D07F  }
0x42: {  	v45 =	vadd.s32 $0xFFFC2F80, v8;
	vm9 =	vgt.s32 v9, $0x3D07F;
	v46 =	vadd.s32 $0xFFFC2F80, v9  }
0x43: {  	vm13 =	vgt.s32 v12, $0x3D07F;
	v8 =	vsel vm8, v45, v8;
	v10 =	vsel vm9, v46, v9  }
0x44: {  	vm8 =	vgt.s32 v13, $0x3D07F;
	vm9 =	vgt.s32 v14, $0x3D07F;
	vm10 =	vgt.s32 v8, $0x3D07F  }
0x45: {  	v47 =	vadd.s32 $0xFFFC2F80, v8;
	vm11 =	vgt.s32 v10, $0x3D07F;
	v48 =	vadd.s32 $0xFFFC2F80, v10  }
0x46: {  	v9 =	vsel vm10, v47, v8;
	v8 =	vsel vm11, v48, v10;
	v10 =	vsel vm12, v49, v11  }
0x47: {  	v11 =	vsel vm13, v50, v12;
	vm14 =	vgt.s32 v10, $0x3D07F;
	v51 =	vadd.s32 $0xFFFC2F80, v10  }
0x48: {  	vm15 =	vgt.s32 v11, $0x3D07F;
	v52 =	vadd.s32 $0xFFFC2F80, v11;
	v10 =	vsel vm14, v51, v10  }
0x49: {  	v11 =	vsel vm15, v52, v11;
	vm4 =	vgt.s32 v10, $0x3D07F;
	v53 =	vadd.s32 $0xFFFC2F80, v10  }
0x4a: {  	vm5 =	vgt.s32 v11, $0x3D07F;
	v54 =	vadd.s32 $0xFFFC2F80, v11;
	v10 =	vsel vm4, v53, v10  }
0x4b: {  	v12 =	vsel vm5, v54, v11;
	vm4 =	vgt.s32 v15, $0x3D07F;
	vm6 =	vgt.s32 v10, $0x3D07F  }
0x4c: {  	v55 =	vadd.s32 $0xFFFC2F80, v10;
	vm7 =	vgt.s32 v12, $0x3D07F;
	v56 =	vadd.s32 $0xFFFC2F80, v12  }
0x4d: {  	v11 =	vsel vm6, v55, v10;
	v10 =	vsel vm7, v56, v12;
	v12 =	vsel vm8, v57, v13  }
0x4e: {  	v13 =	vsel vm9, v58, v14;
	vm10 =	vgt.s32 v12, $0x3D07F;
	v59 =	vadd.s32 $0xFFFC2F80, v12  }
0x4f: {  	vm11 =	vgt.s32 v13, $0x3D07F;
	v60 =	vadd.s32 $0xFFFC2F80, v13;
	v12 =	vsel vm10, v59, v12  }
0x50: {  	v13 =	vsel vm11, v60, v13;
	vm12 =	vgt.s32 v12, $0x3D07F;
	v61 =	vadd.s32 $0xFFFC2F80, v12  }
0x51: {  	vm13 =	vgt.s32 v13, $0x3D07F;
	v62 =	vadd.s32 $0xFFFC2F80, v13;
	v12 =	vsel vm12, v61, v12  }
0x52: {  	vm5 =	vgt.s32 v16, $0x3D07F;
	v14 =	vsel vm13, v62, v13;
	vm14 =	vgt.s32 v12, $0x3D07F  }
0x53: {  	v63 =	vadd.s32 $0xFFFC2F80, v12;
	vm15 =	vgt.s32 v14, $0x3D07F;
	v17 =	vadd.s32 $0xFFFC2F80, v14  }
0x54: {  	v13 =	vsel vm14, v63, v12;
	v12 =	vsel vm15, v17, v14;
	v14 =	vsel vm4, v18, v15  }
0x55: {  	v15 =	vsel vm5, v19, v16;
	v17 =	vld [tilespmem:$0x100];
	vm6 =	vgt.s32 v14, $0x3D07F;
	v20 =	vadd.s32 $0xFFFC2F80, v14  }
0x56: {  	v18 =	vld [tilespmem:$0x110];
	vm7 =	vgt.s32 v15, $0x3D07F;
	v21 =	vadd.s32 $0xFFFC2F80, v15;
	v14 =	vsel vm6, v20, v14  }
0x57: {  	v19 =	vld [tilespmem:$0x120];
	v15 =	vsel vm7, v21, v15;
	vm8 =	vgt.s32 v14, $0x3D07F;
	v22 =	vadd.s32 $0xFFFC2F80, v14  }
0x58: {  	vm9 =	vgt.s32 v15, $0x3D07F;
	v23 =	vadd.s32 $0xFFFC2F80, v15;
	v14 =	vsel vm8, v22, v14  }
0x59: {  	v16 =	vsel vm9, v23, v15;
	vm10 =	vgt.s32 v14, $0x3D07F;
	v24 =	vadd.s32 $0xFFFC2F80, v14  }
0x5a: {  	v20 =	vld [tilespmem:$0x130];
	vm11 =	vgt.s32 v16, $0x3D07F;
	v25 =	vadd.s32 $0xFFFC2F80, v16;
	vm12 =	vgt.s32 v17, $0x3D07F  }
0x5b: {  	v21 =	vld [tilespmem:$0x140];
	v26 =	vadd.s32 $0xFFFC2F80, v17;
	vm13 =	vgt.s32 v18, $0x3D07F;
	v27 =	vadd.s32 $0xFFFC2F80, v18  }
0x5c: {  	v22 =	vld [tilespmem:$0x150];
	vm8 =	vgt.s32 v19, $0x3D07F;
	v34 =	vadd.s32 $0xFFFC2F80, v19;
	v15 =	vsel vm10, v24, v14  }
0x5d: {  	v23 =	vld [tilespmem:$0x160];
	v14 =	vsel vm11, v25, v16;
	v16 =	vsel vm12, v26, v17;
	v17 =	vsel vm13, v27, v18  }
0x5e: {  	vm14 =	vgt.s32 v16, $0x3D07F;
	v28 =	vadd.s32 $0xFFFC2F80, v16;
	vm15 =	vgt.s32 v17, $0x3D07F  }
0x5f: {  	v24 =	vld [tilespmem:$0x170];
	v29 =	vadd.s32 $0xFFFC2F80, v17;
	vm9 =	vgt.s32 v20, $0x3D07F;
	v35 =	vadd.s32 $0xFFFC2F80, v20  }
0x60: {  	v25 =	vld [tilespmem:$0x180];
	v42 =	vadd.s32 $0xFFFC2F80, v21;
	v16 =	vsel vm14, v28, v16;
	v17 =	vsel vm15, v29, v17  }
0x61: {  	v26 =	vld [tilespmem:$0x190];
	vm4 =	vgt.s32 v16, $0x3D07F;
	v30 =	vadd.s32 $0xFFFC2F80, v16;
	vm5 =	vgt.s32 v17, $0x3D07F  }
0x62: {  	v31 =	vadd.s32 $0xFFFC2F80, v17;
	v43 =	vadd.s32 $0xFFFC2F80, v22;
	v50 =	vadd.s32 $0xFFFC2F80, v23  }
0x63: {  	v16 =	vsel vm4, v30, v16;
	v18 =	vsel vm5, v31, v17;
	vm4 =	vgt.s32 v21, $0x3D07F  }
0x64: {  	v28 =	vld [tilespmem:$0x1A0];
	vm5 =	vgt.s32 v22, $0x3D07F;
	vm6 =	vgt.s32 v16, $0x3D07F;
	v32 =	vadd.s32 $0xFFFC2F80, v16  }
0x65: {  	vm7 =	vgt.s32 v18, $0x3D07F;
	v33 =	vadd.s32 $0xFFFC2F80, v18;
	v51 =	vadd.s32 $0xFFFC2F80, v24  }
0x66: {  	v30 =	vld [tilespmem:$0x1B0];
	v58 =	vadd.s32 $0xFFFC2F80, v25;
	v59 =	vadd.s32 $0xFFFC2F80, v26;
	v17 =	vsel vm6, v32, v16  }
0x67: {  	v16 =	vsel vm7, v33, v18;
	v18 =	vsel vm8, v34, v19;
	v19 =	vsel vm9, v35, v20  }
0x68: {  	vm10 =	vgt.s32 v18, $0x3D07F;
	v36 =	vadd.s32 $0xFFFC2F80, v18;
	vm11 =	vgt.s32 v19, $0x3D07F  }
0x69: {  	v37 =	vadd.s32 $0xFFFC2F80, v19;
	v34 =	vadd.s32 $0xFFFC2F80, v28;
	v18 =	vsel vm10, v36, v18  }
0x6a: {  	v19 =	vsel vm11, v37, v19;
	vm12 =	vgt.s32 v18, $0x3D07F;
	v38 =	vadd.s32 $0xFFFC2F80, v18  }
0x6b: {  	vm13 =	vgt.s32 v19, $0x3D07F;
	v39 =	vadd.s32 $0xFFFC2F80, v19;
	v35 =	vadd.s32 $0xFFFC2F80, v30  }
0x6c: {  	v18 =	vsel vm12, v38, v18;
	v20 =	vsel vm13, v39, v19;
	vm12 =	vgt.s32 v23, $0x3D07F  }
0x6d: {  	vm13 =	vgt.s32 v24, $0x3D07F;
	vm14 =	vgt.s32 v18, $0x3D07F;
	v40 =	vadd.s32 $0xFFFC2F80, v18  }
0x6e: {  	vm15 =	vgt.s32 v20, $0x3D07F;
	v41 =	vadd.s32 $0xFFFC2F80, v20;
	v19 =	vsel vm14, v40, v18  }
0x6f: {  	v18 =	vsel vm15, v41, v20;
	v20 =	vsel vm4, v42, v21;
	v21 =	vsel vm5, v43, v22  }
0x70: {  	v22 =	vsel vm12, v50, v23;
	v23 =	vsel vm13, v51, v24;
	vm6 =	vgt.s32 v20, $0x3D07F  }
0x71: {  	v44 =	vadd.s32 $0xFFFC2F80, v20;
	vm7 =	vgt.s32 v21, $0x3D07F;
	v45 =	vadd.s32 $0xFFFC2F80, v21  }
0x72: {  	v38 =	vld [tilespmem:$0x1C0];
	vm14 =	vgt.s32 v22, $0x3D07F;
	v52 =	vadd.s32 $0xFFFC2F80, v22;
	vm15 =	vgt.s32 v23, $0x3D07F  }
0x73: {  	v53 =	vadd.s32 $0xFFFC2F80, v23;
	v20 =	vsel vm6, v44, v20;
	v21 =	vsel vm7, v45, v21  }
0x74: {  	v22 =	vsel vm14, v52, v22;
	v23 =	vsel vm15, v53, v23;
	vm8 =	vgt.s32 v20, $0x3D07F  }
0x75: {  	v46 =	vadd.s32 $0xFFFC2F80, v20;
	vm9 =	vgt.s32 v21, $0x3D07F;
	v47 =	vadd.s32 $0xFFFC2F80, v21  }
0x76: {  	vm4 =	vgt.s32 v22, $0x3D07F;
	v54 =	vadd.s32 $0xFFFC2F80, v22;
	vm5 =	vgt.s32 v23, $0x3D07F  }
0x77: {  	v55 =	vadd.s32 $0xFFFC2F80, v23;
	v44 =	vadd.s32 $0xFFFC2F80, v38;
	v20 =	vsel vm8, v46, v20  }
0x78: {  	v40 =	vld [tilespmem:$0x1D0];
	v21 =	vsel vm9, v47, v21;
	v22 =	vsel vm4, v54, v22;
	v23 =	vsel vm5, v55, v23  }
0x79: {  	v50 =	vld [tilespmem:$0x1F0];
	vm8 =	vgt.s32 v25, $0x3D07F;
	vm9 =	vgt.s32 v26, $0x3D07F;
	vm4 =	vgt.s32 v28, $0x3D07F  }
0x7a: {  	vm5 =	vgt.s32 v30, $0x3D07F;
	vm10 =	vgt.s32 v20, $0x3D07F;
	v48 =	vadd.s32 $0xFFFC2F80, v20  }
0x7b: {  	vm11 =	vgt.s32 v21, $0x3D07F;
	v49 =	vadd.s32 $0xFFFC2F80, v21;
	vm6 =	vgt.s32 v22, $0x3D07F  }
0x7c: {  	v56 =	vadd.s32 $0xFFFC2F80, v22;
	vm7 =	vgt.s32 v23, $0x3D07F;
	v57 =	vadd.s32 $0xFFFC2F80, v23  }
0x7d: {  	[tilespmem:$0x230] =	vst v2;
	v24 =	vsel vm8, v58, v25;
	v60 =	vsel vm9, v59, v26;
	v2 =	vsel vm4, v34, v28  }
0x7e: {  	[tilespmem:$0x220] =	vst v3;
	v3 =	vsel vm5, v35, v30;
	v45 =	vadd.s32 $0xFFFC2F80, v40;
	v55 =	vadd.s32 $0xFFFC2F80, v50  }
0x7f: {  	[tilespmem:$0x200] =	vst v1;
	v20 =	vsel vm10, v48, v20;
	v21 =	vsel vm11, v49, v21;
	v22 =	vsel vm6, v56, v22  }
0x80: {  	[tilespmem:$0x210] =	vst v0;
	v23 =	vsel vm7, v57, v23;
	vm10 =	vgt.s32 v24, $0x3D07F;
	v61 =	vadd.s32 $0xFFFC2F80, v24  }
0x81: {  	[tilespmem:$0x240] =	vst v5;
	vm11 =	vgt.s32 v60, $0x3D07F;
	v63 =	vadd.s32 $0xFFFC2F80, v60;
	vm6 =	vgt.s32 v2, $0x3D07F  }
0x82: {  	[tilespmem:$0x250] =	vst v4;
	v36 =	vadd.s32 $0xFFFC2F80, v2;
	vm7 =	vgt.s32 v3, $0x3D07F;
	v37 =	vadd.s32 $0xFFFC2F80, v3  }
0x83: {  	[tilespmem:$0x260] =	vst v7;
	v62 =	vsel vm10, v61, v24;
	v1 =	vsel vm11, v63, v60;
	v2 =	vsel vm6, v36, v2  }
0x84: {  	[tilespmem:$0x270] =	vst v6;
	v3 =	vsel vm7, v37, v3;
	vm12 =	vgt.s32 v62, $0x3D07F;
	v29 =	vadd.s32 $0xFFFC2F80, v62  }
0x85: {  	[tilespmem:$0x280] =	vst v9;
	vm13 =	vgt.s32 v1, $0x3D07F;
	v31 =	vadd.s32 $0xFFFC2F80, v1;
	vm8 =	vgt.s32 v2, $0x3D07F  }
0x86: {  	[tilespmem:$0x290] =	vst v8;
	v39 =	vadd.s32 $0xFFFC2F80, v2;
	vm9 =	vgt.s32 v3, $0x3D07F;
	v41 =	vadd.s32 $0xFFFC2F80, v3  }
0x87: {  	[tilespmem:$0x2A0] =	vst v11;
	v0 =	vsel vm12, v29, v62;
	v1 =	vsel vm13, v31, v1;
	v2 =	vsel vm8, v39, v2  }
0x88: {  	[tilespmem:$0x2B0] =	vst v10;
	v3 =	vsel vm9, v41, v3;
	vm12 =	vgt.s32 v38, $0x3D07F;
	vm13 =	vgt.s32 v40, $0x3D07F  }
0x89: {  	[tilespmem:$0x2C0] =	vst v13;
	vm9 =	vgt.s32 v50, $0x3D07F;
	vm14 =	vgt.s32 v0, $0x3D07F;
	v32 =	vadd.s32 $0xFFFC2F80, v0  }
0x8a: {  	[tilespmem:$0x2D0] =	vst v12;
	v48 =	vld [tilespmem:$0x1E0];
	vm15 =	vgt.s32 v1, $0x3D07F;
	v33 =	vadd.s32 $0xFFFC2F80, v1;
	vm10 =	vgt.s32 v2, $0x3D07F  }
0x8b: {  	[tilespmem:$0x2E0] =	vst v15;
	v42 =	vadd.s32 $0xFFFC2F80, v2;
	vm11 =	vgt.s32 v3, $0x3D07F;
	v43 =	vadd.s32 $0xFFFC2F80, v3  }
0x8c: {  	[tilespmem:$0x2F0] =	vst v14;
	v4 =	vsel vm12, v44, v38;
	v5 =	vsel vm13, v45, v40;
	v56 =	vsel vm9, v55, v50  }
0x8d: {  	[tilespmem:$0x300] =	vst v17;
	v0 =	vsel vm14, v32, v0;
	v1 =	vsel vm15, v33, v1;
	v2 =	vsel vm10, v42, v2  }
0x8e: {  	[tilespmem:$0x310] =	vst v16;
	v3 =	vsel vm11, v43, v3;
	vm14 =	vgt.s32 v4, $0x3D07F;
	v46 =	vadd.s32 $0xFFFC2F80, v4  }
0x8f: {  	[tilespmem:$0x320] =	vst v19;
	vm15 =	vgt.s32 v5, $0x3D07F;
	v47 =	vadd.s32 $0xFFFC2F80, v5;
	vm8 =	vgt.s32 v48, $0x3D07F  }
0x90: {  	[tilespmem:$0x330] =	vst v18;
	v54 =	vadd.s32 $0xFFFC2F80, v48;
	vm11 =	vgt.s32 v56, $0x3D07F;
	v59 =	vadd.s32 $0xFFFC2F80, v56  }
0x91: {  	[tilespmem:$0x340] =	vst v20;
	v4 =	vsel vm14, v46, v4;
	v5 =	vsel vm15, v47, v5;
	v6 =	vsel vm8, v54, v48  }
0x92: {  	[tilespmem:$0x380] =	vst v0;
	v0 =	vsel vm11, v59, v56;
	vm4 =	vgt.s32 v4, $0x3D07F;
	v49 =	vadd.s32 $0xFFFC2F80, v4  }
0x93: {  	[tilespmem:$0x350] =	vst v21;
	vm5 =	vgt.s32 v5, $0x3D07F;
	v51 =	vadd.s32 $0xFFFC2F80, v5;
	vm10 =	vgt.s32 v6, $0x3D07F  }
0x94: {  	[tilespmem:$0x360] =	vst v22;
	v57 =	vadd.s32 $0xFFFC2F80, v6;
	vm13 =	vgt.s32 v0, $0x3D07F;
	v61 =	vadd.s32 $0xFFFC2F80, v0  }
0x95: {  	[tilespmem:$0x370] =	vst v23;
	v4 =	vsel vm4, v49, v4;
	v5 =	vsel vm5, v51, v5;
	v58 =	vsel vm10, v57, v6  }
0x96: {  	[tilespmem:$0x390] =	vst v1;
	v0 =	vsel vm13, v61, v0;
	vm6 =	vgt.s32 v4, $0x3D07F;
	v52 =	vadd.s32 $0xFFFC2F80, v4  }
0x97: {  	[tilespmem:$0x3A0] =	vst v2;
	vm7 =	vgt.s32 v5, $0x3D07F;
	v53 =	vadd.s32 $0xFFFC2F80, v5;
	vm12 =	vgt.s32 v58, $0x3D07F  }
0x98: {  	[tilespmem:$0x3B0] =	vst v3;
	v60 =	vadd.s32 $0xFFFC2F80, v58;
	vm15 =	vgt.s32 v0, $0x3D07F;
	v4 =	vsel vm6, v52, v4  }
0x99: {  	v63 =	vadd.s32 $0xFFFC2F80, v0;
	v5 =	vsel vm7, v53, v5;
	v1 =	vsel vm12, v60, v58;
	[tilespmem:$0x3C0] =	vst v4  }
0x9a: {  	v0 =	vsel vm15, v63, v0;
	vm14 =	vgt.s32 v1, $0x3D07F;
	v62 =	vadd.s32 $0xFFFC2F80, v1;
	[tilespmem:$0x3D0] =	vst v5  }
0x9b: {  	[tilespmem:$0x3F0] =	vst v0;
	v1 =	vsel vm14, v62, v1  }
0x9c: {  	[tilespmem:$0x3E0] =	vst v1  }
0x9d: {  	[tilespmem:s10], [sflag:$0x1] =	stream.indirect.gather [hbm4b:s3+s8], $0x80, s9, s8, $0xb8;
	[tilespmem:$0x10400] =	vst v63  }
0x9e: {  	_ = 	snop  }
0x9f: {  	[tilespmem:s12], [sflag:$0x1] =	stream.indirect.gather [hbm4b:s3+s8], $0x80, s11, s8, $0xb8;
	[tilespmem:$0x10400] =	vst v63  }
0xa0: {  	_ = 	snop  }
0xa1: {  	[tilespmem:s14], [sflag:$0x1] =	stream.indirect.gather [hbm4b:s3+s8], $0x80, s13, s8, $0xb8;
	[tilespmem:$0x10400] =	vst v63  }
0xa2: {  	_ = 	snop  }
0xa3: {  	[tilespmem:s16], [sflag:$0x1] =	stream.indirect.gather [hbm4b:s3+s8], $0x80, s15, s8, $0xb8;
	[tilespmem:$0x10400] =	vst v63  }
0xa4: {  	_ =	swait.ge [sflag:s17], $0x4000  }
0xa5: {  	[sflag:s17] =	ssyncset.done $0x0  }
0xa6: {  	[sflag:s17] =	ssyncadd.s32 $0xFFFFC000  }
0xa7: {  	_ =	swait.ge [sflag:s17], $0x4000  }
0xa8: {  	[sflag:s17] =	ssyncset.done $0x0  }
0xa9: {  	[sflag:s17] =	ssyncadd.s32 $0xFFFFC000  }
0xaa: {  	_ =	swait.ge [sflag:s17], $0x4000  }
0xab: {  	[sflag:s17] =	ssyncset.done $0x0  }
0xac: {  	[sflag:s17] =	ssyncadd.s32 $0xFFFFC000  }
0xad: {  	_ =	swait.ge [sflag:s17], $0x4000  }
0xae: {  	p0 =	sne.s32 s6, $0x1;
	[sflag:s17] =	ssyncset.done $0x0  }
.Ltmp0:
0xaf: {  	[sflag:s17] =	ssyncadd.s32 $0xFFFFC000;
	(pc) =	sbr.rel @p0 .LBB2_1-.Ltmp0, $4  }
0xb0: {  	[hbm4b:s5+s2] =	stream.linear.scatter [tilespmem:s10], [sflag:$0x2], $0x10000, $0x38;
	[tilespmem:$0x10400] =	vst v63  }
0xb1: {  	_ =	swait.ge [sflag:s7], $0x10000  }
0xb2: {  	[sflag:s7] =	ssyncset.done $0x0  }
0xb3: {  	s6 =	sadd.s32 $0xFFFFFFFF, s6;
	[sflag:s7] =	ssyncadd.s32 $0xFFFF0000  }
0xb4: {  	_ =	sfence.sel $0x180000  }
0xb5: {  	[bflag:$0x0] =	sbarrier.arrive $0xFFFF  }
0xb6: {  	p0 =	sne.s32 s1, $0x0;
	_ =	strace $0x90000047  }
0xb7: {  	s0 =	sadd.s32 @!p0 $0x100000, s0;
	[bflag:$0x2] =	sbarrier.arrive $0xFFFF  }
0xb8: {  	[sflag:s0] =	ssyncadd.tile.s32 @!p0 $0x1;
	_ =	shalt  }
.Lfunc_end2:
_tile_overlayer_lowered:
.L_overlay_start_2:
0xb9: {  	(tag) =	ssettag $0x2  }
0xba: {  	s0 =	rddreg [dreg:$0x0];
	s2 =	stileid.u32  }
0xbb: {  	s1 =	rddreg [dreg:$0x1];
	p0 =	sne.s32 s2, $0x0  }
0xbc: {  	s3 =	rddreg [dreg:$0x2];
	[bflag:$0x3] =	sbarrier.arrive $0xFFFF;
	s2 =	simm.s32 @!p0 $0x1C02  }
0xbd: {  	[timem:s3], [sflag:s2] =	dma.local @!p0 [hbm:s0], s1  }
0xbe: {  	s0 =	simm.s32 @!p0 $0x2  }
0xbf: {  	_ =	swait.ge @!p0 [sflag:s0], s1  }
0xc0: {  	s1 =	ssub.s32 @!p0 $0x0, s1;
	[sflag:s0] =	ssyncset.done @!p0 $0x0  }
0xc1: {  	[sflag:s0] =	ssyncadd.s32 @!p0 s1  }
0xc2: {  	[bflag:$0x3] =	sbarrier.arrive $0xFFFF  }
0xc3: {  	_ =	shalt  }

</sc_bundles>
